<compile_context>
chip_gen: v7x
topology: tpu7x:2x2x1
jax: 0.10.2.dev20260603
libtpu: 0.0.44.dev20260713+nightly
codegen_flags: <defaults>
</compile_context>

<pallas_src>
import functools

import jax
import jax.numpy as jnp
from jax import lax
from jax.experimental import pallas as pl
from jax.experimental.pallas import tpu as pltpu
from jax.experimental.pallas import tpu_sc as plsc

NC = 2
NS = 16
L = 16


@functools.lru_cache(maxsize=None)
def _build_matmul(n, d_in, d_out):
    dh = d_out // NC
    rb = n
    for cand in (1000, 500, 250, 125, 100, 50, 25, 20, 10, 8, 5, 4, 2, 1):
        if n % cand == 0 and cand <= n:
            rb = cand
            break

    def body(x_ref, w_ref, o_ref):
        o_ref[...] = jnp.dot(
            x_ref[...], w_ref[...], preferred_element_type=jnp.float32
        )[None]

    return pl.pallas_call(
        body,
        grid=(n // rb, NC),
        in_specs=[
            pl.BlockSpec((rb, d_in), lambda i, c: (i, 0)),
            pl.BlockSpec((d_in, dh), lambda i, c: (0, c)),
        ],
        out_specs=pl.BlockSpec((1, rb, dh), lambda i, c: (c, i, 0)),
        out_shape=jax.ShapeDtypeStruct((NC, n, dh), jnp.float32),
    )


@functools.lru_cache(maxsize=None)
def _build_sc_agg(n_nodes, n_edges, d_out, interpret=False):
    dh = d_out // NC
    rpt = ((n_nodes + NS - 1) // NS + 7) // 8 * 8
    rem = n_nodes - (NS - 1) * rpt
    eblk = 3200 if n_edges % 3200 == 0 else n_edges
    nblk = n_edges // eblk
    g = min(16, eblk)
    cap = eblk + g
    segs = dh // L

    assert dh % L == 0 and dh % 128 == 0 and n_edges % eblk == 0
    assert eblk % L == 0 and g % L == 0 and g % 8 == 0
    assert 0 < rem <= rpt and rem % 8 == 0 and rpt % 8 == 0

    mesh = plsc.VectorSubcoreMesh(core_axis_name="c", subcore_axis_name="s",
                                  num_cores=NC, num_subcores=NS)

    @functools.partial(
        pl.kernel,
        out_type=jax.ShapeDtypeStruct((n_nodes, d_out), jnp.float32),
        mesh=mesh,
        interpret=interpret,
        compiler_params=pltpu.CompilerParams(needs_layout_passes=False),
        scratch_types=[
            pltpu.VMEM((rpt, dh), jnp.float32),
            pltpu.VMEM((eblk,), jnp.int32),
            pltpu.VMEM((eblk,), jnp.int32),
            pltpu.VMEM((eblk,), jnp.float32),
            pltpu.VMEM((cap,), jnp.int32),
            pltpu.VMEM((cap,), jnp.int32),
            pltpu.VMEM((cap,), jnp.float32),
            pltpu.VMEM((g, dh), jnp.float32),
            pltpu.VMEM((g, dh), jnp.float32),
            pltpu.VMEM((g, dh), jnp.float32),
            pltpu.VMEM((g, dh), jnp.float32),
            pltpu.VMEM((dh,), jnp.float32),
            pltpu.SemaphoreType.DMA,
            pltpu.SemaphoreType.DMA,
            pltpu.SemaphoreType.DMA,
            pltpu.SemaphoreType.DMA,
            pltpu.SemaphoreType.DMA,
        ],
    )
    def sc_agg(pre_hbm, dst_hbm, src_hbm, ew_hbm, b_hbm, out_hbm,
               acc, dstb, srcb, ewb, srcc, dstc, ewc, rows_0, rows_1, rows_2,
               rows_3, bvec, sem_l, sem_0, sem_1, sem_2, sem_3):
        c = lax.axis_index("c")
        s = lax.axis_index("s")
        lo = s * rpt
        tbl_off = c * n_nodes
        lane = jnp.arange(L, dtype=jnp.int32)
        ones = jnp.ones((L,), jnp.int32)
        zf = jnp.zeros((L,), jnp.float32)
        zi = jnp.zeros((L,), jnp.int32)

        pltpu.sync_copy(b_hbm.at[pl.ds(c * dh, dh)], bvec)

        @plsc.parallel_loop(0, rpt, unroll=4)
        def _(r):
            for j in range(segs):
                acc[r, j * L:(j + 1) * L] = zf

        def block_body(k, _):
            e0 = k * eblk
            d0 = pltpu.async_copy(dst_hbm.at[pl.ds(e0, eblk)], dstb, sem_l)
            d1 = pltpu.async_copy(src_hbm.at[pl.ds(e0, eblk)], srcb, sem_l)
            d2 = pltpu.async_copy(ew_hbm.at[pl.ds(e0, eblk)], ewb, sem_l)
            d0.wait()
            d1.wait()
            d2.wait()

            @plsc.parallel_loop(0, eblk // L, unroll=4,
                                carry=jnp.zeros((L,), jnp.int32))
            def cntv(i, cv):
                d = dstb[pl.ds(i * L, L)]
                dl = d - lo
                m = (dl >= 0) & (dl < rpt)
                pos = cv + plsc.cumsum(jnp.where(m, ones, zi)) - 1
                plsc.store_scatter(dstc, [pos], dl, mask=m)
                plsc.store_scatter(srcc, [pos],
                                   srcb[pl.ds(i * L, L)] + tbl_off, mask=m)
                plsc.store_scatter(ewc, [pos], ewb[pl.ds(i * L, L)], mask=m)
                return cv + plsc.all_reduce_population_count(m)
            m_cnt = jnp.max(cntv)

            for i in range(g // L):
                pos = m_cnt + i * L + lane
                plsc.store_scatter(srcc, [pos], zi + tbl_off)
                plsc.store_scatter(dstc, [pos], zi)
                plsc.store_scatter(ewc, [pos], zf)

            nsub = (m_cnt + g - 1) // g

            def issue(t, buf, sem):
                pltpu.async_copy(pre_hbm.at[srcc.at[pl.ds(t * g, g)]], buf,
                                 sem)

            def process(t, buf, sem):
                off = t * g
                pltpu.make_async_copy(
                    pre_hbm.at[srcc.at[pl.ds(off, g)]], buf, sem).wait()

                @plsc.parallel_loop(0, g, unroll=4)
                def _(e):
                    eidx = jnp.full((L,), off + e, jnp.int32)
                    wv = plsc.load_gather(ewc, [eidx])
                    dlv = plsc.load_gather(dstc, [eidx])
                    for j in range(segs):
                        v = buf[e, pl.ds(j * L, L)] * wv
                        plsc.addupdate_scatter(acc, [dlv, lane + j * L], v)

            bufs = ((rows_0, sem_0), (rows_1, sem_1),
                    (rows_2, sem_2), (rows_3, sem_3))
            for p in range(3):
                pl.when(p < nsub)(
                    lambda p=p: issue(p, bufs[p][0], bufs[p][1]))

            def sub_body(t, _):
                for p in range(4):
                    @pl.when(lax.rem(t, 4) == p)
                    def _(p=p):
                        nxt = bufs[(p + 3) % 4]
                        pl.when(t + 3 < nsub)(
                            lambda: issue(t + 3, nxt[0], nxt[1]))
                        process(t, bufs[p][0], bufs[p][1])
                return 0
            lax.fori_loop(0, nsub, sub_body, 0)
            return 0
        lax.fori_loop(0, nblk, block_body, 0)

        @plsc.parallel_loop(0, rpt, unroll=4)
        def _(r):
            for j in range(segs):
                v = acc[r, j * L:(j + 1) * L] + bvec[j * L:(j + 1) * L]
                acc[r, j * L:(j + 1) * L] = jnp.maximum(v, 0.0)

        @pl.when(s < NS - 1)
        def _():
            pltpu.sync_copy(acc,
                            out_hbm.at[pl.ds(lo, rpt), pl.ds(c * dh, dh)])

        @pl.when(s == NS - 1)
        def _():
            pltpu.sync_copy(
                acc.at[pl.ds(0, rem)],
                out_hbm.at[pl.ds((NS - 1) * rpt, rem), pl.ds(c * dh, dh)])

    return sc_agg


def kernel(x, edge_index, edge_weight, W, b):
    n_nodes, d_in = x.shape
    d_out = W.shape[1]
    n_edges = edge_weight.shape[0]
    dst = edge_index[0].astype(jnp.int32)
    src = edge_index[1].astype(jnp.int32)
    ew = edge_weight.astype(jnp.float32)

    pre = _build_matmul(n_nodes, d_in, d_out)(x, W)
    pre_flat = pre.reshape(NC * n_nodes, d_out // NC)
    agg = _build_sc_agg(n_nodes, n_edges, d_out)
    return agg(pre_flat, dst, src, ew, b.astype(jnp.float32))

# --- scband reference (transcript-rebuilt; emitter-appended) ---
"""Pipeline reference for scband-graph-convolution-7499012899169 (READ-ONLY COPY).

The authoritative reference and input builder live on the scoring server;
editing this copy changes nothing except your own understanding.
"""

import jax, jax.numpy as jnp
import numpy as np

N_NODES = 10000
N_EDGES = 160000
D_IN = 256
D_OUT = 256


def setup_inputs(seed: int = 0) -> dict:
    key = jax.random.key(seed)
    k1, k2, k3, k4 = jax.random.split(key, 4)
    x = jax.random.normal(k1, (N_NODES, D_IN), dtype=jnp.float32)
    edge_index = jax.random.randint(k2, (2, N_EDGES), 0, N_NODES, dtype=jnp.int64)
    edge_weight = jax.random.uniform(k3, (N_EDGES,), dtype=jnp.float32)
    # glorot init for weights_0, zeros for bias (per GraphConvolution.__init__)
    init_range = np.sqrt(6.0 / (D_IN + D_OUT))
    W = jax.random.uniform(k4, (D_IN, D_OUT), dtype=jnp.float32, minval=-init_range, maxval=init_range)
    b = jnp.zeros((D_OUT,), dtype=jnp.float32)
    return {"x": x, "edge_index": edge_index, "edge_weight": edge_weight, "W": W, "b": b}


def reference(x, edge_index, edge_weight, W, b):
    # GraphConvolution._call_one_graph with dropout=0 (eval), sparse_inputs=False,
    # featureless=False, num_supports=1, bias=True, act=relu.
    # pre_sup = dot(x, weights_0)
    pre_sup = jnp.dot(x, W)
    # support = dot(laplacian, pre_sup, sparse=True) -> sparse matmul via
    # gather on src nodes + scatter-add (segment_sum) onto dst nodes.
    dst = edge_index[0]
    src = edge_index[1]
    msgs = jnp.take(pre_sup, src, axis=0) * edge_weight[:, None]
    support = jax.ops.segment_sum(msgs, dst, num_segments=N_NODES)
    # add_n over single support, add bias, apply activation
    output = support + b
    return jax.nn.relu(output)

if __name__ == "__main__":
    import jax
    _d = setup_inputs()
    print(jax.jit(kernel)(*tuple(_d.values())))

</pallas_src>

<mosaic_0001>
#map = affine_map<(d0, d1) -> (0, 0)>
#map1 = affine_map<(d0, d1) -> (0)>
module attributes {stable_mosaic.version = 14 : i64} {
  func.func @sc_agg(%arg0: i32, %arg1: i32, %arg2: memref<20000x128xf32, #tpu.memory_space<hbm>>, %arg3: memref<160000xi32, #tpu.memory_space<hbm>>, %arg4: memref<160000xi32, #tpu.memory_space<hbm>>, %arg5: memref<160000xf32, #tpu.memory_space<hbm>>, %arg6: memref<256xf32, #tpu.memory_space<hbm>>, %arg7: memref<10000x256xf32, #tpu.memory_space<hbm>>, %arg8: memref<632x128xf32, #tpu.memory_space<vmem>>, %arg9: memref<3200xi32, #tpu.memory_space<vmem>>, %arg10: memref<3200xi32, #tpu.memory_space<vmem>>, %arg11: memref<3200xf32, #tpu.memory_space<vmem>>, %arg12: memref<3216xi32, #tpu.memory_space<vmem>>, %arg13: memref<3216xi32, #tpu.memory_space<vmem>>, %arg14: memref<3216xf32, #tpu.memory_space<vmem>>, %arg15: memref<16x128xf32, #tpu.memory_space<vmem>>, %arg16: memref<16x128xf32, #tpu.memory_space<vmem>>, %arg17: memref<16x128xf32, #tpu.memory_space<vmem>>, %arg18: memref<16x128xf32, #tpu.memory_space<vmem>>, %arg19: memref<128xf32, #tpu.memory_space<vmem>>, %arg20: memref<!tpu.dma_semaphore, #tpu.memory_space<semaphore_mem>>, %arg21: memref<!tpu.dma_semaphore, #tpu.memory_space<semaphore_mem>>, %arg22: memref<!tpu.dma_semaphore, #tpu.memory_space<semaphore_mem>>, %arg23: memref<!tpu.dma_semaphore, #tpu.memory_space<semaphore_mem>>, %arg24: memref<!tpu.dma_semaphore, #tpu.memory_space<semaphore_mem>>) attributes {dimension_semantics = [#tpu.dimension_semantics<core_parallel>, #tpu.dimension_semantics<subcore_parallel>], iteration_bounds = array<i64: 2, 16>, scalar_prefetch = 0 : i64, scratch_operands = 17 : i64, tpu.core_type = #tpu.core_type<sc_vector_subcore>, window_params = [{transform_indices = #map}, {transform_indices = #map1}, {transform_indices = #map1}, {transform_indices = #map1}, {transform_indices = #map1}, {transform_indices = #map}]} {
    %mul3A = arith.constant 632 : i32
    %mul3A_0 = arith.muli %arg1, %mul3A : i32
    %mul3A_1 = arith.constant 10000 : i32
    %mul3A_2 = arith.muli %arg0, %mul3A_1 : i32
    %iota3A = tpu.iota {dimensions = array<i32: 0>} : vector<16xi32>
    %broadcast_in_dim3A = arith.constant 1 : i32
    %broadcast_in_dim3A_3 = vector.broadcast %broadcast_in_dim3A : i32 to vector<16xi32>
    %broadcast_in_dim3A_4 = arith.constant 0.000000e+00 : f32
    %broadcast_in_dim3A_5 = vector.broadcast %broadcast_in_dim3A_4 : f32 to vector<16xf32>
    %broadcast_in_dim3A_6 = arith.constant 0 : i32
    %broadcast_in_dim3A_7 = vector.broadcast %broadcast_in_dim3A_6 : i32 to vector<16xi32>
    %mul3A_8 = arith.constant 128 : i32
    %mul3A_9 = arith.muli %arg0, %mul3A_8 : i32
    "tpu.region"() ({
      %run_scoped3A = tpu.sem_alloc : memref<!tpu.dma_semaphore, #tpu.memory_space<semaphore_mem>>
      %dma_start3A = tpu.memref_slice %arg6[%mul3A_9] : memref<256xf32, #tpu.memory_space<hbm>> -> memref<128xf32, #tpu.memory_space<hbm>>
      %dma_start3A_27 = tpu.memref_slice %arg6[%mul3A_9] : memref<256xf32, #tpu.memory_space<hbm>> -> memref<128xf32, #tpu.memory_space<hbm>>
      tpu.enqueue_dma source(%dma_start3A_27 : memref<128xf32, #tpu.memory_space<hbm>>) target(%arg19 : memref<128xf32, #tpu.memory_space<vmem>>) target_semaphore(%run_scoped3A : memref<!tpu.dma_semaphore, #tpu.memory_space<semaphore_mem>>)
      %dma_wait3A = tpu.memref_slice %arg6[%mul3A_9] : memref<256xf32, #tpu.memory_space<hbm>> -> memref<128xf32, #tpu.memory_space<hbm>>
      %dma_wait3A_28 = tpu.memref_slice %arg6[%mul3A_9] : memref<256xf32, #tpu.memory_space<hbm>> -> memref<128xf32, #tpu.memory_space<hbm>>
      tpu.wait_dma2 semaphore(%run_scoped3A : memref<!tpu.dma_semaphore, #tpu.memory_space<semaphore_mem>>) src(%dma_wait3A_28 : memref<128xf32, #tpu.memory_space<hbm>>) dst(%arg19 : memref<128xf32, #tpu.memory_space<vmem>>)
      tpu.yield
    }) : () -> ()
    %parallel_loop3A = arith.constant 0 : i32
    %parallel_loop3A_10 = arith.constant 632 : i32
    %parallel_loop3A_11 = arith.constant 1 : i32
    scf.for %parallel_loop3A_27 = %parallel_loop3A to %parallel_loop3A_10 step %parallel_loop3A_11  : i32 {
      %parallel_loop3A_28 = arith.index_cast %parallel_loop3A_27 : i32 to index
      %parallel_loop3A_29 = arith.constant 0 : index
      %parallel_loop3A_30 = tpu.vector_load %arg8[%parallel_loop3A_28, %parallel_loop3A_29] {strides = array<i32>} : memref<632x128xf32, #tpu.memory_space<vmem>>, vector<16xf32>,
      tpu.vector_store %arg8[%parallel_loop3A_28, %parallel_loop3A_29], %broadcast_in_dim3A_5 {strides = array<i32>} : memref<632x128xf32, #tpu.memory_space<vmem>>, vector<16xf32>,
      %parallel_loop3A_31 = arith.index_cast %parallel_loop3A_27 : i32 to index
      %parallel_loop3A_32 = arith.constant 16 : index
      %parallel_loop3A_33 = tpu.vector_load %arg8[%parallel_loop3A_31, %parallel_loop3A_32] {strides = array<i32>} : memref<632x128xf32, #tpu.memory_space<vmem>>, vector<16xf32>,
      tpu.vector_store %arg8[%parallel_loop3A_31, %parallel_loop3A_32], %broadcast_in_dim3A_5 {strides = array<i32>} : memref<632x128xf32, #tpu.memory_space<vmem>>, vector<16xf32>,
      %parallel_loop3A_34 = arith.index_cast %parallel_loop3A_27 : i32 to index
      %parallel_loop3A_35 = arith.constant 32 : index
      %parallel_loop3A_36 = tpu.vector_load %arg8[%parallel_loop3A_34, %parallel_loop3A_35] {strides = array<i32>} : memref<632x128xf32, #tpu.memory_space<vmem>>, vector<16xf32>,
      tpu.vector_store %arg8[%parallel_loop3A_34, %parallel_loop3A_35], %broadcast_in_dim3A_5 {strides = array<i32>} : memref<632x128xf32, #tpu.memory_space<vmem>>, vector<16xf32>,
      %parallel_loop3A_37 = arith.index_cast %parallel_loop3A_27 : i32 to index
      %parallel_loop3A_38 = arith.constant 48 : index
      %parallel_loop3A_39 = tpu.vector_load %arg8[%parallel_loop3A_37, %parallel_loop3A_38] {strides = array<i32>} : memref<632x128xf32, #tpu.memory_space<vmem>>, vector<16xf32>,
      tpu.vector_store %arg8[%parallel_loop3A_37, %parallel_loop3A_38], %broadcast_in_dim3A_5 {strides = array<i32>} : memref<632x128xf32, #tpu.memory_space<vmem>>, vector<16xf32>,
      %parallel_loop3A_40 = arith.index_cast %parallel_loop3A_27 : i32 to index
      %parallel_loop3A_41 = arith.constant 64 : index
      %parallel_loop3A_42 = tpu.vector_load %arg8[%parallel_loop3A_40, %parallel_loop3A_41] {strides = array<i32>} : memref<632x128xf32, #tpu.memory_space<vmem>>, vector<16xf32>,
      tpu.vector_store %arg8[%parallel_loop3A_40, %parallel_loop3A_41], %broadcast_in_dim3A_5 {strides = array<i32>} : memref<632x128xf32, #tpu.memory_space<vmem>>, vector<16xf32>,
      %parallel_loop3A_43 = arith.index_cast %parallel_loop3A_27 : i32 to index
      %parallel_loop3A_44 = arith.constant 80 : index
      %parallel_loop3A_45 = tpu.vector_load %arg8[%parallel_loop3A_43, %parallel_loop3A_44] {strides = array<i32>} : memref<632x128xf32, #tpu.memory_space<vmem>>, vector<16xf32>,
      tpu.vector_store %arg8[%parallel_loop3A_43, %parallel_loop3A_44], %broadcast_in_dim3A_5 {strides = array<i32>} : memref<632x128xf32, #tpu.memory_space<vmem>>, vector<16xf32>,
      %parallel_loop3A_46 = arith.index_cast %parallel_loop3A_27 : i32 to index
      %parallel_loop3A_47 = arith.constant 96 : index
      %parallel_loop3A_48 = tpu.vector_load %arg8[%parallel_loop3A_46, %parallel_loop3A_47] {strides = array<i32>} : memref<632x128xf32, #tpu.memory_space<vmem>>, vector<16xf32>,
      tpu.vector_store %arg8[%parallel_loop3A_46, %parallel_loop3A_47], %broadcast_in_dim3A_5 {strides = array<i32>} : memref<632x128xf32, #tpu.memory_space<vmem>>, vector<16xf32>,
      %parallel_loop3A_49 = arith.index_cast %parallel_loop3A_27 : i32 to index
      %parallel_loop3A_50 = arith.constant 112 : index
      %parallel_loop3A_51 = tpu.vector_load %arg8[%parallel_loop3A_49, %parallel_loop3A_50] {strides = array<i32>} : memref<632x128xf32, #tpu.memory_space<vmem>>, vector<16xf32>,
      tpu.vector_store %arg8[%parallel_loop3A_49, %parallel_loop3A_50], %broadcast_in_dim3A_5 {strides = array<i32>} : memref<632x128xf32, #tpu.memory_space<vmem>>, vector<16xf32>,
    } {sc.loop_unroll_factor = 4 : i64, sc.parallel_access}
    %scan3A = arith.constant 0 : i32
    %scan3A_12 = arith.constant 0 : i32
    %scan3A_13 = arith.constant 50 : i32
    %scan3A_14 = arith.addi %scan3A_12, %scan3A_13 : i32
    %scan3A_15 = arith.constant 1 : i32
    %scan3A_16 = scf.for %scan3A_27 = %scan3A_12 to %scan3A_14 step %scan3A_15 iter_args(%scan3A_28 = %scan3A) -> (i32)  : i32 {
      %mul3A_29 = arith.constant 3200 : i32
      %mul3A_30 = arith.muli %scan3A_27, %mul3A_29 : i32
      %dma_start3A = tpu.memref_slice %arg3[%mul3A_30] : memref<160000xi32, #tpu.memory_space<hbm>> -> memref<3200xi32, #tpu.memory_space<hbm>>
      %dma_start3A_31 = tpu.memref_slice %arg3[%mul3A_30] : memref<160000xi32, #tpu.memory_space<hbm>> -> memref<3200xi32, #tpu.memory_space<hbm>>
      tpu.enqueue_dma source(%dma_start3A_31 : memref<3200xi32, #tpu.memory_space<hbm>>) target(%arg9 : memref<3200xi32, #tpu.memory_space<vmem>>) target_semaphore(%arg20 : memref<!tpu.dma_semaphore, #tpu.memory_space<semaphore_mem>>)
      %dma_start3A_32 = tpu.memref_slice %arg4[%mul3A_30] : memref<160000xi32, #tpu.memory_space<hbm>> -> memref<3200xi32, #tpu.memory_space<hbm>>
      %dma_start3A_33 = tpu.memref_slice %arg4[%mul3A_30] : memref<160000xi32, #tpu.memory_space<hbm>> -> memref<3200xi32, #tpu.memory_space<hbm>>
      tpu.enqueue_dma source(%dma_start3A_33 : memref<3200xi32, #tpu.memory_space<hbm>>) target(%arg10 : memref<3200xi32, #tpu.memory_space<vmem>>) target_semaphore(%arg20 : memref<!tpu.dma_semaphore, #tpu.memory_space<semaphore_mem>>)
      %dma_start3A_34 = tpu.memref_slice %arg5[%mul3A_30] : memref<160000xf32, #tpu.memory_space<hbm>> -> memref<3200xf32, #tpu.memory_space<hbm>>
      %dma_start3A_35 = tpu.memref_slice %arg5[%mul3A_30] : memref<160000xf32, #tpu.memory_space<hbm>> -> memref<3200xf32, #tpu.memory_space<hbm>>
      tpu.enqueue_dma source(%dma_start3A_35 : memref<3200xf32, #tpu.memory_space<hbm>>) target(%arg11 : memref<3200xf32, #tpu.memory_space<vmem>>) target_semaphore(%arg20 : memref<!tpu.dma_semaphore, #tpu.memory_space<semaphore_mem>>)
      %dma_wait3A = tpu.memref_slice %arg3[%mul3A_30] : memref<160000xi32, #tpu.memory_space<hbm>> -> memref<3200xi32, #tpu.memory_space<hbm>>
      %dma_wait3A_36 = tpu.memref_slice %arg3[%mul3A_30] : memref<160000xi32, #tpu.memory_space<hbm>> -> memref<3200xi32, #tpu.memory_space<hbm>>
      tpu.wait_dma2 semaphore(%arg20 : memref<!tpu.dma_semaphore, #tpu.memory_space<semaphore_mem>>) src(%dma_wait3A_36 : memref<3200xi32, #tpu.memory_space<hbm>>) dst(%arg9 : memref<3200xi32, #tpu.memory_space<vmem>>)
      %dma_wait3A_37 = tpu.memref_slice %arg4[%mul3A_30] : memref<160000xi32, #tpu.memory_space<hbm>> -> memref<3200xi32, #tpu.memory_space<hbm>>
      %dma_wait3A_38 = tpu.memref_slice %arg4[%mul3A_30] : memref<160000xi32, #tpu.memory_space<hbm>> -> memref<3200xi32, #tpu.memory_space<hbm>>
      tpu.wait_dma2 semaphore(%arg20 : memref<!tpu.dma_semaphore, #tpu.memory_space<semaphore_mem>>) src(%dma_wait3A_38 : memref<3200xi32, #tpu.memory_space<hbm>>) dst(%arg10 : memref<3200xi32, #tpu.memory_space<vmem>>)
      %dma_wait3A_39 = tpu.memref_slice %arg5[%mul3A_30] : memref<160000xf32, #tpu.memory_space<hbm>> -> memref<3200xf32, #tpu.memory_space<hbm>>
      %dma_wait3A_40 = tpu.memref_slice %arg5[%mul3A_30] : memref<160000xf32, #tpu.memory_space<hbm>> -> memref<3200xf32, #tpu.memory_space<hbm>>
      tpu.wait_dma2 semaphore(%arg20 : memref<!tpu.dma_semaphore, #tpu.memory_space<semaphore_mem>>) src(%dma_wait3A_40 : memref<3200xf32, #tpu.memory_space<hbm>>) dst(%arg11 : memref<3200xf32, #tpu.memory_space<vmem>>)
      %broadcast_in_dim3A_41 = arith.constant 0 : i32
      %broadcast_in_dim3A_42 = vector.broadcast %broadcast_in_dim3A_41 : i32 to vector<16xi32>
      %parallel_loop3A_43 = arith.constant 0 : i32
      %parallel_loop3A_44 = arith.constant 200 : i32
      %parallel_loop3A_45 = arith.constant 1 : i32
      %parallel_loop3A_46 = scf.for %parallel_loop3A_105 = %parallel_loop3A_43 to %parallel_loop3A_44 step %parallel_loop3A_45 iter_args(%parallel_loop3A_106 = %broadcast_in_dim3A_42) -> (vector<16xi32>)  : i32 {
        %parallel_loop3A_107 = arith.constant 16 : i32
        %parallel_loop3A_108 = arith.muli %parallel_loop3A_105, %parallel_loop3A_107 : i32
        %parallel_loop3A_109 = arith.index_cast %parallel_loop3A_108 : i32 to index
        %parallel_loop3A_110 = tpu.vector_load %arg9[%parallel_loop3A_109] {strides = array<i32>} : memref<3200xi32, #tpu.memory_space<vmem>>, vector<16xi32>,
        %parallel_loop3A_111 = vector.broadcast %mul3A_0 : i32 to vector<16xi32>
        %parallel_loop3A_112 = arith.subi %parallel_loop3A_110, %parallel_loop3A_111 : vector<16xi32>
        %parallel_loop3A_113 = arith.constant 0 : i32
        %parallel_loop3A_114 = vector.broadcast %parallel_loop3A_113 : i32 to vector<16xi32>
        %parallel_loop3A_115 = arith.cmpi sge, %parallel_loop3A_112, %parallel_loop3A_114 : vector<16xi32>
        %parallel_loop3A_116 = arith.constant 632 : i32
        %parallel_loop3A_117 = vector.broadcast %parallel_loop3A_116 : i32 to vector<16xi32>
        %parallel_loop3A_118 = arith.cmpi slt, %parallel_loop3A_112, %parallel_loop3A_117 : vector<16xi32>
        %parallel_loop3A_119 = arith.andi %parallel_loop3A_115, %parallel_loop3A_118 : vector<16xi1>
        %parallel_loop3A_120 = arith.select %parallel_loop3A_119, %broadcast_in_dim3A_3, %broadcast_in_dim3A_7 : vector<16xi1>, vector<16xi32>
        %parallel_loop3A_121 = arith.constant true
        %parallel_loop3A_122 = vector.broadcast %parallel_loop3A_121 : i1 to vector<16xi1>
        %parallel_loop3A_123 = tpu.scan <sum>, %parallel_loop3A_120 masked %parallel_loop3A_122 : vector<16xi32>, vector<16xi1> -> vector<16xi32>
        %parallel_loop3A_124 = arith.addi %parallel_loop3A_106, %parallel_loop3A_123 : vector<16xi32>
        %parallel_loop3A_125 = arith.constant 1 : i32
        %parallel_loop3A_126 = vector.broadcast %parallel_loop3A_125 : i32 to vector<16xi32>
        %parallel_loop3A_127 = arith.subi %parallel_loop3A_124, %parallel_loop3A_126 : vector<16xi32>
        tpu.vector_store_idx %arg13[%parallel_loop3A_127], %parallel_loop3A_112 masked %parallel_loop3A_119 : memref<3216xi32, #tpu.memory_space<vmem>>[vector<16xi32>], vector<16xi32>, vector<16xi1>
        %parallel_loop3A_128 = arith.constant 16 : i32
        %parallel_loop3A_129 = arith.muli %parallel_loop3A_105, %parallel_loop3A_128 : i32
        %parallel_loop3A_130 = arith.index_cast %parallel_loop3A_129 : i32 to index
        %parallel_loop3A_131 = tpu.vector_load %arg10[%parallel_loop3A_130] {strides = array<i32>} : memref<3200xi32, #tpu.memory_space<vmem>>, vector<16xi32>,
        %parallel_loop3A_132 = vector.broadcast %mul3A_2 : i32 to vector<16xi32>
        %parallel_loop3A_133 = arith.addi %parallel_loop3A_131, %parallel_loop3A_132 : vector<16xi32>
        tpu.vector_store_idx %arg12[%parallel_loop3A_127], %parallel_loop3A_133 masked %parallel_loop3A_119 : memref<3216xi32, #tpu.memory_space<vmem>>[vector<16xi32>], vector<16xi32>, vector<16xi1>
        %parallel_loop3A_134 = arith.constant 16 : i32
        %parallel_loop3A_135 = arith.muli %parallel_loop3A_105, %parallel_loop3A_134 : i32
        %parallel_loop3A_136 = arith.index_cast %parallel_loop3A_135 : i32 to index
        %parallel_loop3A_137 = tpu.vector_load %arg11[%parallel_loop3A_136] {strides = array<i32>} : memref<3200xf32, #tpu.memory_space<vmem>>, vector<16xf32>,
        tpu.vector_store_idx %arg14[%parallel_loop3A_127], %parallel_loop3A_137 masked %parallel_loop3A_119 : memref<3216xf32, #tpu.memory_space<vmem>>[vector<16xi32>], vector<16xf32>, vector<16xi1>
        %parallel_loop3A_138 = tpu.all_reduce %parallel_loop3A_119 {dim = 0 : i64, kind = #tpu.reduction_kind<sum>} : vector<16xi1> -> vector<16xi32>
        %parallel_loop3A_139 = arith.addi %parallel_loop3A_106, %parallel_loop3A_138 : vector<16xi32>
        scf.yield %parallel_loop3A_139 : vector<16xi32>
      } {sc.loop_unroll_factor = 4 : i64, sc.parallel_access}
      %reduce_max3A = arith.constant true
      %reduce_max3A_47 = vector.broadcast %reduce_max3A : i1 to vector<16xi1>
      %reduce_max3A_48 = arith.constant -2147483648 : i32
      %reduce_max3A_49 = vector.broadcast %reduce_max3A_48 : i32 to vector<16xi32>
      %reduce_max3A_50 = arith.xori %parallel_loop3A_46, %reduce_max3A_49 : vector<16xi32>
      %reduce_max3A_51 = tpu.scan <max>, %reduce_max3A_50 masked %reduce_max3A_47 : vector<16xi32>, vector<16xi1> -> vector<16xi32>
      %reduce_max3A_52 = arith.xori %reduce_max3A_51, %reduce_max3A_49 : vector<16xi32>
      %reduce_max3A_53 = vector.extract %reduce_max3A_52[15] : i32 from vector<16xi32>
      %add3A = arith.constant 0 : i32
      %add3A_54 = arith.addi %reduce_max3A_53, %add3A : i32
      %add3A_55 = vector.broadcast %add3A_54 : i32 to vector<16xi32>
      %add3A_56 = arith.addi %add3A_55, %iota3A : vector<16xi32>
      %add3A_57 = vector.broadcast %mul3A_2 : i32 to vector<16xi32>
      %add3A_58 = arith.addi %broadcast_in_dim3A_7, %add3A_57 : vector<16xi32>
      tpu.vector_store_idx %arg12[%add3A_56], %add3A_58 : memref<3216xi32, #tpu.memory_space<vmem>>[vector<16xi32>], vector<16xi32>,
      tpu.vector_store_idx %arg13[%add3A_56], %broadcast_in_dim3A_7 : memref<3216xi32, #tpu.memory_space<vmem>>[vector<16xi32>], vector<16xi32>,
      tpu.vector_store_idx %arg14[%add3A_56], %broadcast_in_dim3A_5 : memref<3216xf32, #tpu.memory_space<vmem>>[vector<16xi32>], vector<16xf32>,
      %add3A_59 = arith.constant 16 : i32
      %add3A_60 = arith.addi %reduce_max3A_53, %add3A_59 : i32
      %sub3A = arith.constant 1 : i32
      %sub3A_61 = arith.subi %add3A_60, %sub3A : i32
      %jit3A = arith.constant 16 : i32
      %div3A = arith.divsi %sub3A_61, %jit3A : i32
      %sign3A = arith.constant 0 : i32
      %sign3A_62 = arith.cmpi sgt, %sub3A_61, %sign3A : i32
      %sign3A_63 = arith.extui %sign3A_62 : i1 to i32
      %sign3A_64 = arith.constant 0 : i32
      %sign3A_65 = arith.cmpi slt, %sub3A_61, %sign3A_64 : i32
      %sign3A_66 = arith.extui %sign3A_65 : i1 to i32
      %sign3A_67 = arith.subi %sign3A_63, %sign3A_66 : i32
      %sign3A_68 = arith.constant 0 : i32
      %sign3A_69 = arith.cmpi sgt, %jit3A, %sign3A_68 : i32
      %sign3A_70 = arith.extui %sign3A_69 : i1 to i32
      %sign3A_71 = arith.constant 0 : i32
      %sign3A_72 = arith.cmpi slt, %jit3A, %sign3A_71 : i32
      %sign3A_73 = arith.extui %sign3A_72 : i1 to i32
      %sign3A_74 = arith.subi %sign3A_70, %sign3A_73 : i32
      %ne3A = arith.cmpi ne, %sign3A_67, %sign3A_74 : i32
      %rem3A = arith.remsi %sub3A_61, %jit3A : i32
      %ne3A_75 = arith.constant 0 : i32
      %ne3A_76 = arith.cmpi ne, %rem3A, %ne3A_75 : i32
      %and3A = arith.andi %ne3A, %ne3A_76 : i1
      %sub3A_77 = arith.constant 1 : i32
      %sub3A_78 = arith.subi %div3A, %sub3A_77 : i32
      %select_n3A = arith.select %and3A, %sub3A_78, %div3A : i32
      %gt3A = arith.constant 0 : i32
      %gt3A_79 = arith.cmpi sgt, %select_n3A, %gt3A : i32
      %convert_element_type3A_80 = arith.extui %gt3A_79 : i1 to i32
      %cond3A_81 = arith.constant 0 : i32
      %cond3A_82 = arith.cmpi ne, %convert_element_type3A_80, %cond3A_81 : i32
      scf.if %cond3A_82 {
        %dma_start3A_105 = arith.constant 0 : i32
        %dma_start3A_106 = tpu.memref_slice %arg12[%dma_start3A_105] : memref<3216xi32, #tpu.memory_space<vmem>> -> memref<16xi32, #tpu.memory_space<vmem>>
        %dma_start3A_107 = arith.constant 0 : i32
        %dma_start3A_108 = arith.constant 0 : i32
        %dma_start3A_109 = tpu.memref_slice %arg2[%dma_start3A_107, %dma_start3A_108] : memref<20000x128xf32, #tpu.memory_space<hbm>> -> memref<20000x128xf32, #tpu.memory_space<hbm>>
        tpu.enqueue_indirect_dma source(%dma_start3A_109 : memref<20000x128xf32, #tpu.memory_space<hbm>>) target(%arg15 : memref<16x128xf32, #tpu.memory_space<vmem>>) offsets(%dma_start3A_106 : memref<16xi32, #tpu.memory_space<vmem>>) semaphore(%arg21 : memref<!tpu.dma_semaphore, #tpu.memory_space<semaphore_mem>>)
      } else {
      }
      %gt3A_83 = arith.constant 1 : i32
      %gt3A_84 = arith.cmpi sgt, %select_n3A, %gt3A_83 : i32
      %convert_element_type3A_85 = arith.extui %gt3A_84 : i1 to i32
      %cond3A_86 = arith.constant 0 : i32
      %cond3A_87 = arith.cmpi ne, %convert_element_type3A_85, %cond3A_86 : i32
      scf.if %cond3A_87 {
        %dma_start3A_105 = arith.constant 16 : i32
        %dma_start3A_106 = tpu.memref_slice %arg12[%dma_start3A_105] : memref<3216xi32, #tpu.memory_space<vmem>> -> memref<16xi32, #tpu.memory_space<vmem>>
        %dma_start3A_107 = arith.constant 0 : i32
        %dma_start3A_108 = arith.constant 0 : i32
        %dma_start3A_109 = tpu.memref_slice %arg2[%dma_start3A_107, %dma_start3A_108] : memref<20000x128xf32, #tpu.memory_space<hbm>> -> memref<20000x128xf32, #tpu.memory_space<hbm>>
        tpu.enqueue_indirect_dma source(%dma_start3A_109 : memref<20000x128xf32, #tpu.memory_space<hbm>>) target(%arg16 : memref<16x128xf32, #tpu.memory_space<vmem>>) offsets(%dma_start3A_106 : memref<16xi32, #tpu.memory_space<vmem>>) semaphore(%arg22 : memref<!tpu.dma_semaphore, #tpu.memory_space<semaphore_mem>>)
      } else {
      }
      %gt3A_88 = arith.constant 2 : i32
      %gt3A_89 = arith.cmpi sgt, %select_n3A, %gt3A_88 : i32
      %convert_element_type3A_90 = arith.extui %gt3A_89 : i1 to i32
      %cond3A_91 = arith.constant 0 : i32
      %cond3A_92 = arith.cmpi ne, %convert_element_type3A_90, %cond3A_91 : i32
      scf.if %cond3A_92 {
        %dma_start3A_105 = arith.constant 32 : i32
        %dma_start3A_106 = tpu.memref_slice %arg12[%dma_start3A_105] : memref<3216xi32, #tpu.memory_space<vmem>> -> memref<16xi32, #tpu.memory_space<vmem>>
        %dma_start3A_107 = arith.constant 0 : i32
        %dma_start3A_108 = arith.constant 0 : i32
        %dma_start3A_109 = tpu.memref_slice %arg2[%dma_start3A_107, %dma_start3A_108] : memref<20000x128xf32, #tpu.memory_space<hbm>> -> memref<20000x128xf32, #tpu.memory_space<hbm>>
        tpu.enqueue_indirect_dma source(%dma_start3A_109 : memref<20000x128xf32, #tpu.memory_space<hbm>>) target(%arg17 : memref<16x128xf32, #tpu.memory_space<vmem>>) offsets(%dma_start3A_106 : memref<16xi32, #tpu.memory_space<vmem>>) semaphore(%arg23 : memref<!tpu.dma_semaphore, #tpu.memory_space<semaphore_mem>>)
      } else {
      }
      %while3A = arith.constant 0 : i32
      %while3A_93 = arith.constant 0 : i32
      %while3A_94 = arith.subi %select_n3A, %while3A : i32
      %while3A_95 = arith.addi %while3A, %while3A_94 : i32
      %while3A_96 = arith.constant 1 : i32
      %while3A_97 = arith.divsi %while3A_94, %while3A_96 : i32
      %while3A_98 = arith.muli %while3A_97, %while3A_96 : i32
      %while3A_99 = arith.addi %while3A, %while3A_98 : i32
      %while3A_100 = arith.constant 1 : i32
      %while3A_101 = scf.for %while3A_105 = %while3A to %while3A_99 step %while3A_100 iter_args(%while3A_106 = %while3A_93) -> (i32)  : i32 {
        %rem3A_107 = arith.constant 4 : i32
        %rem3A_108 = arith.remsi %while3A_105, %rem3A_107 : i32
        %eq3A_109 = arith.constant 0 : i32
        %eq3A_110 = arith.cmpi eq, %rem3A_108, %eq3A_109 : i32
        %convert_element_type3A_111 = arith.extui %eq3A_110 : i1 to i32
        %cond3A_112 = arith.constant 0 : i32
        %cond3A_113 = arith.cmpi ne, %convert_element_type3A_111, %cond3A_112 : i32
        scf.if %cond3A_113 {
          %add3A_136 = arith.constant 3 : i32
          %add3A_137 = arith.addi %while3A_105, %add3A_136 : i32
          %lt3A_138 = arith.cmpi slt, %add3A_137, %select_n3A : i32
          %convert_element_type3A_139 = arith.extui %lt3A_138 : i1 to i32
          %cond3A_140 = arith.constant 0 : i32
          %cond3A_141 = arith.cmpi ne, %convert_element_type3A_139, %cond3A_140 : i32
          scf.if %cond3A_141 {
            %add3A_151 = arith.constant 3 : i32
            %add3A_152 = arith.addi %while3A_105, %add3A_151 : i32
            %mul3A_153 = arith.constant 16 : i32
            %mul3A_154 = arith.muli %add3A_152, %mul3A_153 : i32
            %dma_start3A_155 = tpu.memref_slice %arg12[%mul3A_154] : memref<3216xi32, #tpu.memory_space<vmem>> -> memref<16xi32, #tpu.memory_space<vmem>>
            %dma_start3A_156 = arith.constant 0 : i32
            %dma_start3A_157 = arith.constant 0 : i32
            %dma_start3A_158 = tpu.memref_slice %arg2[%dma_start3A_156, %dma_start3A_157] : memref<20000x128xf32, #tpu.memory_space<hbm>> -> memref<20000x128xf32, #tpu.memory_space<hbm>>
            tpu.enqueue_indirect_dma source(%dma_start3A_158 : memref<20000x128xf32, #tpu.memory_space<hbm>>) target(%arg18 : memref<16x128xf32, #tpu.memory_space<vmem>>) offsets(%dma_start3A_155 : memref<16xi32, #tpu.memory_space<vmem>>) semaphore(%arg24 : memref<!tpu.dma_semaphore, #tpu.memory_space<semaphore_mem>>)
          } else {
          }
          %mul3A_142 = arith.constant 16 : i32
          %mul3A_143 = arith.muli %while3A_105, %mul3A_142 : i32
          %dma_wait3A_144 = tpu.memref_slice %arg12[%mul3A_143] : memref<3216xi32, #tpu.memory_space<vmem>> -> memref<16xi32, #tpu.memory_space<vmem>>
          %dma_wait3A_145 = arith.constant 0 : i32
          %dma_wait3A_146 = arith.constant 0 : i32
          %dma_wait3A_147 = tpu.memref_slice %arg2[%dma_wait3A_145, %dma_wait3A_146] : memref<20000x128xf32, #tpu.memory_space<hbm>> -> memref<20000x128xf32, #tpu.memory_space<hbm>>
          tpu.wait_indirect_dma semaphore(%arg21 : memref<!tpu.dma_semaphore, #tpu.memory_space<semaphore_mem>>) src(%dma_wait3A_147 : memref<20000x128xf32, #tpu.memory_space<hbm>>) dst(%arg15 : memref<16x128xf32, #tpu.memory_space<vmem>>)
          %parallel_loop3A_148 = arith.constant 0 : i32
          %parallel_loop3A_149 = arith.constant 16 : i32
          %parallel_loop3A_150 = arith.constant 1 : i32
          scf.for %parallel_loop3A_151 = %parallel_loop3A_148 to %parallel_loop3A_149 step %parallel_loop3A_150  : i32 {
            %parallel_loop3A_152 = arith.addi %mul3A_143, %parallel_loop3A_151 : i32
            %parallel_loop3A_153 = vector.broadcast %parallel_loop3A_152 : i32 to vector<16xi32>
            %parallel_loop3A_154 = tpu.vector_load_idx %arg14[%parallel_loop3A_153] : memref<3216xf32, #tpu.memory_space<vmem>>[vector<16xi32>], vector<16xf32>,
            %parallel_loop3A_155 = tpu.vector_load_idx %arg13[%parallel_loop3A_153] : memref<3216xi32, #tpu.memory_space<vmem>>[vector<16xi32>], vector<16xi32>,
            %parallel_loop3A_156 = arith.index_cast %parallel_loop3A_151 : i32 to index
            %parallel_loop3A_157 = arith.constant 0 : index
            %parallel_loop3A_158 = tpu.vector_load %arg15[%parallel_loop3A_156, %parallel_loop3A_157] {strides = array<i32>} : memref<16x128xf32, #tpu.memory_space<vmem>>, vector<16xf32>,
            %parallel_loop3A_159 = arith.mulf %parallel_loop3A_158, %parallel_loop3A_154 : vector<16xf32>
            %parallel_loop3A_160 = arith.constant 0 : i32
            %parallel_loop3A_161 = vector.broadcast %parallel_loop3A_160 : i32 to vector<16xi32>
            %parallel_loop3A_162 = arith.addi %iota3A, %parallel_loop3A_161 : vector<16xi32>
            tpu.vector_store_idx %arg8[%parallel_loop3A_155, %parallel_loop3A_162], %parallel_loop3A_159 {add = true} : memref<632x128xf32, #tpu.memory_space<vmem>>[vector<16xi32>, vector<16xi32>], vector<16xf32>,
            %parallel_loop3A_163 = arith.index_cast %parallel_loop3A_151 : i32 to index
            %parallel_loop3A_164 = arith.constant 16 : index
            %parallel_loop3A_165 = tpu.vector_load %arg15[%parallel_loop3A_163, %parallel_loop3A_164] {strides = array<i32>} : memref<16x128xf32, #tpu.memory_space<vmem>>, vector<16xf32>,
            %parallel_loop3A_166 = arith.mulf %parallel_loop3A_165, %parallel_loop3A_154 : vector<16xf32>
            %parallel_loop3A_167 = arith.constant 16 : i32
            %parallel_loop3A_168 = vector.broadcast %parallel_loop3A_167 : i32 to vector<16xi32>
            %parallel_loop3A_169 = arith.addi %iota3A, %parallel_loop3A_168 : vector<16xi32>
            tpu.vector_store_idx %arg8[%parallel_loop3A_155, %parallel_loop3A_169], %parallel_loop3A_166 {add = true} : memref<632x128xf32, #tpu.memory_space<vmem>>[vector<16xi32>, vector<16xi32>], vector<16xf32>,
            %parallel_loop3A_170 = arith.index_cast %parallel_loop3A_151 : i32 to index
            %parallel_loop3A_171 = arith.constant 32 : index
            %parallel_loop3A_172 = tpu.vector_load %arg15[%parallel_loop3A_170, %parallel_loop3A_171] {strides = array<i32>} : memref<16x128xf32, #tpu.memory_space<vmem>>, vector<16xf32>,
            %parallel_loop3A_173 = arith.mulf %parallel_loop3A_172, %parallel_loop3A_154 : vector<16xf32>
            %parallel_loop3A_174 = arith.constant 32 : i32
            %parallel_loop3A_175 = vector.broadcast %parallel_loop3A_174 : i32 to vector<16xi32>
            %parallel_loop3A_176 = arith.addi %iota3A, %parallel_loop3A_175 : vector<16xi32>
            tpu.vector_store_idx %arg8[%parallel_loop3A_155, %parallel_loop3A_176], %parallel_loop3A_173 {add = true} : memref<632x128xf32, #tpu.memory_space<vmem>>[vector<16xi32>, vector<16xi32>], vector<16xf32>,
            %parallel_loop3A_177 = arith.index_cast %parallel_loop3A_151 : i32 to index
            %parallel_loop3A_178 = arith.constant 48 : index
            %parallel_loop3A_179 = tpu.vector_load %arg15[%parallel_loop3A_177, %parallel_loop3A_178] {strides = array<i32>} : memref<16x128xf32, #tpu.memory_space<vmem>>, vector<16xf32>,
            %parallel_loop3A_180 = arith.mulf %parallel_loop3A_179, %parallel_loop3A_154 : vector<16xf32>
            %parallel_loop3A_181 = arith.constant 48 : i32
            %parallel_loop3A_182 = vector.broadcast %parallel_loop3A_181 : i32 to vector<16xi32>
            %parallel_loop3A_183 = arith.addi %iota3A, %parallel_loop3A_182 : vector<16xi32>
            tpu.vector_store_idx %arg8[%parallel_loop3A_155, %parallel_loop3A_183], %parallel_loop3A_180 {add = true} : memref<632x128xf32, #tpu.memory_space<vmem>>[vector<16xi32>, vector<16xi32>], vector<16xf32>,
            %parallel_loop3A_184 = arith.index_cast %parallel_loop3A_151 : i32 to index
            %parallel_loop3A_185 = arith.constant 64 : index
            %parallel_loop3A_186 = tpu.vector_load %arg15[%parallel_loop3A_184, %parallel_loop3A_185] {strides = array<i32>} : memref<16x128xf32, #tpu.memory_space<vmem>>, vector<16xf32>,
            %parallel_loop3A_187 = arith.mulf %parallel_loop3A_186, %parallel_loop3A_154 : vector<16xf32>
            %parallel_loop3A_188 = arith.constant 64 : i32
            %parallel_loop3A_189 = vector.broadcast %parallel_loop3A_188 : i32 to vector<16xi32>
            %parallel_loop3A_190 = arith.addi %iota3A, %parallel_loop3A_189 : vector<16xi32>
            tpu.vector_store_idx %arg8[%parallel_loop3A_155, %parallel_loop3A_190], %parallel_loop3A_187 {add = true} : memref<632x128xf32, #tpu.memory_space<vmem>>[vector<16xi32>, vector<16xi32>], vector<16xf32>,
            %parallel_loop3A_191 = arith.index_cast %parallel_loop3A_151 : i32 to index
            %parallel_loop3A_192 = arith.constant 80 : index
            %parallel_loop3A_193 = tpu.vector_load %arg15[%parallel_loop3A_191, %parallel_loop3A_192] {strides = array<i32>} : memref<16x128xf32, #tpu.memory_space<vmem>>, vector<16xf32>,
            %parallel_loop3A_194 = arith.mulf %parallel_loop3A_193, %parallel_loop3A_154 : vector<16xf32>
            %parallel_loop3A_195 = arith.constant 80 : i32
            %parallel_loop3A_196 = vector.broadcast %parallel_loop3A_195 : i32 to vector<16xi32>
            %parallel_loop3A_197 = arith.addi %iota3A, %parallel_loop3A_196 : vector<16xi32>
            tpu.vector_store_idx %arg8[%parallel_loop3A_155, %parallel_loop3A_197], %parallel_loop3A_194 {add = true} : memref<632x128xf32, #tpu.memory_space<vmem>>[vector<16xi32>, vector<16xi32>], vector<16xf32>,
            %parallel_loop3A_198 = arith.index_cast %parallel_loop3A_151 : i32 to index
            %parallel_loop3A_199 = arith.constant 96 : index
            %parallel_loop3A_200 = tpu.vector_load %arg15[%parallel_loop3A_198, %parallel_loop3A_199] {strides = array<i32>} : memref<16x128xf32, #tpu.memory_space<vmem>>, vector<16xf32>,
            %parallel_loop3A_201 = arith.mulf %parallel_loop3A_200, %parallel_loop3A_154 : vector<16xf32>
            %parallel_loop3A_202 = arith.constant 96 : i32
            %parallel_loop3A_203 = vector.broadcast %parallel_loop3A_202 : i32 to vector<16xi32>
            %parallel_loop3A_204 = arith.addi %iota3A, %parallel_loop3A_203 : vector<16xi32>
            tpu.vector_store_idx %arg8[%parallel_loop3A_155, %parallel_loop3A_204], %parallel_loop3A_201 {add = true} : memref<632x128xf32, #tpu.memory_space<vmem>>[vector<16xi32>, vector<16xi32>], vector<16xf32>,
            %parallel_loop3A_205 = arith.index_cast %parallel_loop3A_151 : i32 to index
            %parallel_loop3A_206 = arith.constant 112 : index
            %parallel_loop3A_207 = tpu.vector_load %arg15[%parallel_loop3A_205, %parallel_loop3A_206] {strides = array<i32>} : memref<16x128xf32, #tpu.memory_space<vmem>>, vector<16xf32>,
            %parallel_loop3A_208 = arith.mulf %parallel_loop3A_207, %parallel_loop3A_154 : vector<16xf32>
            %parallel_loop3A_209 = arith.constant 112 : i32
            %parallel_loop3A_210 = vector.broadcast %parallel_loop3A_209 : i32 to vector<16xi32>
            %parallel_loop3A_211 = arith.addi %iota3A, %parallel_loop3A_210 : vector<16xi32>
            tpu.vector_store_idx %arg8[%parallel_loop3A_155, %parallel_loop3A_211], %parallel_loop3A_208 {add = true} : memref<632x128xf32, #tpu.memory_space<vmem>>[vector<16xi32>, vector<16xi32>], vector<16xf32>,
          } {sc.loop_unroll_factor = 4 : i64, sc.parallel_access}
        } else {
        }
        %rem3A_114 = arith.constant 4 : i32
        %rem3A_115 = arith.remsi %while3A_105, %rem3A_114 : i32
        %eq3A_116 = arith.constant 1 : i32
        %eq3A_117 = arith.cmpi eq, %rem3A_115, %eq3A_116 : i32
        %convert_element_type3A_118 = arith.extui %eq3A_117 : i1 to i32
        %cond3A_119 = arith.constant 0 : i32
        %cond3A_120 = arith.cmpi ne, %convert_element_type3A_118, %cond3A_119 : i32
        scf.if %cond3A_120 {
          %add3A_136 = arith.constant 3 : i32
          %add3A_137 = arith.addi %while3A_105, %add3A_136 : i32
          %lt3A_138 = arith.cmpi slt, %add3A_137, %select_n3A : i32
          %convert_element_type3A_139 = arith.extui %lt3A_138 : i1 to i32
          %cond3A_140 = arith.constant 0 : i32
          %cond3A_141 = arith.cmpi ne, %convert_element_type3A_139, %cond3A_140 : i32
          scf.if %cond3A_141 {
            %add3A_151 = arith.constant 3 : i32
            %add3A_152 = arith.addi %while3A_105, %add3A_151 : i32
            %mul3A_153 = arith.constant 16 : i32
            %mul3A_154 = arith.muli %add3A_152, %mul3A_153 : i32
            %dma_start3A_155 = tpu.memref_slice %arg12[%mul3A_154] : memref<3216xi32, #tpu.memory_space<vmem>> -> memref<16xi32, #tpu.memory_space<vmem>>
            %dma_start3A_156 = arith.constant 0 : i32
            %dma_start3A_157 = arith.constant 0 : i32
            %dma_start3A_158 = tpu.memref_slice %arg2[%dma_start3A_156, %dma_start3A_157] : memref<20000x128xf32, #tpu.memory_space<hbm>> -> memref<20000x128xf32, #tpu.memory_space<hbm>>
            tpu.enqueue_indirect_dma source(%dma_start3A_158 : memref<20000x128xf32, #tpu.memory_space<hbm>>) target(%arg15 : memref<16x128xf32, #tpu.memory_space<vmem>>) offsets(%dma_start3A_155 : memref<16xi32, #tpu.memory_space<vmem>>) semaphore(%arg21 : memref<!tpu.dma_semaphore, #tpu.memory_space<semaphore_mem>>)
          } else {
          }
          %mul3A_142 = arith.constant 16 : i32
          %mul3A_143 = arith.muli %while3A_105, %mul3A_142 : i32
          %dma_wait3A_144 = tpu.memref_slice %arg12[%mul3A_143] : memref<3216xi32, #tpu.memory_space<vmem>> -> memref<16xi32, #tpu.memory_space<vmem>>
          %dma_wait3A_145 = arith.constant 0 : i32
          %dma_wait3A_146 = arith.constant 0 : i32
          %dma_wait3A_147 = tpu.memref_slice %arg2[%dma_wait3A_145, %dma_wait3A_146] : memref<20000x128xf32, #tpu.memory_space<hbm>> -> memref<20000x128xf32, #tpu.memory_space<hbm>>
          tpu.wait_indirect_dma semaphore(%arg22 : memref<!tpu.dma_semaphore, #tpu.memory_space<semaphore_mem>>) src(%dma_wait3A_147 : memref<20000x128xf32, #tpu.memory_space<hbm>>) dst(%arg16 : memref<16x128xf32, #tpu.memory_space<vmem>>)
          %parallel_loop3A_148 = arith.constant 0 : i32
          %parallel_loop3A_149 = arith.constant 16 : i32
          %parallel_loop3A_150 = arith.constant 1 : i32
          scf.for %parallel_loop3A_151 = %parallel_loop3A_148 to %parallel_loop3A_149 step %parallel_loop3A_150  : i32 {
            %parallel_loop3A_152 = arith.addi %mul3A_143, %parallel_loop3A_151 : i32
            %parallel_loop3A_153 = vector.broadcast %parallel_loop3A_152 : i32 to vector<16xi32>
            %parallel_loop3A_154 = tpu.vector_load_idx %arg14[%parallel_loop3A_153] : memref<3216xf32, #tpu.memory_space<vmem>>[vector<16xi32>], vector<16xf32>,
            %parallel_loop3A_155 = tpu.vector_load_idx %arg13[%parallel_loop3A_153] : memref<3216xi32, #tpu.memory_space<vmem>>[vector<16xi32>], vector<16xi32>,
            %parallel_loop3A_156 = arith.index_cast %parallel_loop3A_151 : i32 to index
            %parallel_loop3A_157 = arith.constant 0 : index
            %parallel_loop3A_158 = tpu.vector_load %arg16[%parallel_loop3A_156, %parallel_loop3A_157] {strides = array<i32>} : memref<16x128xf32, #tpu.memory_space<vmem>>, vector<16xf32>,
            %parallel_loop3A_159 = arith.mulf %parallel_loop3A_158, %parallel_loop3A_154 : vector<16xf32>
            %parallel_loop3A_160 = arith.constant 0 : i32
            %parallel_loop3A_161 = vector.broadcast %parallel_loop3A_160 : i32 to vector<16xi32>
            %parallel_loop3A_162 = arith.addi %iota3A, %parallel_loop3A_161 : vector<16xi32>
            tpu.vector_store_idx %arg8[%parallel_loop3A_155, %parallel_loop3A_162], %parallel_loop3A_159 {add = true} : memref<632x128xf32, #tpu.memory_space<vmem>>[vector<16xi32>, vector<16xi32>], vector<16xf32>,
            %parallel_loop3A_163 = arith.index_cast %parallel_loop3A_151 : i32 to index
            %parallel_loop3A_164 = arith.constant 16 : index
            %parallel_loop3A_165 = tpu.vector_load %arg16[%parallel_loop3A_163, %parallel_loop3A_164] {strides = array<i32>} : memref<16x128xf32, #tpu.memory_space<vmem>>, vector<16xf32>,
            %parallel_loop3A_166 = arith.mulf %parallel_loop3A_165, %parallel_loop3A_154 : vector<16xf32>
            %parallel_loop3A_167 = arith.constant 16 : i32
            %parallel_loop3A_168 = vector.broadcast %parallel_loop3A_167 : i32 to vector<16xi32>
            %parallel_loop3A_169 = arith.addi %iota3A, %parallel_loop3A_168 : vector<16xi32>
            tpu.vector_store_idx %arg8[%parallel_loop3A_155, %parallel_loop3A_169], %parallel_loop3A_166 {add = true} : memref<632x128xf32, #tpu.memory_space<vmem>>[vector<16xi32>, vector<16xi32>], vector<16xf32>,
            %parallel_loop3A_170 = arith.index_cast %parallel_loop3A_151 : i32 to index
            %parallel_loop3A_171 = arith.constant 32 : index
            %parallel_loop3A_172 = tpu.vector_load %arg16[%parallel_loop3A_170, %parallel_loop3A_171] {strides = array<i32>} : memref<16x128xf32, #tpu.memory_space<vmem>>, vector<16xf32>,
            %parallel_loop3A_173 = arith.mulf %parallel_loop3A_172, %parallel_loop3A_154 : vector<16xf32>
            %parallel_loop3A_174 = arith.constant 32 : i32
            %parallel_loop3A_175 = vector.broadcast %parallel_loop3A_174 : i32 to vector<16xi32>
            %parallel_loop3A_176 = arith.addi %iota3A, %parallel_loop3A_175 : vector<16xi32>
            tpu.vector_store_idx %arg8[%parallel_loop3A_155, %parallel_loop3A_176], %parallel_loop3A_173 {add = true} : memref<632x128xf32, #tpu.memory_space<vmem>>[vector<16xi32>, vector<16xi32>], vector<16xf32>,
            %parallel_loop3A_177 = arith.index_cast %parallel_loop3A_151 : i32 to index
            %parallel_loop3A_178 = arith.constant 48 : index
            %parallel_loop3A_179 = tpu.vector_load %arg16[%parallel_loop3A_177, %parallel_loop3A_178] {strides = array<i32>} : memref<16x128xf32, #tpu.memory_space<vmem>>, vector<16xf32>,
            %parallel_loop3A_180 = arith.mulf %parallel_loop3A_179, %parallel_loop3A_154 : vector<16xf32>
            %parallel_loop3A_181 = arith.constant 48 : i32
            %parallel_loop3A_182 = vector.broadcast %parallel_loop3A_181 : i32 to vector<16xi32>
            %parallel_loop3A_183 = arith.addi %iota3A, %parallel_loop3A_182 : vector<16xi32>
            tpu.vector_store_idx %arg8[%parallel_loop3A_155, %parallel_loop3A_183], %parallel_loop3A_180 {add = true} : memref<632x128xf32, #tpu.memory_space<vmem>>[vector<16xi32>, vector<16xi32>], vector<16xf32>,
            %parallel_loop3A_184 = arith.index_cast %parallel_loop3A_151 : i32 to index
            %parallel_loop3A_185 = arith.constant 64 : index
            %parallel_loop3A_186 = tpu.vector_load %arg16[%parallel_loop3A_184, %parallel_loop3A_185] {strides = array<i32>} : memref<16x128xf32, #tpu.memory_space<vmem>>, vector<16xf32>,
            %parallel_loop3A_187 = arith.mulf %parallel_loop3A_186, %parallel_loop3A_154 : vector<16xf32>
            %parallel_loop3A_188 = arith.constant 64 : i32
            %parallel_loop3A_189 = vector.broadcast %parallel_loop3A_188 : i32 to vector<16xi32>
            %parallel_loop3A_190 = arith.addi %iota3A, %parallel_loop3A_189 : vector<16xi32>
            tpu.vector_store_idx %arg8[%parallel_loop3A_155, %parallel_loop3A_190], %parallel_loop3A_187 {add = true} : memref<632x128xf32, #tpu.memory_space<vmem>>[vector<16xi32>, vector<16xi32>], vector<16xf32>,
            %parallel_loop3A_191 = arith.index_cast %parallel_loop3A_151 : i32 to index
            %parallel_loop3A_192 = arith.constant 80 : index
            %parallel_loop3A_193 = tpu.vector_load %arg16[%parallel_loop3A_191, %parallel_loop3A_192] {strides = array<i32>} : memref<16x128xf32, #tpu.memory_space<vmem>>, vector<16xf32>,
            %parallel_loop3A_194 = arith.mulf %parallel_loop3A_193, %parallel_loop3A_154 : vector<16xf32>
            %parallel_loop3A_195 = arith.constant 80 : i32
            %parallel_loop3A_196 = vector.broadcast %parallel_loop3A_195 : i32 to vector<16xi32>
            %parallel_loop3A_197 = arith.addi %iota3A, %parallel_loop3A_196 : vector<16xi32>
            tpu.vector_store_idx %arg8[%parallel_loop3A_155, %parallel_loop3A_197], %parallel_loop3A_194 {add = true} : memref<632x128xf32, #tpu.memory_space<vmem>>[vector<16xi32>, vector<16xi32>], vector<16xf32>,
            %parallel_loop3A_198 = arith.index_cast %parallel_loop3A_151 : i32 to index
            %parallel_loop3A_199 = arith.constant 96 : index
            %parallel_loop3A_200 = tpu.vector_load %arg16[%parallel_loop3A_198, %parallel_loop3A_199] {strides = array<i32>} : memref<16x128xf32, #tpu.memory_space<vmem>>, vector<16xf32>,
            %parallel_loop3A_201 = arith.mulf %parallel_loop3A_200, %parallel_loop3A_154 : vector<16xf32>
            %parallel_loop3A_202 = arith.constant 96 : i32
            %parallel_loop3A_203 = vector.broadcast %parallel_loop3A_202 : i32 to vector<16xi32>
            %parallel_loop3A_204 = arith.addi %iota3A, %parallel_loop3A_203 : vector<16xi32>
            tpu.vector_store_idx %arg8[%parallel_loop3A_155, %parallel_loop3A_204], %parallel_loop3A_201 {add = true} : memref<632x128xf32, #tpu.memory_space<vmem>>[vector<16xi32>, vector<16xi32>], vector<16xf32>,
            %parallel_loop3A_205 = arith.index_cast %parallel_loop3A_151 : i32 to index
            %parallel_loop3A_206 = arith.constant 112 : index
            %parallel_loop3A_207 = tpu.vector_load %arg16[%parallel_loop3A_205, %parallel_loop3A_206] {strides = array<i32>} : memref<16x128xf32, #tpu.memory_space<vmem>>, vector<16xf32>,
            %parallel_loop3A_208 = arith.mulf %parallel_loop3A_207, %parallel_loop3A_154 : vector<16xf32>
            %parallel_loop3A_209 = arith.constant 112 : i32
            %parallel_loop3A_210 = vector.broadcast %parallel_loop3A_209 : i32 to vector<16xi32>
            %parallel_loop3A_211 = arith.addi %iota3A, %parallel_loop3A_210 : vector<16xi32>
            tpu.vector_store_idx %arg8[%parallel_loop3A_155, %parallel_loop3A_211], %parallel_loop3A_208 {add = true} : memref<632x128xf32, #tpu.memory_space<vmem>>[vector<16xi32>, vector<16xi32>], vector<16xf32>,
          } {sc.loop_unroll_factor = 4 : i64, sc.parallel_access}
        } else {
        }
        %rem3A_121 = arith.constant 4 : i32
        %rem3A_122 = arith.remsi %while3A_105, %rem3A_121 : i32
        %eq3A_123 = arith.constant 2 : i32
        %eq3A_124 = arith.cmpi eq, %rem3A_122, %eq3A_123 : i32
        %convert_element_type3A_125 = arith.extui %eq3A_124 : i1 to i32
        %cond3A_126 = arith.constant 0 : i32
        %cond3A_127 = arith.cmpi ne, %convert_element_type3A_125, %cond3A_126 : i32
        scf.if %cond3A_127 {
          %add3A_136 = arith.constant 3 : i32
          %add3A_137 = arith.addi %while3A_105, %add3A_136 : i32
          %lt3A_138 = arith.cmpi slt, %add3A_137, %select_n3A : i32
          %convert_element_type3A_139 = arith.extui %lt3A_138 : i1 to i32
          %cond3A_140 = arith.constant 0 : i32
          %cond3A_141 = arith.cmpi ne, %convert_element_type3A_139, %cond3A_140 : i32
          scf.if %cond3A_141 {
            %add3A_151 = arith.constant 3 : i32
            %add3A_152 = arith.addi %while3A_105, %add3A_151 : i32
            %mul3A_153 = arith.constant 16 : i32
            %mul3A_154 = arith.muli %add3A_152, %mul3A_153 : i32
            %dma_start3A_155 = tpu.memref_slice %arg12[%mul3A_154] : memref<3216xi32, #tpu.memory_space<vmem>> -> memref<16xi32, #tpu.memory_space<vmem>>
            %dma_start3A_156 = arith.constant 0 : i32
            %dma_start3A_157 = arith.constant 0 : i32
            %dma_start3A_158 = tpu.memref_slice %arg2[%dma_start3A_156, %dma_start3A_157] : memref<20000x128xf32, #tpu.memory_space<hbm>> -> memref<20000x128xf32, #tpu.memory_space<hbm>>
            tpu.enqueue_indirect_dma source(%dma_start3A_158 : memref<20000x128xf32, #tpu.memory_space<hbm>>) target(%arg16 : memref<16x128xf32, #tpu.memory_space<vmem>>) offsets(%dma_start3A_155 : memref<16xi32, #tpu.memory_space<vmem>>) semaphore(%arg22 : memref<!tpu.dma_semaphore, #tpu.memory_space<semaphore_mem>>)
          } else {
          }
          %mul3A_142 = arith.constant 16 : i32
          %mul3A_143 = arith.muli %while3A_105, %mul3A_142 : i32
          %dma_wait3A_144 = tpu.memref_slice %arg12[%mul3A_143] : memref<3216xi32, #tpu.memory_space<vmem>> -> memref<16xi32, #tpu.memory_space<vmem>>
          %dma_wait3A_145 = arith.constant 0 : i32
          %dma_wait3A_146 = arith.constant 0 : i32
          %dma_wait3A_147 = tpu.memref_slice %arg2[%dma_wait3A_145, %dma_wait3A_146] : memref<20000x128xf32, #tpu.memory_space<hbm>> -> memref<20000x128xf32, #tpu.memory_space<hbm>>
          tpu.wait_indirect_dma semaphore(%arg23 : memref<!tpu.dma_semaphore, #tpu.memory_space<semaphore_mem>>) src(%dma_wait3A_147 : memref<20000x128xf32, #tpu.memory_space<hbm>>) dst(%arg17 : memref<16x128xf32, #tpu.memory_space<vmem>>)
          %parallel_loop3A_148 = arith.constant 0 : i32
          %parallel_loop3A_149 = arith.constant 16 : i32
          %parallel_loop3A_150 = arith.constant 1 : i32
          scf.for %parallel_loop3A_151 = %parallel_loop3A_148 to %parallel_loop3A_149 step %parallel_loop3A_150  : i32 {
            %parallel_loop3A_152 = arith.addi %mul3A_143, %parallel_loop3A_151 : i32
            %parallel_loop3A_153 = vector.broadcast %parallel_loop3A_152 : i32 to vector<16xi32>
            %parallel_loop3A_154 = tpu.vector_load_idx %arg14[%parallel_loop3A_153] : memref<3216xf32, #tpu.memory_space<vmem>>[vector<16xi32>], vector<16xf32>,
            %parallel_loop3A_155 = tpu.vector_load_idx %arg13[%parallel_loop3A_153] : memref<3216xi32, #tpu.memory_space<vmem>>[vector<16xi32>], vector<16xi32>,
            %parallel_loop3A_156 = arith.index_cast %parallel_loop3A_151 : i32 to index
            %parallel_loop3A_157 = arith.constant 0 : index
            %parallel_loop3A_158 = tpu.vector_load %arg17[%parallel_loop3A_156, %parallel_loop3A_157] {strides = array<i32>} : memref<16x128xf32, #tpu.memory_space<vmem>>, vector<16xf32>,
            %parallel_loop3A_159 = arith.mulf %parallel_loop3A_158, %parallel_loop3A_154 : vector<16xf32>
            %parallel_loop3A_160 = arith.constant 0 : i32
            %parallel_loop3A_161 = vector.broadcast %parallel_loop3A_160 : i32 to vector<16xi32>
            %parallel_loop3A_162 = arith.addi %iota3A, %parallel_loop3A_161 : vector<16xi32>
            tpu.vector_store_idx %arg8[%parallel_loop3A_155, %parallel_loop3A_162], %parallel_loop3A_159 {add = true} : memref<632x128xf32, #tpu.memory_space<vmem>>[vector<16xi32>, vector<16xi32>], vector<16xf32>,
            %parallel_loop3A_163 = arith.index_cast %parallel_loop3A_151 : i32 to index
            %parallel_loop3A_164 = arith.constant 16 : index
            %parallel_loop3A_165 = tpu.vector_load %arg17[%parallel_loop3A_163, %parallel_loop3A_164] {strides = array<i32>} : memref<16x128xf32, #tpu.memory_space<vmem>>, vector<16xf32>,
            %parallel_loop3A_166 = arith.mulf %parallel_loop3A_165, %parallel_loop3A_154 : vector<16xf32>
            %parallel_loop3A_167 = arith.constant 16 : i32
            %parallel_loop3A_168 = vector.broadcast %parallel_loop3A_167 : i32 to vector<16xi32>
            %parallel_loop3A_169 = arith.addi %iota3A, %parallel_loop3A_168 : vector<16xi32>
            tpu.vector_store_idx %arg8[%parallel_loop3A_155, %parallel_loop3A_169], %parallel_loop3A_166 {add = true} : memref<632x128xf32, #tpu.memory_space<vmem>>[vector<16xi32>, vector<16xi32>], vector<16xf32>,
            %parallel_loop3A_170 = arith.index_cast %parallel_loop3A_151 : i32 to index
            %parallel_loop3A_171 = arith.constant 32 : index
            %parallel_loop3A_172 = tpu.vector_load %arg17[%parallel_loop3A_170, %parallel_loop3A_171] {strides = array<i32>} : memref<16x128xf32, #tpu.memory_space<vmem>>, vector<16xf32>,
            %parallel_loop3A_173 = arith.mulf %parallel_loop3A_172, %parallel_loop3A_154 : vector<16xf32>
            %parallel_loop3A_174 = arith.constant 32 : i32
            %parallel_loop3A_175 = vector.broadcast %parallel_loop3A_174 : i32 to vector<16xi32>
            %parallel_loop3A_176 = arith.addi %iota3A, %parallel_loop3A_175 : vector<16xi32>
            tpu.vector_store_idx %arg8[%parallel_loop3A_155, %parallel_loop3A_176], %parallel_loop3A_173 {add = true} : memref<632x128xf32, #tpu.memory_space<vmem>>[vector<16xi32>, vector<16xi32>], vector<16xf32>,
            %parallel_loop3A_177 = arith.index_cast %parallel_loop3A_151 : i32 to index
            %parallel_loop3A_178 = arith.constant 48 : index
            %parallel_loop3A_179 = tpu.vector_load %arg17[%parallel_loop3A_177, %parallel_loop3A_178] {strides = array<i32>} : memref<16x128xf32, #tpu.memory_space<vmem>>, vector<16xf32>,
            %parallel_loop3A_180 = arith.mulf %parallel_loop3A_179, %parallel_loop3A_154 : vector<16xf32>
            %parallel_loop3A_181 = arith.constant 48 : i32
            %parallel_loop3A_182 = vector.broadcast %parallel_loop3A_181 : i32 to vector<16xi32>
            %parallel_loop3A_183 = arith.addi %iota3A, %parallel_loop3A_182 : vector<16xi32>
            tpu.vector_store_idx %arg8[%parallel_loop3A_155, %parallel_loop3A_183], %parallel_loop3A_180 {add = true} : memref<632x128xf32, #tpu.memory_space<vmem>>[vector<16xi32>, vector<16xi32>], vector<16xf32>,
            %parallel_loop3A_184 = arith.index_cast %parallel_loop3A_151 : i32 to index
            %parallel_loop3A_185 = arith.constant 64 : index
            %parallel_loop3A_186 = tpu.vector_load %arg17[%parallel_loop3A_184, %parallel_loop3A_185] {strides = array<i32>} : memref<16x128xf32, #tpu.memory_space<vmem>>, vector<16xf32>,
            %parallel_loop3A_187 = arith.mulf %parallel_loop3A_186, %parallel_loop3A_154 : vector<16xf32>
            %parallel_loop3A_188 = arith.constant 64 : i32
            %parallel_loop3A_189 = vector.broadcast %parallel_loop3A_188 : i32 to vector<16xi32>
            %parallel_loop3A_190 = arith.addi %iota3A, %parallel_loop3A_189 : vector<16xi32>
            tpu.vector_store_idx %arg8[%parallel_loop3A_155, %parallel_loop3A_190], %parallel_loop3A_187 {add = true} : memref<632x128xf32, #tpu.memory_space<vmem>>[vector<16xi32>, vector<16xi32>], vector<16xf32>,
            %parallel_loop3A_191 = arith.index_cast %parallel_loop3A_151 : i32 to index
            %parallel_loop3A_192 = arith.constant 80 : index
            %parallel_loop3A_193 = tpu.vector_load %arg17[%parallel_loop3A_191, %parallel_loop3A_192] {strides = array<i32>} : memref<16x128xf32, #tpu.memory_space<vmem>>, vector<16xf32>,
            %parallel_loop3A_194 = arith.mulf %parallel_loop3A_193, %parallel_loop3A_154 : vector<16xf32>
            %parallel_loop3A_195 = arith.constant 80 : i32
            %parallel_loop3A_196 = vector.broadcast %parallel_loop3A_195 : i32 to vector<16xi32>
            %parallel_loop3A_197 = arith.addi %iota3A, %parallel_loop3A_196 : vector<16xi32>
            tpu.vector_store_idx %arg8[%parallel_loop3A_155, %parallel_loop3A_197], %parallel_loop3A_194 {add = true} : memref<632x128xf32, #tpu.memory_space<vmem>>[vector<16xi32>, vector<16xi32>], vector<16xf32>,
            %parallel_loop3A_198 = arith.index_cast %parallel_loop3A_151 : i32 to index
            %parallel_loop3A_199 = arith.constant 96 : index
            %parallel_loop3A_200 = tpu.vector_load %arg17[%parallel_loop3A_198, %parallel_loop3A_199] {strides = array<i32>} : memref<16x128xf32, #tpu.memory_space<vmem>>, vector<16xf32>,
            %parallel_loop3A_201 = arith.mulf %parallel_loop3A_200, %parallel_loop3A_154 : vector<16xf32>
            %parallel_loop3A_202 = arith.constant 96 : i32
            %parallel_loop3A_203 = vector.broadcast %parallel_loop3A_202 : i32 to vector<16xi32>
            %parallel_loop3A_204 = arith.addi %iota3A, %parallel_loop3A_203 : vector<16xi32>
            tpu.vector_store_idx %arg8[%parallel_loop3A_155, %parallel_loop3A_204], %parallel_loop3A_201 {add = true} : memref<632x128xf32, #tpu.memory_space<vmem>>[vector<16xi32>, vector<16xi32>], vector<16xf32>,
            %parallel_loop3A_205 = arith.index_cast %parallel_loop3A_151 : i32 to index
            %parallel_loop3A_206 = arith.constant 112 : index
            %parallel_loop3A_207 = tpu.vector_load %arg17[%parallel_loop3A_205, %parallel_loop3A_206] {strides = array<i32>} : memref<16x128xf32, #tpu.memory_space<vmem>>, vector<16xf32>,
            %parallel_loop3A_208 = arith.mulf %parallel_loop3A_207, %parallel_loop3A_154 : vector<16xf32>
            %parallel_loop3A_209 = arith.constant 112 : i32
            %parallel_loop3A_210 = vector.broadcast %parallel_loop3A_209 : i32 to vector<16xi32>
            %parallel_loop3A_211 = arith.addi %iota3A, %parallel_loop3A_210 : vector<16xi32>
            tpu.vector_store_idx %arg8[%parallel_loop3A_155, %parallel_loop3A_211], %parallel_loop3A_208 {add = true} : memref<632x128xf32, #tpu.memory_space<vmem>>[vector<16xi32>, vector<16xi32>], vector<16xf32>,
          } {sc.loop_unroll_factor = 4 : i64, sc.parallel_access}
        } else {
        }
        %rem3A_128 = arith.constant 4 : i32
        %rem3A_129 = arith.remsi %while3A_105, %rem3A_128 : i32
        %eq3A_130 = arith.constant 3 : i32
        %eq3A_131 = arith.cmpi eq, %rem3A_129, %eq3A_130 : i32
        %convert_element_type3A_132 = arith.extui %eq3A_131 : i1 to i32
        %cond3A_133 = arith.constant 0 : i32
        %cond3A_134 = arith.cmpi ne, %convert_element_type3A_132, %cond3A_133 : i32
        scf.if %cond3A_134 {
          %add3A_136 = arith.constant 3 : i32
          %add3A_137 = arith.addi %while3A_105, %add3A_136 : i32
          %lt3A_138 = arith.cmpi slt, %add3A_137, %select_n3A : i32
          %convert_element_type3A_139 = arith.extui %lt3A_138 : i1 to i32
          %cond3A_140 = arith.constant 0 : i32
          %cond3A_141 = arith.cmpi ne, %convert_element_type3A_139, %cond3A_140 : i32
          scf.if %cond3A_141 {
            %add3A_151 = arith.constant 3 : i32
            %add3A_152 = arith.addi %while3A_105, %add3A_151 : i32
            %mul3A_153 = arith.constant 16 : i32
            %mul3A_154 = arith.muli %add3A_152, %mul3A_153 : i32
            %dma_start3A_155 = tpu.memref_slice %arg12[%mul3A_154] : memref<3216xi32, #tpu.memory_space<vmem>> -> memref<16xi32, #tpu.memory_space<vmem>>
            %dma_start3A_156 = arith.constant 0 : i32
            %dma_start3A_157 = arith.constant 0 : i32
            %dma_start3A_158 = tpu.memref_slice %arg2[%dma_start3A_156, %dma_start3A_157] : memref<20000x128xf32, #tpu.memory_space<hbm>> -> memref<20000x128xf32, #tpu.memory_space<hbm>>
            tpu.enqueue_indirect_dma source(%dma_start3A_158 : memref<20000x128xf32, #tpu.memory_space<hbm>>) target(%arg17 : memref<16x128xf32, #tpu.memory_space<vmem>>) offsets(%dma_start3A_155 : memref<16xi32, #tpu.memory_space<vmem>>) semaphore(%arg23 : memref<!tpu.dma_semaphore, #tpu.memory_space<semaphore_mem>>)
          } else {
          }
          %mul3A_142 = arith.constant 16 : i32
          %mul3A_143 = arith.muli %while3A_105, %mul3A_142 : i32
          %dma_wait3A_144 = tpu.memref_slice %arg12[%mul3A_143] : memref<3216xi32, #tpu.memory_space<vmem>> -> memref<16xi32, #tpu.memory_space<vmem>>
          %dma_wait3A_145 = arith.constant 0 : i32
          %dma_wait3A_146 = arith.constant 0 : i32
          %dma_wait3A_147 = tpu.memref_slice %arg2[%dma_wait3A_145, %dma_wait3A_146] : memref<20000x128xf32, #tpu.memory_space<hbm>> -> memref<20000x128xf32, #tpu.memory_space<hbm>>
          tpu.wait_indirect_dma semaphore(%arg24 : memref<!tpu.dma_semaphore, #tpu.memory_space<semaphore_mem>>) src(%dma_wait3A_147 : memref<20000x128xf32, #tpu.memory_space<hbm>>) dst(%arg18 : memref<16x128xf32, #tpu.memory_space<vmem>>)
          %parallel_loop3A_148 = arith.constant 0 : i32
          %parallel_loop3A_149 = arith.constant 16 : i32
          %parallel_loop3A_150 = arith.constant 1 : i32
          scf.for %parallel_loop3A_151 = %parallel_loop3A_148 to %parallel_loop3A_149 step %parallel_loop3A_150  : i32 {
            %parallel_loop3A_152 = arith.addi %mul3A_143, %parallel_loop3A_151 : i32
            %parallel_loop3A_153 = vector.broadcast %parallel_loop3A_152 : i32 to vector<16xi32>
            %parallel_loop3A_154 = tpu.vector_load_idx %arg14[%parallel_loop3A_153] : memref<3216xf32, #tpu.memory_space<vmem>>[vector<16xi32>], vector<16xf32>,
            %parallel_loop3A_155 = tpu.vector_load_idx %arg13[%parallel_loop3A_153] : memref<3216xi32, #tpu.memory_space<vmem>>[vector<16xi32>], vector<16xi32>,
            %parallel_loop3A_156 = arith.index_cast %parallel_loop3A_151 : i32 to index
            %parallel_loop3A_157 = arith.constant 0 : index
            %parallel_loop3A_158 = tpu.vector_load %arg18[%parallel_loop3A_156, %parallel_loop3A_157] {strides = array<i32>} : memref<16x128xf32, #tpu.memory_space<vmem>>, vector<16xf32>,
            %parallel_loop3A_159 = arith.mulf %parallel_loop3A_158, %parallel_loop3A_154 : vector<16xf32>
            %parallel_loop3A_160 = arith.constant 0 : i32
            %parallel_loop3A_161 = vector.broadcast %parallel_loop3A_160 : i32 to vector<16xi32>
            %parallel_loop3A_162 = arith.addi %iota3A, %parallel_loop3A_161 : vector<16xi32>
            tpu.vector_store_idx %arg8[%parallel_loop3A_155, %parallel_loop3A_162], %parallel_loop3A_159 {add = true} : memref<632x128xf32, #tpu.memory_space<vmem>>[vector<16xi32>, vector<16xi32>], vector<16xf32>,
            %parallel_loop3A_163 = arith.index_cast %parallel_loop3A_151 : i32 to index
            %parallel_loop3A_164 = arith.constant 16 : index
            %parallel_loop3A_165 = tpu.vector_load %arg18[%parallel_loop3A_163, %parallel_loop3A_164] {strides = array<i32>} : memref<16x128xf32, #tpu.memory_space<vmem>>, vector<16xf32>,
            %parallel_loop3A_166 = arith.mulf %parallel_loop3A_165, %parallel_loop3A_154 : vector<16xf32>
            %parallel_loop3A_167 = arith.constant 16 : i32
            %parallel_loop3A_168 = vector.broadcast %parallel_loop3A_167 : i32 to vector<16xi32>
            %parallel_loop3A_169 = arith.addi %iota3A, %parallel_loop3A_168 : vector<16xi32>
            tpu.vector_store_idx %arg8[%parallel_loop3A_155, %parallel_loop3A_169], %parallel_loop3A_166 {add = true} : memref<632x128xf32, #tpu.memory_space<vmem>>[vector<16xi32>, vector<16xi32>], vector<16xf32>,
            %parallel_loop3A_170 = arith.index_cast %parallel_loop3A_151 : i32 to index
            %parallel_loop3A_171 = arith.constant 32 : index
            %parallel_loop3A_172 = tpu.vector_load %arg18[%parallel_loop3A_170, %parallel_loop3A_171] {strides = array<i32>} : memref<16x128xf32, #tpu.memory_space<vmem>>, vector<16xf32>,
            %parallel_loop3A_173 = arith.mulf %parallel_loop3A_172, %parallel_loop3A_154 : vector<16xf32>
            %parallel_loop3A_174 = arith.constant 32 : i32
            %parallel_loop3A_175 = vector.broadcast %parallel_loop3A_174 : i32 to vector<16xi32>
            %parallel_loop3A_176 = arith.addi %iota3A, %parallel_loop3A_175 : vector<16xi32>
            tpu.vector_store_idx %arg8[%parallel_loop3A_155, %parallel_loop3A_176], %parallel_loop3A_173 {add = true} : memref<632x128xf32, #tpu.memory_space<vmem>>[vector<16xi32>, vector<16xi32>], vector<16xf32>,
            %parallel_loop3A_177 = arith.index_cast %parallel_loop3A_151 : i32 to index
            %parallel_loop3A_178 = arith.constant 48 : index
            %parallel_loop3A_179 = tpu.vector_load %arg18[%parallel_loop3A_177, %parallel_loop3A_178] {strides = array<i32>} : memref<16x128xf32, #tpu.memory_space<vmem>>, vector<16xf32>,
            %parallel_loop3A_180 = arith.mulf %parallel_loop3A_179, %parallel_loop3A_154 : vector<16xf32>
            %parallel_loop3A_181 = arith.constant 48 : i32
            %parallel_loop3A_182 = vector.broadcast %parallel_loop3A_181 : i32 to vector<16xi32>
            %parallel_loop3A_183 = arith.addi %iota3A, %parallel_loop3A_182 : vector<16xi32>
            tpu.vector_store_idx %arg8[%parallel_loop3A_155, %parallel_loop3A_183], %parallel_loop3A_180 {add = true} : memref<632x128xf32, #tpu.memory_space<vmem>>[vector<16xi32>, vector<16xi32>], vector<16xf32>,
            %parallel_loop3A_184 = arith.index_cast %parallel_loop3A_151 : i32 to index
            %parallel_loop3A_185 = arith.constant 64 : index
            %parallel_loop3A_186 = tpu.vector_load %arg18[%parallel_loop3A_184, %parallel_loop3A_185] {strides = array<i32>} : memref<16x128xf32, #tpu.memory_space<vmem>>, vector<16xf32>,
            %parallel_loop3A_187 = arith.mulf %parallel_loop3A_186, %parallel_loop3A_154 : vector<16xf32>
            %parallel_loop3A_188 = arith.constant 64 : i32
            %parallel_loop3A_189 = vector.broadcast %parallel_loop3A_188 : i32 to vector<16xi32>
            %parallel_loop3A_190 = arith.addi %iota3A, %parallel_loop3A_189 : vector<16xi32>
            tpu.vector_store_idx %arg8[%parallel_loop3A_155, %parallel_loop3A_190], %parallel_loop3A_187 {add = true} : memref<632x128xf32, #tpu.memory_space<vmem>>[vector<16xi32>, vector<16xi32>], vector<16xf32>,
            %parallel_loop3A_191 = arith.index_cast %parallel_loop3A_151 : i32 to index
            %parallel_loop3A_192 = arith.constant 80 : index
            %parallel_loop3A_193 = tpu.vector_load %arg18[%parallel_loop3A_191, %parallel_loop3A_192] {strides = array<i32>} : memref<16x128xf32, #tpu.memory_space<vmem>>, vector<16xf32>,
            %parallel_loop3A_194 = arith.mulf %parallel_loop3A_193, %parallel_loop3A_154 : vector<16xf32>
            %parallel_loop3A_195 = arith.constant 80 : i32
            %parallel_loop3A_196 = vector.broadcast %parallel_loop3A_195 : i32 to vector<16xi32>
            %parallel_loop3A_197 = arith.addi %iota3A, %parallel_loop3A_196 : vector<16xi32>
            tpu.vector_store_idx %arg8[%parallel_loop3A_155, %parallel_loop3A_197], %parallel_loop3A_194 {add = true} : memref<632x128xf32, #tpu.memory_space<vmem>>[vector<16xi32>, vector<16xi32>], vector<16xf32>,
            %parallel_loop3A_198 = arith.index_cast %parallel_loop3A_151 : i32 to index
            %parallel_loop3A_199 = arith.constant 96 : index
            %parallel_loop3A_200 = tpu.vector_load %arg18[%parallel_loop3A_198, %parallel_loop3A_199] {strides = array<i32>} : memref<16x128xf32, #tpu.memory_space<vmem>>, vector<16xf32>,
            %parallel_loop3A_201 = arith.mulf %parallel_loop3A_200, %parallel_loop3A_154 : vector<16xf32>
            %parallel_loop3A_202 = arith.constant 96 : i32
            %parallel_loop3A_203 = vector.broadcast %parallel_loop3A_202 : i32 to vector<16xi32>
            %parallel_loop3A_204 = arith.addi %iota3A, %parallel_loop3A_203 : vector<16xi32>
            tpu.vector_store_idx %arg8[%parallel_loop3A_155, %parallel_loop3A_204], %parallel_loop3A_201 {add = true} : memref<632x128xf32, #tpu.memory_space<vmem>>[vector<16xi32>, vector<16xi32>], vector<16xf32>,
            %parallel_loop3A_205 = arith.index_cast %parallel_loop3A_151 : i32 to index
            %parallel_loop3A_206 = arith.constant 112 : index
            %parallel_loop3A_207 = tpu.vector_load %arg18[%parallel_loop3A_205, %parallel_loop3A_206] {strides = array<i32>} : memref<16x128xf32, #tpu.memory_space<vmem>>, vector<16xf32>,
            %parallel_loop3A_208 = arith.mulf %parallel_loop3A_207, %parallel_loop3A_154 : vector<16xf32>
            %parallel_loop3A_209 = arith.constant 112 : i32
            %parallel_loop3A_210 = vector.broadcast %parallel_loop3A_209 : i32 to vector<16xi32>
            %parallel_loop3A_211 = arith.addi %iota3A, %parallel_loop3A_210 : vector<16xi32>
            tpu.vector_store_idx %arg8[%parallel_loop3A_155, %parallel_loop3A_211], %parallel_loop3A_208 {add = true} : memref<632x128xf32, #tpu.memory_space<vmem>>[vector<16xi32>, vector<16xi32>], vector<16xf32>,
          } {sc.loop_unroll_factor = 4 : i64, sc.parallel_access}
        } else {
        }
        %while3A_135 = arith.constant 0 : i32
        scf.yield %while3A_135 : i32
      }
      %while3A_102 = arith.constant 1 : i32
      %while3A_103 = scf.for %while3A_105 = %while3A_99 to %while3A_95 step %while3A_102 iter_args(%while3A_106 = %while3A_101) -> (i32)  : i32 {
        %rem3A_107 = arith.constant 4 : i32
        %rem3A_108 = arith.remsi %while3A_105, %rem3A_107 : i32
        %eq3A_109 = arith.constant 0 : i32
        %eq3A_110 = arith.cmpi eq, %rem3A_108, %eq3A_109 : i32
        %convert_element_type3A_111 = arith.extui %eq3A_110 : i1 to i32
        %cond3A_112 = arith.constant 0 : i32
        %cond3A_113 = arith.cmpi ne, %convert_element_type3A_111, %cond3A_112 : i32
        scf.if %cond3A_113 {
          %add3A_136 = arith.constant 3 : i32
          %add3A_137 = arith.addi %while3A_105, %add3A_136 : i32
          %lt3A_138 = arith.cmpi slt, %add3A_137, %select_n3A : i32
          %convert_element_type3A_139 = arith.extui %lt3A_138 : i1 to i32
          %cond3A_140 = arith.constant 0 : i32
          %cond3A_141 = arith.cmpi ne, %convert_element_type3A_139, %cond3A_140 : i32
          scf.if %cond3A_141 {
            %add3A_151 = arith.constant 3 : i32
            %add3A_152 = arith.addi %while3A_105, %add3A_151 : i32
            %mul3A_153 = arith.constant 16 : i32
            %mul3A_154 = arith.muli %add3A_152, %mul3A_153 : i32
            %dma_start3A_155 = tpu.memref_slice %arg12[%mul3A_154] : memref<3216xi32, #tpu.memory_space<vmem>> -> memref<16xi32, #tpu.memory_space<vmem>>
            %dma_start3A_156 = arith.constant 0 : i32
            %dma_start3A_157 = arith.constant 0 : i32
            %dma_start3A_158 = tpu.memref_slice %arg2[%dma_start3A_156, %dma_start3A_157] : memref<20000x128xf32, #tpu.memory_space<hbm>> -> memref<20000x128xf32, #tpu.memory_space<hbm>>
            tpu.enqueue_indirect_dma source(%dma_start3A_158 : memref<20000x128xf32, #tpu.memory_space<hbm>>) target(%arg18 : memref<16x128xf32, #tpu.memory_space<vmem>>) offsets(%dma_start3A_155 : memref<16xi32, #tpu.memory_space<vmem>>) semaphore(%arg24 : memref<!tpu.dma_semaphore, #tpu.memory_space<semaphore_mem>>)
          } else {
          }
          %mul3A_142 = arith.constant 16 : i32
          %mul3A_143 = arith.muli %while3A_105, %mul3A_142 : i32
          %dma_wait3A_144 = tpu.memref_slice %arg12[%mul3A_143] : memref<3216xi32, #tpu.memory_space<vmem>> -> memref<16xi32, #tpu.memory_space<vmem>>
          %dma_wait3A_145 = arith.constant 0 : i32
          %dma_wait3A_146 = arith.constant 0 : i32
          %dma_wait3A_147 = tpu.memref_slice %arg2[%dma_wait3A_145, %dma_wait3A_146] : memref<20000x128xf32, #tpu.memory_space<hbm>> -> memref<20000x128xf32, #tpu.memory_space<hbm>>
          tpu.wait_indirect_dma semaphore(%arg21 : memref<!tpu.dma_semaphore, #tpu.memory_space<semaphore_mem>>) src(%dma_wait3A_147 : memref<20000x128xf32, #tpu.memory_space<hbm>>) dst(%arg15 : memref<16x128xf32, #tpu.memory_space<vmem>>)
          %parallel_loop3A_148 = arith.constant 0 : i32
          %parallel_loop3A_149 = arith.constant 16 : i32
          %parallel_loop3A_150 = arith.constant 1 : i32
          scf.for %parallel_loop3A_151 = %parallel_loop3A_148 to %parallel_loop3A_149 step %parallel_loop3A_150  : i32 {
            %parallel_loop3A_152 = arith.addi %mul3A_143, %parallel_loop3A_151 : i32
            %parallel_loop3A_153 = vector.broadcast %parallel_loop3A_152 : i32 to vector<16xi32>
            %parallel_loop3A_154 = tpu.vector_load_idx %arg14[%parallel_loop3A_153] : memref<3216xf32, #tpu.memory_space<vmem>>[vector<16xi32>], vector<16xf32>,
            %parallel_loop3A_155 = tpu.vector_load_idx %arg13[%parallel_loop3A_153] : memref<3216xi32, #tpu.memory_space<vmem>>[vector<16xi32>], vector<16xi32>,
            %parallel_loop3A_156 = arith.index_cast %parallel_loop3A_151 : i32 to index
            %parallel_loop3A_157 = arith.constant 0 : index
            %parallel_loop3A_158 = tpu.vector_load %arg15[%parallel_loop3A_156, %parallel_loop3A_157] {strides = array<i32>} : memref<16x128xf32, #tpu.memory_space<vmem>>, vector<16xf32>,
            %parallel_loop3A_159 = arith.mulf %parallel_loop3A_158, %parallel_loop3A_154 : vector<16xf32>
            %parallel_loop3A_160 = arith.constant 0 : i32
            %parallel_loop3A_161 = vector.broadcast %parallel_loop3A_160 : i32 to vector<16xi32>
            %parallel_loop3A_162 = arith.addi %iota3A, %parallel_loop3A_161 : vector<16xi32>
            tpu.vector_store_idx %arg8[%parallel_loop3A_155, %parallel_loop3A_162], %parallel_loop3A_159 {add = true} : memref<632x128xf32, #tpu.memory_space<vmem>>[vector<16xi32>, vector<16xi32>], vector<16xf32>,
            %parallel_loop3A_163 = arith.index_cast %parallel_loop3A_151 : i32 to index
            %parallel_loop3A_164 = arith.constant 16 : index
            %parallel_loop3A_165 = tpu.vector_load %arg15[%parallel_loop3A_163, %parallel_loop3A_164] {strides = array<i32>} : memref<16x128xf32, #tpu.memory_space<vmem>>, vector<16xf32>,
            %parallel_loop3A_166 = arith.mulf %parallel_loop3A_165, %parallel_loop3A_154 : vector<16xf32>
            %parallel_loop3A_167 = arith.constant 16 : i32
            %parallel_loop3A_168 = vector.broadcast %parallel_loop3A_167 : i32 to vector<16xi32>
            %parallel_loop3A_169 = arith.addi %iota3A, %parallel_loop3A_168 : vector<16xi32>
            tpu.vector_store_idx %arg8[%parallel_loop3A_155, %parallel_loop3A_169], %parallel_loop3A_166 {add = true} : memref<632x128xf32, #tpu.memory_space<vmem>>[vector<16xi32>, vector<16xi32>], vector<16xf32>,
            %parallel_loop3A_170 = arith.index_cast %parallel_loop3A_151 : i32 to index
            %parallel_loop3A_171 = arith.constant 32 : index
            %parallel_loop3A_172 = tpu.vector_load %arg15[%parallel_loop3A_170, %parallel_loop3A_171] {strides = array<i32>} : memref<16x128xf32, #tpu.memory_space<vmem>>, vector<16xf32>,
            %parallel_loop3A_173 = arith.mulf %parallel_loop3A_172, %parallel_loop3A_154 : vector<16xf32>
            %parallel_loop3A_174 = arith.constant 32 : i32
            %parallel_loop3A_175 = vector.broadcast %parallel_loop3A_174 : i32 to vector<16xi32>
            %parallel_loop3A_176 = arith.addi %iota3A, %parallel_loop3A_175 : vector<16xi32>
            tpu.vector_store_idx %arg8[%parallel_loop3A_155, %parallel_loop3A_176], %parallel_loop3A_173 {add = true} : memref<632x128xf32, #tpu.memory_space<vmem>>[vector<16xi32>, vector<16xi32>], vector<16xf32>,
            %parallel_loop3A_177 = arith.index_cast %parallel_loop3A_151 : i32 to index
            %parallel_loop3A_178 = arith.constant 48 : index
            %parallel_loop3A_179 = tpu.vector_load %arg15[%parallel_loop3A_177, %parallel_loop3A_178] {strides = array<i32>} : memref<16x128xf32, #tpu.memory_space<vmem>>, vector<16xf32>,
            %parallel_loop3A_180 = arith.mulf %parallel_loop3A_179, %parallel_loop3A_154 : vector<16xf32>
            %parallel_loop3A_181 = arith.constant 48 : i32
            %parallel_loop3A_182 = vector.broadcast %parallel_loop3A_181 : i32 to vector<16xi32>
            %parallel_loop3A_183 = arith.addi %iota3A, %parallel_loop3A_182 : vector<16xi32>
            tpu.vector_store_idx %arg8[%parallel_loop3A_155, %parallel_loop3A_183], %parallel_loop3A_180 {add = true} : memref<632x128xf32, #tpu.memory_space<vmem>>[vector<16xi32>, vector<16xi32>], vector<16xf32>,
            %parallel_loop3A_184 = arith.index_cast %parallel_loop3A_151 : i32 to index
            %parallel_loop3A_185 = arith.constant 64 : index
            %parallel_loop3A_186 = tpu.vector_load %arg15[%parallel_loop3A_184, %parallel_loop3A_185] {strides = array<i32>} : memref<16x128xf32, #tpu.memory_space<vmem>>, vector<16xf32>,
            %parallel_loop3A_187 = arith.mulf %parallel_loop3A_186, %parallel_loop3A_154 : vector<16xf32>
            %parallel_loop3A_188 = arith.constant 64 : i32
            %parallel_loop3A_189 = vector.broadcast %parallel_loop3A_188 : i32 to vector<16xi32>
            %parallel_loop3A_190 = arith.addi %iota3A, %parallel_loop3A_189 : vector<16xi32>
            tpu.vector_store_idx %arg8[%parallel_loop3A_155, %parallel_loop3A_190], %parallel_loop3A_187 {add = true} : memref<632x128xf32, #tpu.memory_space<vmem>>[vector<16xi32>, vector<16xi32>], vector<16xf32>,
            %parallel_loop3A_191 = arith.index_cast %parallel_loop3A_151 : i32 to index
            %parallel_loop3A_192 = arith.constant 80 : index
            %parallel_loop3A_193 = tpu.vector_load %arg15[%parallel_loop3A_191, %parallel_loop3A_192] {strides = array<i32>} : memref<16x128xf32, #tpu.memory_space<vmem>>, vector<16xf32>,
            %parallel_loop3A_194 = arith.mulf %parallel_loop3A_193, %parallel_loop3A_154 : vector<16xf32>
            %parallel_loop3A_195 = arith.constant 80 : i32
            %parallel_loop3A_196 = vector.broadcast %parallel_loop3A_195 : i32 to vector<16xi32>
            %parallel_loop3A_197 = arith.addi %iota3A, %parallel_loop3A_196 : vector<16xi32>
            tpu.vector_store_idx %arg8[%parallel_loop3A_155, %parallel_loop3A_197], %parallel_loop3A_194 {add = true} : memref<632x128xf32, #tpu.memory_space<vmem>>[vector<16xi32>, vector<16xi32>], vector<16xf32>,
            %parallel_loop3A_198 = arith.index_cast %parallel_loop3A_151 : i32 to index
            %parallel_loop3A_199 = arith.constant 96 : index
            %parallel_loop3A_200 = tpu.vector_load %arg15[%parallel_loop3A_198, %parallel_loop3A_199] {strides = array<i32>} : memref<16x128xf32, #tpu.memory_space<vmem>>, vector<16xf32>,
            %parallel_loop3A_201 = arith.mulf %parallel_loop3A_200, %parallel_loop3A_154 : vector<16xf32>
            %parallel_loop3A_202 = arith.constant 96 : i32
            %parallel_loop3A_203 = vector.broadcast %parallel_loop3A_202 : i32 to vector<16xi32>
            %parallel_loop3A_204 = arith.addi %iota3A, %parallel_loop3A_203 : vector<16xi32>
            tpu.vector_store_idx %arg8[%parallel_loop3A_155, %parallel_loop3A_204], %parallel_loop3A_201 {add = true} : memref<632x128xf32, #tpu.memory_space<vmem>>[vector<16xi32>, vector<16xi32>], vector<16xf32>,
            %parallel_loop3A_205 = arith.index_cast %parallel_loop3A_151 : i32 to index
            %parallel_loop3A_206 = arith.constant 112 : index
            %parallel_loop3A_207 = tpu.vector_load %arg15[%parallel_loop3A_205, %parallel_loop3A_206] {strides = array<i32>} : memref<16x128xf32, #tpu.memory_space<vmem>>, vector<16xf32>,
            %parallel_loop3A_208 = arith.mulf %parallel_loop3A_207, %parallel_loop3A_154 : vector<16xf32>
            %parallel_loop3A_209 = arith.constant 112 : i32
            %parallel_loop3A_210 = vector.broadcast %parallel_loop3A_209 : i32 to vector<16xi32>
            %parallel_loop3A_211 = arith.addi %iota3A, %parallel_loop3A_210 : vector<16xi32>
            tpu.vector_store_idx %arg8[%parallel_loop3A_155, %parallel_loop3A_211], %parallel_loop3A_208 {add = true} : memref<632x128xf32, #tpu.memory_space<vmem>>[vector<16xi32>, vector<16xi32>], vector<16xf32>,
          } {sc.loop_unroll_factor = 4 : i64, sc.parallel_access}
        } else {
        }
        %rem3A_114 = arith.constant 4 : i32
        %rem3A_115 = arith.remsi %while3A_105, %rem3A_114 : i32
        %eq3A_116 = arith.constant 1 : i32
        %eq3A_117 = arith.cmpi eq, %rem3A_115, %eq3A_116 : i32
        %convert_element_type3A_118 = arith.extui %eq3A_117 : i1 to i32
        %cond3A_119 = arith.constant 0 : i32
        %cond3A_120 = arith.cmpi ne, %convert_element_type3A_118, %cond3A_119 : i32
        scf.if %cond3A_120 {
          %add3A_136 = arith.constant 3 : i32
          %add3A_137 = arith.addi %while3A_105, %add3A_136 : i32
          %lt3A_138 = arith.cmpi slt, %add3A_137, %select_n3A : i32
          %convert_element_type3A_139 = arith.extui %lt3A_138 : i1 to i32
          %cond3A_140 = arith.constant 0 : i32
          %cond3A_141 = arith.cmpi ne, %convert_element_type3A_139, %cond3A_140 : i32
          scf.if %cond3A_141 {
            %add3A_151 = arith.constant 3 : i32
            %add3A_152 = arith.addi %while3A_105, %add3A_151 : i32
            %mul3A_153 = arith.constant 16 : i32
            %mul3A_154 = arith.muli %add3A_152, %mul3A_153 : i32
            %dma_start3A_155 = tpu.memref_slice %arg12[%mul3A_154] : memref<3216xi32, #tpu.memory_space<vmem>> -> memref<16xi32, #tpu.memory_space<vmem>>
            %dma_start3A_156 = arith.constant 0 : i32
            %dma_start3A_157 = arith.constant 0 : i32
            %dma_start3A_158 = tpu.memref_slice %arg2[%dma_start3A_156, %dma_start3A_157] : memref<20000x128xf32, #tpu.memory_space<hbm>> -> memref<20000x128xf32, #tpu.memory_space<hbm>>
            tpu.enqueue_indirect_dma source(%dma_start3A_158 : memref<20000x128xf32, #tpu.memory_space<hbm>>) target(%arg15 : memref<16x128xf32, #tpu.memory_space<vmem>>) offsets(%dma_start3A_155 : memref<16xi32, #tpu.memory_space<vmem>>) semaphore(%arg21 : memref<!tpu.dma_semaphore, #tpu.memory_space<semaphore_mem>>)
          } else {
          }
          %mul3A_142 = arith.constant 16 : i32
          %mul3A_143 = arith.muli %while3A_105, %mul3A_142 : i32
          %dma_wait3A_144 = tpu.memref_slice %arg12[%mul3A_143] : memref<3216xi32, #tpu.memory_space<vmem>> -> memref<16xi32, #tpu.memory_space<vmem>>
          %dma_wait3A_145 = arith.constant 0 : i32
          %dma_wait3A_146 = arith.constant 0 : i32
          %dma_wait3A_147 = tpu.memref_slice %arg2[%dma_wait3A_145, %dma_wait3A_146] : memref<20000x128xf32, #tpu.memory_space<hbm>> -> memref<20000x128xf32, #tpu.memory_space<hbm>>
          tpu.wait_indirect_dma semaphore(%arg22 : memref<!tpu.dma_semaphore, #tpu.memory_space<semaphore_mem>>) src(%dma_wait3A_147 : memref<20000x128xf32, #tpu.memory_space<hbm>>) dst(%arg16 : memref<16x128xf32, #tpu.memory_space<vmem>>)
          %parallel_loop3A_148 = arith.constant 0 : i32
          %parallel_loop3A_149 = arith.constant 16 : i32
          %parallel_loop3A_150 = arith.constant 1 : i32
          scf.for %parallel_loop3A_151 = %parallel_loop3A_148 to %parallel_loop3A_149 step %parallel_loop3A_150  : i32 {
            %parallel_loop3A_152 = arith.addi %mul3A_143, %parallel_loop3A_151 : i32
            %parallel_loop3A_153 = vector.broadcast %parallel_loop3A_152 : i32 to vector<16xi32>
            %parallel_loop3A_154 = tpu.vector_load_idx %arg14[%parallel_loop3A_153] : memref<3216xf32, #tpu.memory_space<vmem>>[vector<16xi32>], vector<16xf32>,
            %parallel_loop3A_155 = tpu.vector_load_idx %arg13[%parallel_loop3A_153] : memref<3216xi32, #tpu.memory_space<vmem>>[vector<16xi32>], vector<16xi32>,
            %parallel_loop3A_156 = arith.index_cast %parallel_loop3A_151 : i32 to index
            %parallel_loop3A_157 = arith.constant 0 : index
            %parallel_loop3A_158 = tpu.vector_load %arg16[%parallel_loop3A_156, %parallel_loop3A_157] {strides = array<i32>} : memref<16x128xf32, #tpu.memory_space<vmem>>, vector<16xf32>,
            %parallel_loop3A_159 = arith.mulf %parallel_loop3A_158, %parallel_loop3A_154 : vector<16xf32>
            %parallel_loop3A_160 = arith.constant 0 : i32
            %parallel_loop3A_161 = vector.broadcast %parallel_loop3A_160 : i32 to vector<16xi32>
            %parallel_loop3A_162 = arith.addi %iota3A, %parallel_loop3A_161 : vector<16xi32>
            tpu.vector_store_idx %arg8[%parallel_loop3A_155, %parallel_loop3A_162], %parallel_loop3A_159 {add = true} : memref<632x128xf32, #tpu.memory_space<vmem>>[vector<16xi32>, vector<16xi32>], vector<16xf32>,
            %parallel_loop3A_163 = arith.index_cast %parallel_loop3A_151 : i32 to index
            %parallel_loop3A_164 = arith.constant 16 : index
            %parallel_loop3A_165 = tpu.vector_load %arg16[%parallel_loop3A_163, %parallel_loop3A_164] {strides = array<i32>} : memref<16x128xf32, #tpu.memory_space<vmem>>, vector<16xf32>,
            %parallel_loop3A_166 = arith.mulf %parallel_loop3A_165, %parallel_loop3A_154 : vector<16xf32>
            %parallel_loop3A_167 = arith.constant 16 : i32
            %parallel_loop3A_168 = vector.broadcast %parallel_loop3A_167 : i32 to vector<16xi32>
            %parallel_loop3A_169 = arith.addi %iota3A, %parallel_loop3A_168 : vector<16xi32>
            tpu.vector_store_idx %arg8[%parallel_loop3A_155, %parallel_loop3A_169], %parallel_loop3A_166 {add = true} : memref<632x128xf32, #tpu.memory_space<vmem>>[vector<16xi32>, vector<16xi32>], vector<16xf32>,
            %parallel_loop3A_170 = arith.index_cast %parallel_loop3A_151 : i32 to index
            %parallel_loop3A_171 = arith.constant 32 : index
            %parallel_loop3A_172 = tpu.vector_load %arg16[%parallel_loop3A_170, %parallel_loop3A_171] {strides = array<i32>} : memref<16x128xf32, #tpu.memory_space<vmem>>, vector<16xf32>,
            %parallel_loop3A_173 = arith.mulf %parallel_loop3A_172, %parallel_loop3A_154 : vector<16xf32>
            %parallel_loop3A_174 = arith.constant 32 : i32
            %parallel_loop3A_175 = vector.broadcast %parallel_loop3A_174 : i32 to vector<16xi32>
            %parallel_loop3A_176 = arith.addi %iota3A, %parallel_loop3A_175 : vector<16xi32>
            tpu.vector_store_idx %arg8[%parallel_loop3A_155, %parallel_loop3A_176], %parallel_loop3A_173 {add = true} : memref<632x128xf32, #tpu.memory_space<vmem>>[vector<16xi32>, vector<16xi32>], vector<16xf32>,
            %parallel_loop3A_177 = arith.index_cast %parallel_loop3A_151 : i32 to index
            %parallel_loop3A_178 = arith.constant 48 : index
            %parallel_loop3A_179 = tpu.vector_load %arg16[%parallel_loop3A_177, %parallel_loop3A_178] {strides = array<i32>} : memref<16x128xf32, #tpu.memory_space<vmem>>, vector<16xf32>,
            %parallel_loop3A_180 = arith.mulf %parallel_loop3A_179, %parallel_loop3A_154 : vector<16xf32>
            %parallel_loop3A_181 = arith.constant 48 : i32
            %parallel_loop3A_182 = vector.broadcast %parallel_loop3A_181 : i32 to vector<16xi32>
            %parallel_loop3A_183 = arith.addi %iota3A, %parallel_loop3A_182 : vector<16xi32>
            tpu.vector_store_idx %arg8[%parallel_loop3A_155, %parallel_loop3A_183], %parallel_loop3A_180 {add = true} : memref<632x128xf32, #tpu.memory_space<vmem>>[vector<16xi32>, vector<16xi32>], vector<16xf32>,
            %parallel_loop3A_184 = arith.index_cast %parallel_loop3A_151 : i32 to index
            %parallel_loop3A_185 = arith.constant 64 : index
            %parallel_loop3A_186 = tpu.vector_load %arg16[%parallel_loop3A_184, %parallel_loop3A_185] {strides = array<i32>} : memref<16x128xf32, #tpu.memory_space<vmem>>, vector<16xf32>,
            %parallel_loop3A_187 = arith.mulf %parallel_loop3A_186, %parallel_loop3A_154 : vector<16xf32>
            %parallel_loop3A_188 = arith.constant 64 : i32
            %parallel_loop3A_189 = vector.broadcast %parallel_loop3A_188 : i32 to vector<16xi32>
            %parallel_loop3A_190 = arith.addi %iota3A, %parallel_loop3A_189 : vector<16xi32>
            tpu.vector_store_idx %arg8[%parallel_loop3A_155, %parallel_loop3A_190], %parallel_loop3A_187 {add = true} : memref<632x128xf32, #tpu.memory_space<vmem>>[vector<16xi32>, vector<16xi32>], vector<16xf32>,
            %parallel_loop3A_191 = arith.index_cast %parallel_loop3A_151 : i32 to index
            %parallel_loop3A_192 = arith.constant 80 : index
            %parallel_loop3A_193 = tpu.vector_load %arg16[%parallel_loop3A_191, %parallel_loop3A_192] {strides = array<i32>} : memref<16x128xf32, #tpu.memory_space<vmem>>, vector<16xf32>,
            %parallel_loop3A_194 = arith.mulf %parallel_loop3A_193, %parallel_loop3A_154 : vector<16xf32>
            %parallel_loop3A_195 = arith.constant 80 : i32
            %parallel_loop3A_196 = vector.broadcast %parallel_loop3A_195 : i32 to vector<16xi32>
            %parallel_loop3A_197 = arith.addi %iota3A, %parallel_loop3A_196 : vector<16xi32>
            tpu.vector_store_idx %arg8[%parallel_loop3A_155, %parallel_loop3A_197], %parallel_loop3A_194 {add = true} : memref<632x128xf32, #tpu.memory_space<vmem>>[vector<16xi32>, vector<16xi32>], vector<16xf32>,
            %parallel_loop3A_198 = arith.index_cast %parallel_loop3A_151 : i32 to index
            %parallel_loop3A_199 = arith.constant 96 : index
            %parallel_loop3A_200 = tpu.vector_load %arg16[%parallel_loop3A_198, %parallel_loop3A_199] {strides = array<i32>} : memref<16x128xf32, #tpu.memory_space<vmem>>, vector<16xf32>,
            %parallel_loop3A_201 = arith.mulf %parallel_loop3A_200, %parallel_loop3A_154 : vector<16xf32>
            %parallel_loop3A_202 = arith.constant 96 : i32
            %parallel_loop3A_203 = vector.broadcast %parallel_loop3A_202 : i32 to vector<16xi32>
            %parallel_loop3A_204 = arith.addi %iota3A, %parallel_loop3A_203 : vector<16xi32>
            tpu.vector_store_idx %arg8[%parallel_loop3A_155, %parallel_loop3A_204], %parallel_loop3A_201 {add = true} : memref<632x128xf32, #tpu.memory_space<vmem>>[vector<16xi32>, vector<16xi32>], vector<16xf32>,
            %parallel_loop3A_205 = arith.index_cast %parallel_loop3A_151 : i32 to index
            %parallel_loop3A_206 = arith.constant 112 : index
            %parallel_loop3A_207 = tpu.vector_load %arg16[%parallel_loop3A_205, %parallel_loop3A_206] {strides = array<i32>} : memref<16x128xf32, #tpu.memory_space<vmem>>, vector<16xf32>,
            %parallel_loop3A_208 = arith.mulf %parallel_loop3A_207, %parallel_loop3A_154 : vector<16xf32>
            %parallel_loop3A_209 = arith.constant 112 : i32
            %parallel_loop3A_210 = vector.broadcast %parallel_loop3A_209 : i32 to vector<16xi32>
            %parallel_loop3A_211 = arith.addi %iota3A, %parallel_loop3A_210 : vector<16xi32>
            tpu.vector_store_idx %arg8[%parallel_loop3A_155, %parallel_loop3A_211], %parallel_loop3A_208 {add = true} : memref<632x128xf32, #tpu.memory_space<vmem>>[vector<16xi32>, vector<16xi32>], vector<16xf32>,
          } {sc.loop_unroll_factor = 4 : i64, sc.parallel_access}
        } else {
        }
        %rem3A_121 = arith.constant 4 : i32
        %rem3A_122 = arith.remsi %while3A_105, %rem3A_121 : i32
        %eq3A_123 = arith.constant 2 : i32
        %eq3A_124 = arith.cmpi eq, %rem3A_122, %eq3A_123 : i32
        %convert_element_type3A_125 = arith.extui %eq3A_124 : i1 to i32
        %cond3A_126 = arith.constant 0 : i32
        %cond3A_127 = arith.cmpi ne, %convert_element_type3A_125, %cond3A_126 : i32
        scf.if %cond3A_127 {
          %add3A_136 = arith.constant 3 : i32
          %add3A_137 = arith.addi %while3A_105, %add3A_136 : i32
          %lt3A_138 = arith.cmpi slt, %add3A_137, %select_n3A : i32
          %convert_element_type3A_139 = arith.extui %lt3A_138 : i1 to i32
          %cond3A_140 = arith.constant 0 : i32
          %cond3A_141 = arith.cmpi ne, %convert_element_type3A_139, %cond3A_140 : i32
          scf.if %cond3A_141 {
            %add3A_151 = arith.constant 3 : i32
            %add3A_152 = arith.addi %while3A_105, %add3A_151 : i32
            %mul3A_153 = arith.constant 16 : i32
            %mul3A_154 = arith.muli %add3A_152, %mul3A_153 : i32
            %dma_start3A_155 = tpu.memref_slice %arg12[%mul3A_154] : memref<3216xi32, #tpu.memory_space<vmem>> -> memref<16xi32, #tpu.memory_space<vmem>>
            %dma_start3A_156 = arith.constant 0 : i32
            %dma_start3A_157 = arith.constant 0 : i32
            %dma_start3A_158 = tpu.memref_slice %arg2[%dma_start3A_156, %dma_start3A_157] : memref<20000x128xf32, #tpu.memory_space<hbm>> -> memref<20000x128xf32, #tpu.memory_space<hbm>>
            tpu.enqueue_indirect_dma source(%dma_start3A_158 : memref<20000x128xf32, #tpu.memory_space<hbm>>) target(%arg16 : memref<16x128xf32, #tpu.memory_space<vmem>>) offsets(%dma_start3A_155 : memref<16xi32, #tpu.memory_space<vmem>>) semaphore(%arg22 : memref<!tpu.dma_semaphore, #tpu.memory_space<semaphore_mem>>)
          } else {
          }
          %mul3A_142 = arith.constant 16 : i32
          %mul3A_143 = arith.muli %while3A_105, %mul3A_142 : i32
          %dma_wait3A_144 = tpu.memref_slice %arg12[%mul3A_143] : memref<3216xi32, #tpu.memory_space<vmem>> -> memref<16xi32, #tpu.memory_space<vmem>>
          %dma_wait3A_145 = arith.constant 0 : i32
          %dma_wait3A_146 = arith.constant 0 : i32
          %dma_wait3A_147 = tpu.memref_slice %arg2[%dma_wait3A_145, %dma_wait3A_146] : memref<20000x128xf32, #tpu.memory_space<hbm>> -> memref<20000x128xf32, #tpu.memory_space<hbm>>
          tpu.wait_indirect_dma semaphore(%arg23 : memref<!tpu.dma_semaphore, #tpu.memory_space<semaphore_mem>>) src(%dma_wait3A_147 : memref<20000x128xf32, #tpu.memory_space<hbm>>) dst(%arg17 : memref<16x128xf32, #tpu.memory_space<vmem>>)
          %parallel_loop3A_148 = arith.constant 0 : i32
          %parallel_loop3A_149 = arith.constant 16 : i32
          %parallel_loop3A_150 = arith.constant 1 : i32
          scf.for %parallel_loop3A_151 = %parallel_loop3A_148 to %parallel_loop3A_149 step %parallel_loop3A_150  : i32 {
            %parallel_loop3A_152 = arith.addi %mul3A_143, %parallel_loop3A_151 : i32
            %parallel_loop3A_153 = vector.broadcast %parallel_loop3A_152 : i32 to vector<16xi32>
            %parallel_loop3A_154 = tpu.vector_load_idx %arg14[%parallel_loop3A_153] : memref<3216xf32, #tpu.memory_space<vmem>>[vector<16xi32>], vector<16xf32>,
            %parallel_loop3A_155 = tpu.vector_load_idx %arg13[%parallel_loop3A_153] : memref<3216xi32, #tpu.memory_space<vmem>>[vector<16xi32>], vector<16xi32>,
            %parallel_loop3A_156 = arith.index_cast %parallel_loop3A_151 : i32 to index
            %parallel_loop3A_157 = arith.constant 0 : index
            %parallel_loop3A_158 = tpu.vector_load %arg17[%parallel_loop3A_156, %parallel_loop3A_157] {strides = array<i32>} : memref<16x128xf32, #tpu.memory_space<vmem>>, vector<16xf32>,
            %parallel_loop3A_159 = arith.mulf %parallel_loop3A_158, %parallel_loop3A_154 : vector<16xf32>
            %parallel_loop3A_160 = arith.constant 0 : i32
            %parallel_loop3A_161 = vector.broadcast %parallel_loop3A_160 : i32 to vector<16xi32>
            %parallel_loop3A_162 = arith.addi %iota3A, %parallel_loop3A_161 : vector<16xi32>
            tpu.vector_store_idx %arg8[%parallel_loop3A_155, %parallel_loop3A_162], %parallel_loop3A_159 {add = true} : memref<632x128xf32, #tpu.memory_space<vmem>>[vector<16xi32>, vector<16xi32>], vector<16xf32>,
            %parallel_loop3A_163 = arith.index_cast %parallel_loop3A_151 : i32 to index
            %parallel_loop3A_164 = arith.constant 16 : index
            %parallel_loop3A_165 = tpu.vector_load %arg17[%parallel_loop3A_163, %parallel_loop3A_164] {strides = array<i32>} : memref<16x128xf32, #tpu.memory_space<vmem>>, vector<16xf32>,
            %parallel_loop3A_166 = arith.mulf %parallel_loop3A_165, %parallel_loop3A_154 : vector<16xf32>
            %parallel_loop3A_167 = arith.constant 16 : i32
            %parallel_loop3A_168 = vector.broadcast %parallel_loop3A_167 : i32 to vector<16xi32>
            %parallel_loop3A_169 = arith.addi %iota3A, %parallel_loop3A_168 : vector<16xi32>
            tpu.vector_store_idx %arg8[%parallel_loop3A_155, %parallel_loop3A_169], %parallel_loop3A_166 {add = true} : memref<632x128xf32, #tpu.memory_space<vmem>>[vector<16xi32>, vector<16xi32>], vector<16xf32>,
            %parallel_loop3A_170 = arith.index_cast %parallel_loop3A_151 : i32 to index
            %parallel_loop3A_171 = arith.constant 32 : index
            %parallel_loop3A_172 = tpu.vector_load %arg17[%parallel_loop3A_170, %parallel_loop3A_171] {strides = array<i32>} : memref<16x128xf32, #tpu.memory_space<vmem>>, vector<16xf32>,
            %parallel_loop3A_173 = arith.mulf %parallel_loop3A_172, %parallel_loop3A_154 : vector<16xf32>
            %parallel_loop3A_174 = arith.constant 32 : i32
            %parallel_loop3A_175 = vector.broadcast %parallel_loop3A_174 : i32 to vector<16xi32>
            %parallel_loop3A_176 = arith.addi %iota3A, %parallel_loop3A_175 : vector<16xi32>
            tpu.vector_store_idx %arg8[%parallel_loop3A_155, %parallel_loop3A_176], %parallel_loop3A_173 {add = true} : memref<632x128xf32, #tpu.memory_space<vmem>>[vector<16xi32>, vector<16xi32>], vector<16xf32>,
            %parallel_loop3A_177 = arith.index_cast %parallel_loop3A_151 : i32 to index
            %parallel_loop3A_178 = arith.constant 48 : index
            %parallel_loop3A_179 = tpu.vector_load %arg17[%parallel_loop3A_177, %parallel_loop3A_178] {strides = array<i32>} : memref<16x128xf32, #tpu.memory_space<vmem>>, vector<16xf32>,
            %parallel_loop3A_180 = arith.mulf %parallel_loop3A_179, %parallel_loop3A_154 : vector<16xf32>
            %parallel_loop3A_181 = arith.constant 48 : i32
            %parallel_loop3A_182 = vector.broadcast %parallel_loop3A_181 : i32 to vector<16xi32>
            %parallel_loop3A_183 = arith.addi %iota3A, %parallel_loop3A_182 : vector<16xi32>
            tpu.vector_store_idx %arg8[%parallel_loop3A_155, %parallel_loop3A_183], %parallel_loop3A_180 {add = true} : memref<632x128xf32, #tpu.memory_space<vmem>>[vector<16xi32>, vector<16xi32>], vector<16xf32>,
            %parallel_loop3A_184 = arith.index_cast %parallel_loop3A_151 : i32 to index
            %parallel_loop3A_185 = arith.constant 64 : index
            %parallel_loop3A_186 = tpu.vector_load %arg17[%parallel_loop3A_184, %parallel_loop3A_185] {strides = array<i32>} : memref<16x128xf32, #tpu.memory_space<vmem>>, vector<16xf32>,
            %parallel_loop3A_187 = arith.mulf %parallel_loop3A_186, %parallel_loop3A_154 : vector<16xf32>
            %parallel_loop3A_188 = arith.constant 64 : i32
            %parallel_loop3A_189 = vector.broadcast %parallel_loop3A_188 : i32 to vector<16xi32>
            %parallel_loop3A_190 = arith.addi %iota3A, %parallel_loop3A_189 : vector<16xi32>
            tpu.vector_store_idx %arg8[%parallel_loop3A_155, %parallel_loop3A_190], %parallel_loop3A_187 {add = true} : memref<632x128xf32, #tpu.memory_space<vmem>>[vector<16xi32>, vector<16xi32>], vector<16xf32>,
            %parallel_loop3A_191 = arith.index_cast %parallel_loop3A_151 : i32 to index
            %parallel_loop3A_192 = arith.constant 80 : index
            %parallel_loop3A_193 = tpu.vector_load %arg17[%parallel_loop3A_191, %parallel_loop3A_192] {strides = array<i32>} : memref<16x128xf32, #tpu.memory_space<vmem>>, vector<16xf32>,
            %parallel_loop3A_194 = arith.mulf %parallel_loop3A_193, %parallel_loop3A_154 : vector<16xf32>
            %parallel_loop3A_195 = arith.constant 80 : i32
            %parallel_loop3A_196 = vector.broadcast %parallel_loop3A_195 : i32 to vector<16xi32>
            %parallel_loop3A_197 = arith.addi %iota3A, %parallel_loop3A_196 : vector<16xi32>
            tpu.vector_store_idx %arg8[%parallel_loop3A_155, %parallel_loop3A_197], %parallel_loop3A_194 {add = true} : memref<632x128xf32, #tpu.memory_space<vmem>>[vector<16xi32>, vector<16xi32>], vector<16xf32>,
            %parallel_loop3A_198 = arith.index_cast %parallel_loop3A_151 : i32 to index
            %parallel_loop3A_199 = arith.constant 96 : index
            %parallel_loop3A_200 = tpu.vector_load %arg17[%parallel_loop3A_198, %parallel_loop3A_199] {strides = array<i32>} : memref<16x128xf32, #tpu.memory_space<vmem>>, vector<16xf32>,
            %parallel_loop3A_201 = arith.mulf %parallel_loop3A_200, %parallel_loop3A_154 : vector<16xf32>
            %parallel_loop3A_202 = arith.constant 96 : i32
            %parallel_loop3A_203 = vector.broadcast %parallel_loop3A_202 : i32 to vector<16xi32>
            %parallel_loop3A_204 = arith.addi %iota3A, %parallel_loop3A_203 : vector<16xi32>
            tpu.vector_store_idx %arg8[%parallel_loop3A_155, %parallel_loop3A_204], %parallel_loop3A_201 {add = true} : memref<632x128xf32, #tpu.memory_space<vmem>>[vector<16xi32>, vector<16xi32>], vector<16xf32>,
            %parallel_loop3A_205 = arith.index_cast %parallel_loop3A_151 : i32 to index
            %parallel_loop3A_206 = arith.constant 112 : index
            %parallel_loop3A_207 = tpu.vector_load %arg17[%parallel_loop3A_205, %parallel_loop3A_206] {strides = array<i32>} : memref<16x128xf32, #tpu.memory_space<vmem>>, vector<16xf32>,
            %parallel_loop3A_208 = arith.mulf %parallel_loop3A_207, %parallel_loop3A_154 : vector<16xf32>
            %parallel_loop3A_209 = arith.constant 112 : i32
            %parallel_loop3A_210 = vector.broadcast %parallel_loop3A_209 : i32 to vector<16xi32>
            %parallel_loop3A_211 = arith.addi %iota3A, %parallel_loop3A_210 : vector<16xi32>
            tpu.vector_store_idx %arg8[%parallel_loop3A_155, %parallel_loop3A_211], %parallel_loop3A_208 {add = true} : memref<632x128xf32, #tpu.memory_space<vmem>>[vector<16xi32>, vector<16xi32>], vector<16xf32>,
          } {sc.loop_unroll_factor = 4 : i64, sc.parallel_access}
        } else {
        }
        %rem3A_128 = arith.constant 4 : i32
        %rem3A_129 = arith.remsi %while3A_105, %rem3A_128 : i32
        %eq3A_130 = arith.constant 3 : i32
        %eq3A_131 = arith.cmpi eq, %rem3A_129, %eq3A_130 : i32
        %convert_element_type3A_132 = arith.extui %eq3A_131 : i1 to i32
        %cond3A_133 = arith.constant 0 : i32
        %cond3A_134 = arith.cmpi ne, %convert_element_type3A_132, %cond3A_133 : i32
        scf.if %cond3A_134 {
          %add3A_136 = arith.constant 3 : i32
          %add3A_137 = arith.addi %while3A_105, %add3A_136 : i32
          %lt3A_138 = arith.cmpi slt, %add3A_137, %select_n3A : i32
          %convert_element_type3A_139 = arith.extui %lt3A_138 : i1 to i32
          %cond3A_140 = arith.constant 0 : i32
          %cond3A_141 = arith.cmpi ne, %convert_element_type3A_139, %cond3A_140 : i32
          scf.if %cond3A_141 {
            %add3A_151 = arith.constant 3 : i32
            %add3A_152 = arith.addi %while3A_105, %add3A_151 : i32
            %mul3A_153 = arith.constant 16 : i32
            %mul3A_154 = arith.muli %add3A_152, %mul3A_153 : i32
            %dma_start3A_155 = tpu.memref_slice %arg12[%mul3A_154] : memref<3216xi32, #tpu.memory_space<vmem>> -> memref<16xi32, #tpu.memory_space<vmem>>
            %dma_start3A_156 = arith.constant 0 : i32
            %dma_start3A_157 = arith.constant 0 : i32
            %dma_start3A_158 = tpu.memref_slice %arg2[%dma_start3A_156, %dma_start3A_157] : memref<20000x128xf32, #tpu.memory_space<hbm>> -> memref<20000x128xf32, #tpu.memory_space<hbm>>
            tpu.enqueue_indirect_dma source(%dma_start3A_158 : memref<20000x128xf32, #tpu.memory_space<hbm>>) target(%arg17 : memref<16x128xf32, #tpu.memory_space<vmem>>) offsets(%dma_start3A_155 : memref<16xi32, #tpu.memory_space<vmem>>) semaphore(%arg23 : memref<!tpu.dma_semaphore, #tpu.memory_space<semaphore_mem>>)
          } else {
          }
          %mul3A_142 = arith.constant 16 : i32
          %mul3A_143 = arith.muli %while3A_105, %mul3A_142 : i32
          %dma_wait3A_144 = tpu.memref_slice %arg12[%mul3A_143] : memref<3216xi32, #tpu.memory_space<vmem>> -> memref<16xi32, #tpu.memory_space<vmem>>
          %dma_wait3A_145 = arith.constant 0 : i32
          %dma_wait3A_146 = arith.constant 0 : i32
          %dma_wait3A_147 = tpu.memref_slice %arg2[%dma_wait3A_145, %dma_wait3A_146] : memref<20000x128xf32, #tpu.memory_space<hbm>> -> memref<20000x128xf32, #tpu.memory_space<hbm>>
          tpu.wait_indirect_dma semaphore(%arg24 : memref<!tpu.dma_semaphore, #tpu.memory_space<semaphore_mem>>) src(%dma_wait3A_147 : memref<20000x128xf32, #tpu.memory_space<hbm>>) dst(%arg18 : memref<16x128xf32, #tpu.memory_space<vmem>>)
          %parallel_loop3A_148 = arith.constant 0 : i32
          %parallel_loop3A_149 = arith.constant 16 : i32
          %parallel_loop3A_150 = arith.constant 1 : i32
          scf.for %parallel_loop3A_151 = %parallel_loop3A_148 to %parallel_loop3A_149 step %parallel_loop3A_150  : i32 {
            %parallel_loop3A_152 = arith.addi %mul3A_143, %parallel_loop3A_151 : i32
            %parallel_loop3A_153 = vector.broadcast %parallel_loop3A_152 : i32 to vector<16xi32>
            %parallel_loop3A_154 = tpu.vector_load_idx %arg14[%parallel_loop3A_153] : memref<3216xf32, #tpu.memory_space<vmem>>[vector<16xi32>], vector<16xf32>,
            %parallel_loop3A_155 = tpu.vector_load_idx %arg13[%parallel_loop3A_153] : memref<3216xi32, #tpu.memory_space<vmem>>[vector<16xi32>], vector<16xi32>,
            %parallel_loop3A_156 = arith.index_cast %parallel_loop3A_151 : i32 to index
            %parallel_loop3A_157 = arith.constant 0 : index
            %parallel_loop3A_158 = tpu.vector_load %arg18[%parallel_loop3A_156, %parallel_loop3A_157] {strides = array<i32>} : memref<16x128xf32, #tpu.memory_space<vmem>>, vector<16xf32>,
            %parallel_loop3A_159 = arith.mulf %parallel_loop3A_158, %parallel_loop3A_154 : vector<16xf32>
            %parallel_loop3A_160 = arith.constant 0 : i32
            %parallel_loop3A_161 = vector.broadcast %parallel_loop3A_160 : i32 to vector<16xi32>
            %parallel_loop3A_162 = arith.addi %iota3A, %parallel_loop3A_161 : vector<16xi32>
            tpu.vector_store_idx %arg8[%parallel_loop3A_155, %parallel_loop3A_162], %parallel_loop3A_159 {add = true} : memref<632x128xf32, #tpu.memory_space<vmem>>[vector<16xi32>, vector<16xi32>], vector<16xf32>,
            %parallel_loop3A_163 = arith.index_cast %parallel_loop3A_151 : i32 to index
            %parallel_loop3A_164 = arith.constant 16 : index
            %parallel_loop3A_165 = tpu.vector_load %arg18[%parallel_loop3A_163, %parallel_loop3A_164] {strides = array<i32>} : memref<16x128xf32, #tpu.memory_space<vmem>>, vector<16xf32>,
            %parallel_loop3A_166 = arith.mulf %parallel_loop3A_165, %parallel_loop3A_154 : vector<16xf32>
            %parallel_loop3A_167 = arith.constant 16 : i32
            %parallel_loop3A_168 = vector.broadcast %parallel_loop3A_167 : i32 to vector<16xi32>
            %parallel_loop3A_169 = arith.addi %iota3A, %parallel_loop3A_168 : vector<16xi32>
            tpu.vector_store_idx %arg8[%parallel_loop3A_155, %parallel_loop3A_169], %parallel_loop3A_166 {add = true} : memref<632x128xf32, #tpu.memory_space<vmem>>[vector<16xi32>, vector<16xi32>], vector<16xf32>,
            %parallel_loop3A_170 = arith.index_cast %parallel_loop3A_151 : i32 to index
            %parallel_loop3A_171 = arith.constant 32 : index
            %parallel_loop3A_172 = tpu.vector_load %arg18[%parallel_loop3A_170, %parallel_loop3A_171] {strides = array<i32>} : memref<16x128xf32, #tpu.memory_space<vmem>>, vector<16xf32>,
            %parallel_loop3A_173 = arith.mulf %parallel_loop3A_172, %parallel_loop3A_154 : vector<16xf32>
            %parallel_loop3A_174 = arith.constant 32 : i32
            %parallel_loop3A_175 = vector.broadcast %parallel_loop3A_174 : i32 to vector<16xi32>
            %parallel_loop3A_176 = arith.addi %iota3A, %parallel_loop3A_175 : vector<16xi32>
            tpu.vector_store_idx %arg8[%parallel_loop3A_155, %parallel_loop3A_176], %parallel_loop3A_173 {add = true} : memref<632x128xf32, #tpu.memory_space<vmem>>[vector<16xi32>, vector<16xi32>], vector<16xf32>,
            %parallel_loop3A_177 = arith.index_cast %parallel_loop3A_151 : i32 to index
            %parallel_loop3A_178 = arith.constant 48 : index
            %parallel_loop3A_179 = tpu.vector_load %arg18[%parallel_loop3A_177, %parallel_loop3A_178] {strides = array<i32>} : memref<16x128xf32, #tpu.memory_space<vmem>>, vector<16xf32>,
            %parallel_loop3A_180 = arith.mulf %parallel_loop3A_179, %parallel_loop3A_154 : vector<16xf32>
            %parallel_loop3A_181 = arith.constant 48 : i32
            %parallel_loop3A_182 = vector.broadcast %parallel_loop3A_181 : i32 to vector<16xi32>
            %parallel_loop3A_183 = arith.addi %iota3A, %parallel_loop3A_182 : vector<16xi32>
            tpu.vector_store_idx %arg8[%parallel_loop3A_155, %parallel_loop3A_183], %parallel_loop3A_180 {add = true} : memref<632x128xf32, #tpu.memory_space<vmem>>[vector<16xi32>, vector<16xi32>], vector<16xf32>,
            %parallel_loop3A_184 = arith.index_cast %parallel_loop3A_151 : i32 to index
            %parallel_loop3A_185 = arith.constant 64 : index
            %parallel_loop3A_186 = tpu.vector_load %arg18[%parallel_loop3A_184, %parallel_loop3A_185] {strides = array<i32>} : memref<16x128xf32, #tpu.memory_space<vmem>>, vector<16xf32>,
            %parallel_loop3A_187 = arith.mulf %parallel_loop3A_186, %parallel_loop3A_154 : vector<16xf32>
            %parallel_loop3A_188 = arith.constant 64 : i32
            %parallel_loop3A_189 = vector.broadcast %parallel_loop3A_188 : i32 to vector<16xi32>
            %parallel_loop3A_190 = arith.addi %iota3A, %parallel_loop3A_189 : vector<16xi32>
            tpu.vector_store_idx %arg8[%parallel_loop3A_155, %parallel_loop3A_190], %parallel_loop3A_187 {add = true} : memref<632x128xf32, #tpu.memory_space<vmem>>[vector<16xi32>, vector<16xi32>], vector<16xf32>,
            %parallel_loop3A_191 = arith.index_cast %parallel_loop3A_151 : i32 to index
            %parallel_loop3A_192 = arith.constant 80 : index
            %parallel_loop3A_193 = tpu.vector_load %arg18[%parallel_loop3A_191, %parallel_loop3A_192] {strides = array<i32>} : memref<16x128xf32, #tpu.memory_space<vmem>>, vector<16xf32>,
            %parallel_loop3A_194 = arith.mulf %parallel_loop3A_193, %parallel_loop3A_154 : vector<16xf32>
            %parallel_loop3A_195 = arith.constant 80 : i32
            %parallel_loop3A_196 = vector.broadcast %parallel_loop3A_195 : i32 to vector<16xi32>
            %parallel_loop3A_197 = arith.addi %iota3A, %parallel_loop3A_196 : vector<16xi32>
            tpu.vector_store_idx %arg8[%parallel_loop3A_155, %parallel_loop3A_197], %parallel_loop3A_194 {add = true} : memref<632x128xf32, #tpu.memory_space<vmem>>[vector<16xi32>, vector<16xi32>], vector<16xf32>,
            %parallel_loop3A_198 = arith.index_cast %parallel_loop3A_151 : i32 to index
            %parallel_loop3A_199 = arith.constant 96 : index
            %parallel_loop3A_200 = tpu.vector_load %arg18[%parallel_loop3A_198, %parallel_loop3A_199] {strides = array<i32>} : memref<16x128xf32, #tpu.memory_space<vmem>>, vector<16xf32>,
            %parallel_loop3A_201 = arith.mulf %parallel_loop3A_200, %parallel_loop3A_154 : vector<16xf32>
            %parallel_loop3A_202 = arith.constant 96 : i32
            %parallel_loop3A_203 = vector.broadcast %parallel_loop3A_202 : i32 to vector<16xi32>
            %parallel_loop3A_204 = arith.addi %iota3A, %parallel_loop3A_203 : vector<16xi32>
            tpu.vector_store_idx %arg8[%parallel_loop3A_155, %parallel_loop3A_204], %parallel_loop3A_201 {add = true} : memref<632x128xf32, #tpu.memory_space<vmem>>[vector<16xi32>, vector<16xi32>], vector<16xf32>,
            %parallel_loop3A_205 = arith.index_cast %parallel_loop3A_151 : i32 to index
            %parallel_loop3A_206 = arith.constant 112 : index
            %parallel_loop3A_207 = tpu.vector_load %arg18[%parallel_loop3A_205, %parallel_loop3A_206] {strides = array<i32>} : memref<16x128xf32, #tpu.memory_space<vmem>>, vector<16xf32>,
            %parallel_loop3A_208 = arith.mulf %parallel_loop3A_207, %parallel_loop3A_154 : vector<16xf32>
            %parallel_loop3A_209 = arith.constant 112 : i32
            %parallel_loop3A_210 = vector.broadcast %parallel_loop3A_209 : i32 to vector<16xi32>
            %parallel_loop3A_211 = arith.addi %iota3A, %parallel_loop3A_210 : vector<16xi32>
            tpu.vector_store_idx %arg8[%parallel_loop3A_155, %parallel_loop3A_211], %parallel_loop3A_208 {add = true} : memref<632x128xf32, #tpu.memory_space<vmem>>[vector<16xi32>, vector<16xi32>], vector<16xf32>,
          } {sc.loop_unroll_factor = 4 : i64, sc.parallel_access}
        } else {
        }
        %while3A_135 = arith.constant 0 : i32
        scf.yield %while3A_135 : i32
      }
      %scan3A_104 = arith.constant 0 : i32
      scf.yield %scan3A_104 : i32
    }
    %scan3A_17 = arith.constant 50 : i32
    %parallel_loop3A_18 = arith.constant 0 : i32
    %parallel_loop3A_19 = arith.constant 632 : i32
    %parallel_loop3A_20 = arith.constant 1 : i32
    scf.for %parallel_loop3A_27 = %parallel_loop3A_18 to %parallel_loop3A_19 step %parallel_loop3A_20  : i32 {
      %parallel_loop3A_28 = arith.index_cast %parallel_loop3A_27 : i32 to index
      %parallel_loop3A_29 = arith.constant 0 : index
      %parallel_loop3A_30 = tpu.vector_load %arg8[%parallel_loop3A_28, %parallel_loop3A_29] {strides = array<i32>} : memref<632x128xf32, #tpu.memory_space<vmem>>, vector<16xf32>,
      %parallel_loop3A_31 = arith.constant 0 : index
      %parallel_loop3A_32 = tpu.vector_load %arg19[%parallel_loop3A_31] {strides = array<i32>} : memref<128xf32, #tpu.memory_space<vmem>>, vector<16xf32>,
      %parallel_loop3A_33 = arith.addf %parallel_loop3A_30, %parallel_loop3A_32 : vector<16xf32>
      %parallel_loop3A_34 = arith.constant 0.000000e+00 : f32
      %parallel_loop3A_35 = vector.broadcast %parallel_loop3A_34 : f32 to vector<16xf32>
      %parallel_loop3A_36 = arith.maximumf %parallel_loop3A_33, %parallel_loop3A_35 : vector<16xf32>
      %parallel_loop3A_37 = arith.index_cast %parallel_loop3A_27 : i32 to index
      %parallel_loop3A_38 = arith.constant 0 : index
      %parallel_loop3A_39 = tpu.vector_load %arg8[%parallel_loop3A_37, %parallel_loop3A_38] {strides = array<i32>} : memref<632x128xf32, #tpu.memory_space<vmem>>, vector<16xf32>,
      tpu.vector_store %arg8[%parallel_loop3A_37, %parallel_loop3A_38], %parallel_loop3A_36 {strides = array<i32>} : memref<632x128xf32, #tpu.memory_space<vmem>>, vector<16xf32>,
      %parallel_loop3A_40 = arith.index_cast %parallel_loop3A_27 : i32 to index
      %parallel_loop3A_41 = arith.constant 16 : index
      %parallel_loop3A_42 = tpu.vector_load %arg8[%parallel_loop3A_40, %parallel_loop3A_41] {strides = array<i32>} : memref<632x128xf32, #tpu.memory_space<vmem>>, vector<16xf32>,
      %parallel_loop3A_43 = arith.constant 16 : index
      %parallel_loop3A_44 = tpu.vector_load %arg19[%parallel_loop3A_43] {strides = array<i32>} : memref<128xf32, #tpu.memory_space<vmem>>, vector<16xf32>,
      %parallel_loop3A_45 = arith.addf %parallel_loop3A_42, %parallel_loop3A_44 : vector<16xf32>
      %parallel_loop3A_46 = arith.constant 0.000000e+00 : f32
      %parallel_loop3A_47 = vector.broadcast %parallel_loop3A_46 : f32 to vector<16xf32>
      %parallel_loop3A_48 = arith.maximumf %parallel_loop3A_45, %parallel_loop3A_47 : vector<16xf32>
      %parallel_loop3A_49 = arith.index_cast %parallel_loop3A_27 : i32 to index
      %parallel_loop3A_50 = arith.constant 16 : index
      %parallel_loop3A_51 = tpu.vector_load %arg8[%parallel_loop3A_49, %parallel_loop3A_50] {strides = array<i32>} : memref<632x128xf32, #tpu.memory_space<vmem>>, vector<16xf32>,
      tpu.vector_store %arg8[%parallel_loop3A_49, %parallel_loop3A_50], %parallel_loop3A_48 {strides = array<i32>} : memref<632x128xf32, #tpu.memory_space<vmem>>, vector<16xf32>,
      %parallel_loop3A_52 = arith.index_cast %parallel_loop3A_27 : i32 to index
      %parallel_loop3A_53 = arith.constant 32 : index
      %parallel_loop3A_54 = tpu.vector_load %arg8[%parallel_loop3A_52, %parallel_loop3A_53] {strides = array<i32>} : memref<632x128xf32, #tpu.memory_space<vmem>>, vector<16xf32>,
      %parallel_loop3A_55 = arith.constant 32 : index
      %parallel_loop3A_56 = tpu.vector_load %arg19[%parallel_loop3A_55] {strides = array<i32>} : memref<128xf32, #tpu.memory_space<vmem>>, vector<16xf32>,
      %parallel_loop3A_57 = arith.addf %parallel_loop3A_54, %parallel_loop3A_56 : vector<16xf32>
      %parallel_loop3A_58 = arith.constant 0.000000e+00 : f32
      %parallel_loop3A_59 = vector.broadcast %parallel_loop3A_58 : f32 to vector<16xf32>
      %parallel_loop3A_60 = arith.maximumf %parallel_loop3A_57, %parallel_loop3A_59 : vector<16xf32>
      %parallel_loop3A_61 = arith.index_cast %parallel_loop3A_27 : i32 to index
      %parallel_loop3A_62 = arith.constant 32 : index
      %parallel_loop3A_63 = tpu.vector_load %arg8[%parallel_loop3A_61, %parallel_loop3A_62] {strides = array<i32>} : memref<632x128xf32, #tpu.memory_space<vmem>>, vector<16xf32>,
      tpu.vector_store %arg8[%parallel_loop3A_61, %parallel_loop3A_62], %parallel_loop3A_60 {strides = array<i32>} : memref<632x128xf32, #tpu.memory_space<vmem>>, vector<16xf32>,
      %parallel_loop3A_64 = arith.index_cast %parallel_loop3A_27 : i32 to index
      %parallel_loop3A_65 = arith.constant 48 : index
      %parallel_loop3A_66 = tpu.vector_load %arg8[%parallel_loop3A_64, %parallel_loop3A_65] {strides = array<i32>} : memref<632x128xf32, #tpu.memory_space<vmem>>, vector<16xf32>,
      %parallel_loop3A_67 = arith.constant 48 : index
      %parallel_loop3A_68 = tpu.vector_load %arg19[%parallel_loop3A_67] {strides = array<i32>} : memref<128xf32, #tpu.memory_space<vmem>>, vector<16xf32>,
      %parallel_loop3A_69 = arith.addf %parallel_loop3A_66, %parallel_loop3A_68 : vector<16xf32>
      %parallel_loop3A_70 = arith.constant 0.000000e+00 : f32
      %parallel_loop3A_71 = vector.broadcast %parallel_loop3A_70 : f32 to vector<16xf32>
      %parallel_loop3A_72 = arith.maximumf %parallel_loop3A_69, %parallel_loop3A_71 : vector<16xf32>
      %parallel_loop3A_73 = arith.index_cast %parallel_loop3A_27 : i32 to index
      %parallel_loop3A_74 = arith.constant 48 : index
      %parallel_loop3A_75 = tpu.vector_load %arg8[%parallel_loop3A_73, %parallel_loop3A_74] {strides = array<i32>} : memref<632x128xf32, #tpu.memory_space<vmem>>, vector<16xf32>,
      tpu.vector_store %arg8[%parallel_loop3A_73, %parallel_loop3A_74], %parallel_loop3A_72 {strides = array<i32>} : memref<632x128xf32, #tpu.memory_space<vmem>>, vector<16xf32>,
      %parallel_loop3A_76 = arith.index_cast %parallel_loop3A_27 : i32 to index
      %parallel_loop3A_77 = arith.constant 64 : index
      %parallel_loop3A_78 = tpu.vector_load %arg8[%parallel_loop3A_76, %parallel_loop3A_77] {strides = array<i32>} : memref<632x128xf32, #tpu.memory_space<vmem>>, vector<16xf32>,
      %parallel_loop3A_79 = arith.constant 64 : index
      %parallel_loop3A_80 = tpu.vector_load %arg19[%parallel_loop3A_79] {strides = array<i32>} : memref<128xf32, #tpu.memory_space<vmem>>, vector<16xf32>,
      %parallel_loop3A_81 = arith.addf %parallel_loop3A_78, %parallel_loop3A_80 : vector<16xf32>
      %parallel_loop3A_82 = arith.constant 0.000000e+00 : f32
      %parallel_loop3A_83 = vector.broadcast %parallel_loop3A_82 : f32 to vector<16xf32>
      %parallel_loop3A_84 = arith.maximumf %parallel_loop3A_81, %parallel_loop3A_83 : vector<16xf32>
      %parallel_loop3A_85 = arith.index_cast %parallel_loop3A_27 : i32 to index
      %parallel_loop3A_86 = arith.constant 64 : index
      %parallel_loop3A_87 = tpu.vector_load %arg8[%parallel_loop3A_85, %parallel_loop3A_86] {strides = array<i32>} : memref<632x128xf32, #tpu.memory_space<vmem>>, vector<16xf32>,
      tpu.vector_store %arg8[%parallel_loop3A_85, %parallel_loop3A_86], %parallel_loop3A_84 {strides = array<i32>} : memref<632x128xf32, #tpu.memory_space<vmem>>, vector<16xf32>,
      %parallel_loop3A_88 = arith.index_cast %parallel_loop3A_27 : i32 to index
      %parallel_loop3A_89 = arith.constant 80 : index
      %parallel_loop3A_90 = tpu.vector_load %arg8[%parallel_loop3A_88, %parallel_loop3A_89] {strides = array<i32>} : memref<632x128xf32, #tpu.memory_space<vmem>>, vector<16xf32>,
      %parallel_loop3A_91 = arith.constant 80 : index
      %parallel_loop3A_92 = tpu.vector_load %arg19[%parallel_loop3A_91] {strides = array<i32>} : memref<128xf32, #tpu.memory_space<vmem>>, vector<16xf32>,
      %parallel_loop3A_93 = arith.addf %parallel_loop3A_90, %parallel_loop3A_92 : vector<16xf32>
      %parallel_loop3A_94 = arith.constant 0.000000e+00 : f32
      %parallel_loop3A_95 = vector.broadcast %parallel_loop3A_94 : f32 to vector<16xf32>
      %parallel_loop3A_96 = arith.maximumf %parallel_loop3A_93, %parallel_loop3A_95 : vector<16xf32>
      %parallel_loop3A_97 = arith.index_cast %parallel_loop3A_27 : i32 to index
      %parallel_loop3A_98 = arith.constant 80 : index
      %parallel_loop3A_99 = tpu.vector_load %arg8[%parallel_loop3A_97, %parallel_loop3A_98] {strides = array<i32>} : memref<632x128xf32, #tpu.memory_space<vmem>>, vector<16xf32>,
      tpu.vector_store %arg8[%parallel_loop3A_97, %parallel_loop3A_98], %parallel_loop3A_96 {strides = array<i32>} : memref<632x128xf32, #tpu.memory_space<vmem>>, vector<16xf32>,
      %parallel_loop3A_100 = arith.index_cast %parallel_loop3A_27 : i32 to index
      %parallel_loop3A_101 = arith.constant 96 : index
      %parallel_loop3A_102 = tpu.vector_load %arg8[%parallel_loop3A_100, %parallel_loop3A_101] {strides = array<i32>} : memref<632x128xf32, #tpu.memory_space<vmem>>, vector<16xf32>,
      %parallel_loop3A_103 = arith.constant 96 : index
      %parallel_loop3A_104 = tpu.vector_load %arg19[%parallel_loop3A_103] {strides = array<i32>} : memref<128xf32, #tpu.memory_space<vmem>>, vector<16xf32>,
      %parallel_loop3A_105 = arith.addf %parallel_loop3A_102, %parallel_loop3A_104 : vector<16xf32>
      %parallel_loop3A_106 = arith.constant 0.000000e+00 : f32
      %parallel_loop3A_107 = vector.broadcast %parallel_loop3A_106 : f32 to vector<16xf32>
      %parallel_loop3A_108 = arith.maximumf %parallel_loop3A_105, %parallel_loop3A_107 : vector<16xf32>
      %parallel_loop3A_109 = arith.index_cast %parallel_loop3A_27 : i32 to index
      %parallel_loop3A_110 = arith.constant 96 : index
      %parallel_loop3A_111 = tpu.vector_load %arg8[%parallel_loop3A_109, %parallel_loop3A_110] {strides = array<i32>} : memref<632x128xf32, #tpu.memory_space<vmem>>, vector<16xf32>,
      tpu.vector_store %arg8[%parallel_loop3A_109, %parallel_loop3A_110], %parallel_loop3A_108 {strides = array<i32>} : memref<632x128xf32, #tpu.memory_space<vmem>>, vector<16xf32>,
      %parallel_loop3A_112 = arith.index_cast %parallel_loop3A_27 : i32 to index
      %parallel_loop3A_113 = arith.constant 112 : index
      %parallel_loop3A_114 = tpu.vector_load %arg8[%parallel_loop3A_112, %parallel_loop3A_113] {strides = array<i32>} : memref<632x128xf32, #tpu.memory_space<vmem>>, vector<16xf32>,
      %parallel_loop3A_115 = arith.constant 112 : index
      %parallel_loop3A_116 = tpu.vector_load %arg19[%parallel_loop3A_115] {strides = array<i32>} : memref<128xf32, #tpu.memory_space<vmem>>, vector<16xf32>,
      %parallel_loop3A_117 = arith.addf %parallel_loop3A_114, %parallel_loop3A_116 : vector<16xf32>
      %parallel_loop3A_118 = arith.constant 0.000000e+00 : f32
      %parallel_loop3A_119 = vector.broadcast %parallel_loop3A_118 : f32 to vector<16xf32>
      %parallel_loop3A_120 = arith.maximumf %parallel_loop3A_117, %parallel_loop3A_119 : vector<16xf32>
      %parallel_loop3A_121 = arith.index_cast %parallel_loop3A_27 : i32 to index
      %parallel_loop3A_122 = arith.constant 112 : index
      %parallel_loop3A_123 = tpu.vector_load %arg8[%parallel_loop3A_121, %parallel_loop3A_122] {strides = array<i32>} : memref<632x128xf32, #tpu.memory_space<vmem>>, vector<16xf32>,
      tpu.vector_store %arg8[%parallel_loop3A_121, %parallel_loop3A_122], %parallel_loop3A_120 {strides = array<i32>} : memref<632x128xf32, #tpu.memory_space<vmem>>, vector<16xf32>,
    } {sc.loop_unroll_factor = 4 : i64, sc.parallel_access}
    %lt3A = arith.constant 15 : i32
    %lt3A_21 = arith.cmpi slt, %arg1, %lt3A : i32
    %convert_element_type3A = arith.extui %lt3A_21 : i1 to i32
    %cond3A = arith.constant 0 : i32
    %cond3A_22 = arith.cmpi ne, %convert_element_type3A, %cond3A : i32
    scf.if %cond3A_22 {
      %mul3A_27 = arith.constant 128 : i32
      %mul3A_28 = arith.muli %arg0, %mul3A_27 : i32
      "tpu.region"() ({
        %run_scoped3A = tpu.sem_alloc : memref<!tpu.dma_semaphore, #tpu.memory_space<semaphore_mem>>
        %dma_start3A = tpu.memref_slice %arg7[%mul3A_0, %mul3A_28] : memref<10000x256xf32, #tpu.memory_space<hbm>> -> memref<632x128xf32, #tpu.memory_space<hbm>>
        %dma_start3A_29 = tpu.memref_slice %arg7[%mul3A_0, %mul3A_28] : memref<10000x256xf32, #tpu.memory_space<hbm>> -> memref<632x128xf32, #tpu.memory_space<hbm>>
        tpu.enqueue_dma source(%arg8 : memref<632x128xf32, #tpu.memory_space<vmem>>) target(%dma_start3A_29 : memref<632x128xf32, #tpu.memory_space<hbm>>) target_semaphore(%run_scoped3A : memref<!tpu.dma_semaphore, #tpu.memory_space<semaphore_mem>>)
        %dma_wait3A = tpu.memref_slice %arg7[%mul3A_0, %mul3A_28] : memref<10000x256xf32, #tpu.memory_space<hbm>> -> memref<632x128xf32, #tpu.memory_space<hbm>>
        %dma_wait3A_30 = tpu.memref_slice %arg7[%mul3A_0, %mul3A_28] : memref<10000x256xf32, #tpu.memory_space<hbm>> -> memref<632x128xf32, #tpu.memory_space<hbm>>
        tpu.wait_dma2 semaphore(%run_scoped3A : memref<!tpu.dma_semaphore, #tpu.memory_space<semaphore_mem>>) src(%arg8 : memref<632x128xf32, #tpu.memory_space<vmem>>) dst(%dma_wait3A_30 : memref<632x128xf32, #tpu.memory_space<hbm>>)
        tpu.yield
      }) : () -> ()
    } else {
    }
    %eq3A = arith.constant 15 : i32
    %eq3A_23 = arith.cmpi eq, %arg1, %eq3A : i32
    %convert_element_type3A_24 = arith.extui %eq3A_23 : i1 to i32
    %cond3A_25 = arith.constant 0 : i32
    %cond3A_26 = arith.cmpi ne, %convert_element_type3A_24, %cond3A_25 : i32
    scf.if %cond3A_26 {
      %mul3A_27 = arith.constant 128 : i32
      %mul3A_28 = arith.muli %arg0, %mul3A_27 : i32
      "tpu.region"() ({
        %run_scoped3A = tpu.sem_alloc : memref<!tpu.dma_semaphore, #tpu.memory_space<semaphore_mem>>
        %dma_start3A = arith.constant 0 : i32
        %dma_start3A_29 = arith.constant 0 : i32
        %dma_start3A_30 = tpu.memref_slice %arg8[%dma_start3A, %dma_start3A_29] : memref<632x128xf32, #tpu.memory_space<vmem>> -> memref<520x128xf32, #tpu.memory_space<vmem>>
        %dma_start3A_31 = arith.constant 9480 : i32
        %dma_start3A_32 = tpu.memref_slice %arg7[%dma_start3A_31, %mul3A_28] : memref<10000x256xf32, #tpu.memory_space<hbm>> -> memref<520x128xf32, #tpu.memory_space<hbm>>
        %dma_start3A_33 = arith.constant 9480 : i32
        %dma_start3A_34 = tpu.memref_slice %arg7[%dma_start3A_33, %mul3A_28] : memref<10000x256xf32, #tpu.memory_space<hbm>> -> memref<520x128xf32, #tpu.memory_space<hbm>>
        %dma_start3A_35 = arith.constant 0 : i32
        %dma_start3A_36 = arith.constant 0 : i32
        %dma_start3A_37 = tpu.memref_slice %arg8[%dma_start3A_35, %dma_start3A_36] : memref<632x128xf32, #tpu.memory_space<vmem>> -> memref<520x128xf32, #tpu.memory_space<vmem>>
        tpu.enqueue_dma source(%dma_start3A_37 : memref<520x128xf32, #tpu.memory_space<vmem>>) target(%dma_start3A_34 : memref<520x128xf32, #tpu.memory_space<hbm>>) target_semaphore(%run_scoped3A : memref<!tpu.dma_semaphore, #tpu.memory_space<semaphore_mem>>)
        %dma_wait3A = arith.constant 0 : i32
        %dma_wait3A_38 = arith.constant 0 : i32
        %dma_wait3A_39 = tpu.memref_slice %arg8[%dma_wait3A, %dma_wait3A_38] : memref<632x128xf32, #tpu.memory_space<vmem>> -> memref<520x128xf32, #tpu.memory_space<vmem>>
        %dma_wait3A_40 = arith.constant 9480 : i32
        %dma_wait3A_41 = tpu.memref_slice %arg7[%dma_wait3A_40, %mul3A_28] : memref<10000x256xf32, #tpu.memory_space<hbm>> -> memref<520x128xf32, #tpu.memory_space<hbm>>
        %dma_wait3A_42 = arith.constant 9480 : i32
        %dma_wait3A_43 = tpu.memref_slice %arg7[%dma_wait3A_42, %mul3A_28] : memref<10000x256xf32, #tpu.memory_space<hbm>> -> memref<520x128xf32, #tpu.memory_space<hbm>>
        %dma_wait3A_44 = arith.constant 0 : i32
        %dma_wait3A_45 = arith.constant 0 : i32
        %dma_wait3A_46 = tpu.memref_slice %arg8[%dma_wait3A_44, %dma_wait3A_45] : memref<632x128xf32, #tpu.memory_space<vmem>> -> memref<520x128xf32, #tpu.memory_space<vmem>>
        tpu.wait_dma2 semaphore(%run_scoped3A : memref<!tpu.dma_semaphore, #tpu.memory_space<semaphore_mem>>) src(%dma_wait3A_46 : memref<520x128xf32, #tpu.memory_space<vmem>>) dst(%dma_wait3A_43 : memref<520x128xf32, #tpu.memory_space<hbm>>)
        tpu.yield
      }) : () -> ()
    } else {
    }
    return
  }
}

module attributes {stable_mosaic.version = 14 : i64} {
  func.func @body(%arg0: i32, %arg1: i32, %arg2: memref<1000x256xf32, #tpu.memory_space<vmem>>, %arg3: memref<256x128xf32, #tpu.memory_space<vmem>>, %arg4: memref<1x1000x128xf32, #tpu.memory_space<vmem>>) attributes {dimension_semantics = [#tpu.dimension_semantics<arbitrary>, #tpu.dimension_semantics<arbitrary>], iteration_bounds = array<i64: 10, 2>, scalar_prefetch = 0 : i64, scratch_operands = 0 : i64, tpu.core_type = #tpu.core_type<tc>, window_params = [{transform_indices = @transform_0, window_bounds = array<i64: 1000, 256>}, {transform_indices = @transform_1, window_bounds = array<i64: 256, 128>}, {transform_indices = @transform_2, window_bounds = array<i64: 1, 1000, 128>}]} {
    %get3A = arith.constant 0 : index
    %get3A_0 = arith.constant 0 : index
    %get3A_1 = vector.load %arg2[%get3A, %get3A_0] : memref<1000x256xf32, #tpu.memory_space<vmem>>, vector<1000x256xf32>
    %get3A_2 = arith.constant 0 : index
    %get3A_3 = arith.constant 0 : index
    %get3A_4 = vector.load %arg3[%get3A_2, %get3A_3] : memref<256x128xf32, #tpu.memory_space<vmem>>, vector<256x128xf32>
    %dot_general3A = arith.constant dense<0.000000e+00> : vector<1000x128xf32>
    %dot_general3A_5 = tpu.matmul %get3A_1, %get3A_4, %dot_general3A {dimension_numbers = #tpu.dot_dimension_numbers<[1], [0], [0], [1], [0, 0, 1, 1], [], []>, transpose_lhs_hint = false} : vector<1000x256xf32>, vector<256x128xf32>, vector<1000x128xf32> -> vector<1000x128xf32>
    %broadcast_in_dim3A = vector.shape_cast %dot_general3A_5 : vector<1000x128xf32> to vector<1x1000x128xf32>
    %swap3A = arith.constant 0 : index
    %swap3A_6 = arith.constant 0 : index
    %swap3A_7 = arith.constant 0 : index
    %swap3A_8 = vector.load %arg4[%swap3A, %swap3A_6, %swap3A_7] : memref<1x1000x128xf32, #tpu.memory_space<vmem>>, vector<1x1000x128xf32>
    tpu.vector_store %arg4[%swap3A, %swap3A_6, %swap3A_7], %broadcast_in_dim3A {strides = array<i32>} : memref<1x1000x128xf32, #tpu.memory_space<vmem>>, vector<1x1000x128xf32>,
    return
  }
  func.func @transform_0(%arg0: i32, %arg1: i32) -> (i32, i32) {
    %c0_i32 = arith.constant 0 : i32
    %c0_i32_0 = arith.constant 0 : i32
    return %arg0, %c0_i32 : i32, i32
  }
  func.func @transform_1(%arg0: i32, %arg1: i32) -> (i32, i32) {
    %c0_i32 = arith.constant 0 : i32
    %c0_i32_0 = arith.constant 0 : i32
    return %c0_i32, %arg1 : i32, i32
  }
  func.func @transform_2(%arg0: i32, %arg1: i32) -> (i32, i32, i32) {
    %c0_i32 = arith.constant 0 : i32
    %c0_i32_0 = arith.constant 0 : i32
    return %arg1, %arg0, %c0_i32 : i32, i32, i32
  }
}

</mosaic_0001>

<sc_bundles>
// kernel: kernel.4.cloned.1.call-start
scs
__scs_entry_jumppad:
0x0: {  	(pc) =	sbr.rel $0x88, $3  }
0x1: {  	(tag) =	ssettag $0x0;
	lr =	simm.s32 $0x1  }
0x2: {  	[smem:$0x3F9C] =	sst lr;
	_ =	strace $0xD0000000  }
0x3: {  	_ = 	snop  }
0x4: {  	_ = 	snop  }
0x5: {  	_ = 	snop  }
0x6: {  	_ = 	snop  }
0x7: {  	_ = 	snop  }
__scs_overlays_trampoline_lowered:
0x8: {  	[smem:$0x3FAB] =	sst s0  }
0x9: {  	[smem:$0x3FAC] =	sst s1  }
0xa: {  	[smem:$0x3FAD] =	sst s2  }
0xb: {  	[smem:$0x3FAE] =	sst s3  }
0xc: {  	[smem:$0x3FAF] =	sst s4  }
0xd: {  	[smem:$0x3FB0] =	sst s5  }
0xe: {  	[smem:$0x3FB1] =	sst s6  }
0xf: {  	[smem:$0x3FB2] =	sst s7  }
0x10: {  	[smem:$0x3FB3] =	sst s8  }
0x11: {  	[smem:$0x3FB4] =	sst s9;
	s0 =	simm.s32 @!p0 $0x0  }
0x12: {  	s1 =	sld [smem:$0x3F9A];
	s0 =	simm.s32 @p0 $0x1  }
0x13: {  	[smem:$0x3FB5] =	sst s0;
	s0 =	simm.s32 @!p1 $0x0  }
0x14: {  	s2 =	sld [smem:$0x3F99];
	s0 =	simm.s32 @p1 $0x1  }
0x15: {  	[smem:$0x3FB6] =	sst s0;
	s0 =	simm.s32 @!p2 $0x0  }
0x16: {  	s3 =	sld [smem:$0x3FDB];
	s0 =	simm.s32 @p2 $0x1  }
0x17: {  	s4 =	simm.s32 $0x1BF5;
	[smem:$0x3FB8] =	sst s0  }
0x18: {  	s0 =	sld [smem:$0x3F9B];
	_ =	swait.ge [sflag:s4], $0x0  }
0x19: {  	s7 =	sld [smem:$0x3F9C]  }
0x1a: {  	s8 =	sadd.s32 $0xFFFFE003, lr  }
0x1b: {  	s9 =	sadd.s32 $0xFFFFFEF7, lr;
	s5 =	simm.s32 $0xFFFFFFFF;
	p2 =	slt.u32 s8, $0xFFFFF086  }
0x1c: {  	p1 =	slt.u32 s9, $0xF7A;
	s5 =	simm.s32 @!p2 $0x0  }
0x1d: {  	s5 =	simm.s32 @p1 $0x1;
	p0 =	seq.s32 s7, s2  }
0x1e: {  	s7 =	smul.u32 @!p0 $0xF7A, s2;
	p2 =	seq.s32 @!p0 s5, $0x0  }
0x1f: {  	s9 =	smul.u32 $0xF7A, s1;
	s8 =	simm.s32 @!p0 $0x1BF5;
	p2 =	por !p2, p0  }
0x20: {  	[sflag:s8] =	ssyncset.s32 @!p0 $0xFFFFF086;
	s6 =	sadd.s32 @!p0 s3, s7;
	s7 =	simm.s32 @!p0 $0x108  }
0x21: {  	s3 =	sadd.s32 s3, s9;
	s6 =	sadd.s32 @!p0 $0x88, s6;
	s7 =	simm.s32 @p2 $0x1082  }
0x22: {  	[simem:s7], [sflag:s8] =	dma.local @!p0 [hbm:s6], $0xF7A  }
0x23: {  	s9 =	sor.u32 $0xD0000000, s2;
	s6 =	simm.s32 $0x108;
	_ =	swait.ge @!p0 [sflag:s8], $0x0  }
0x24: {  	s3 =	sadd.s32 $0x88, s3;
	s6 =	simm.s32 @!p1 $0x1082;
	[sflag:s4] =	ssyncset.s32 $0xFFFFF086  }
0x25: {  	[simem:s6], [sflag:s4] =	dma.local [hbm:s3], $0xF7A  }
0x26: {  	[smem:$0x3F9C] =	sst s1;
	(tag) =	ssettag s2;
	_ =	strace s9  }
0x27: {  	s1 =	sld [smem:$0x3FAC]  }
0x28: {  	s2 =	sld [smem:$0x3FAD]  }
0x29: {  	s4 =	sld [smem:$0x3FAF]  }
0x2a: {  	p0 =	seq.s32 s5, $0x0;
	s5 =	sld [smem:$0x3FB0]  }
0x2b: {  	s6 =	sld [smem:$0x3FB1]  }
0x2c: {  	s7 =	sld [smem:$0x3FB2]  }
0x2d: {  	s3 =	simm.s32 $0x108;
	s8 =	sld [smem:$0x3FB3]  }
0x2e: {  	s3 =	simm.s32 @!p0 $0x1082;
	s9 =	sld [smem:$0x3FB4]  }
0x2f: {  	lr =	sadd.s32 s0, s3;
	s0 =	sld [smem:$0x3FAB]  }
0x30: {  	s3 =	sld [smem:$0x3FAE]  }
0x31: {  	[smem:$0x3FB7] =	sst s10  }
0x32: {  	s10 =	sld [smem:$0x3FB5];
	_ =	sdelay $0x3  }
0x33: {  	p0 =	seq.s32 s10, $0x1;
	s10 =	sld [smem:$0x3FB7];
	_ =	sdelay $0x3  }
0x34: {  	[smem:$0x3FB7] =	sst s10  }
0x35: {  	s10 =	sld [smem:$0x3FB6];
	_ =	sdelay $0x3  }
0x36: {  	p1 =	seq.s32 s10, $0x1;
	s10 =	sld [smem:$0x3FB7];
	_ =	sdelay $0x3  }
0x37: {  	[smem:$0x3FB7] =	sst s10  }
0x38: {  	s10 =	sld [smem:$0x3FB8]  }
0x39: {  	_ = 	snop;
	(pc) =	sbr.ind lr, $3  }
0x3a: {  	_ = 	snop  }
0x3b: {  	_ = 	snop  }
0x3c: {  	p2 =	seq.s32 s10, $0x1;
	s10 =	sld [smem:$0x3FB7]  }
0x3d: {  	_ =	shalt  }
0x3e: {  	_ =	shalt  }
0x3f: {  	_ =	shalt  }
0x40: {  	_ =	shalt  }
0x41: {  	_ =	shalt  }
0x42: {  	_ =	shalt  }
0x43: {  	_ =	shalt  }
0x44: {  	_ =	shalt  }
0x45: {  	_ =	shalt  }
0x46: {  	_ =	shalt  }
0x47: {  	_ =	shalt  }
0x48: {  	_ =	shalt  }
0x49: {  	_ =	shalt  }
0x4a: {  	_ =	shalt  }
0x4b: {  	_ =	shalt  }
0x4c: {  	_ =	shalt  }
0x4d: {  	_ =	shalt  }
0x4e: {  	_ =	shalt  }
0x4f: {  	_ =	shalt  }
0x50: {  	_ =	shalt  }
0x51: {  	_ =	shalt  }
0x52: {  	_ =	shalt  }
0x53: {  	_ =	shalt  }
0x54: {  	_ =	shalt  }
0x55: {  	_ =	shalt  }
0x56: {  	_ =	shalt  }
0x57: {  	_ =	shalt  }
0x58: {  	_ =	shalt  }
0x59: {  	_ =	shalt  }
0x5a: {  	_ =	shalt  }
0x5b: {  	_ =	shalt  }
0x5c: {  	_ =	shalt  }
0x5d: {  	_ =	shalt  }
0x5e: {  	_ =	shalt  }
0x5f: {  	_ =	shalt  }
0x60: {  	_ =	shalt  }
0x61: {  	_ =	shalt  }
0x62: {  	_ =	shalt  }
0x63: {  	_ =	shalt  }
0x64: {  	_ =	shalt  }
0x65: {  	_ =	shalt  }
0x66: {  	_ =	shalt  }
0x67: {  	_ =	shalt  }
0x68: {  	_ =	shalt  }
0x69: {  	_ =	shalt  }
0x6a: {  	_ =	shalt  }
0x6b: {  	_ =	shalt  }
0x6c: {  	_ =	shalt  }
0x6d: {  	_ =	shalt  }
0x6e: {  	_ =	shalt  }
0x6f: {  	_ =	shalt  }
0x70: {  	_ =	shalt  }
0x71: {  	_ =	shalt  }
0x72: {  	_ =	shalt  }
0x73: {  	_ =	shalt  }
0x74: {  	_ =	shalt  }
0x75: {  	_ =	shalt  }
0x76: {  	_ =	shalt  }
0x77: {  	_ =	shalt  }
0x78: {  	_ =	shalt  }
0x79: {  	_ =	shalt  }
0x7a: {  	_ =	shalt  }
0x7b: {  	_ =	shalt  }
0x7c: {  	_ =	shalt  }
0x7d: {  	_ =	shalt  }
0x7e: {  	_ =	shalt  }
0x7f: {  	_ =	shalt  }
0x80: {  	_ =	shalt  }
0x81: {  	_ =	shalt  }
0x82: {  	_ =	shalt  }
0x83: {  	_ =	shalt  }
0x84: {  	_ =	shalt  }
0x85: {  	_ =	shalt  }
0x86: {  	_ =	shalt  }
0x87: {  	_ =	shalt  }
.Lfunc_end0:
.L_simem_size_0:
called_computation_lowered:
.L_overlay_start_0:
0x88: {  	s2 =	sld [smem:$0x3FD9]  }
0x89: {  	s3 =	sld [smem:$0x3FFE];
	_ =	sdelay $0x1  }
0x8a: {  	s1 =	srdreg.scid  }
0x8b: {  	s0 =	sand.u32 $0x1, s1  }
0x8c: {  	s17 =	sshll.u32 s0, $0xA;
	s2 =	sadd.s32 s3, s2  }
0x8d: {  	s2 =	sadd.s32 s2, s17  }
0x8e: {  	[smem:$0x3FC3] =	sst s2  }
0x8f: {  	_ = 	snop  }
0x90: {  	s2 =	sld [smem:$0x3FC7]  }
0x91: {  	s18 =	sld [smem:$0x3FC5]  }
0x92: {  	s4 =	sld [smem:$0x3FD0];
	(tm) =	ssettm $0x1  }
0x93: {  	s5 =	sld [smem:$0x3FFB];
	_ =	sdelay $0x3  }
0x94: {  	_ =	strace s5  }
0x95: {  	s5 =	sld [smem:$0x3FFC];
	_ =	sdelay $0x3  }
0x96: {  	_ =	strace s5  }
0x97: {  	s5 =	sld [smem:$0x3FFD];
	_ =	sdelay $0x3  }
0x98: {  	_ =	strace s5  }
0x99: {  	_ =	strace $0x8FFFFFFF  }
0x9a: {  	s19 =	sld [smem:$0x3FDB];
	_ =	sdelay $0x1  }
0x9b: {  	s6 =	simm.s32 $_scs_section_size  }
0x9c: {  	s7 =	simm.s32 $_size__tile_overlayer_lowered;
	s8 =	simm.s32 $_tile_overlayer_lowered  }
0x9d: {  	s22 =	simm.s32 $0x1BFF;
	s21 =	sshll.u32 s8, $0x1;
	s5 =	sadd.s32 s6, s19  }
0x9e: {  	s9 =	simm.s32 $0x0;
	s20 =	sshll.u32 s7, $0x1;
	s7 =	sadd.s32 s21, s5  }
0x9f: {  	[timem:s9], [sflag:s22] =	dma.local [hbm:s7], s20  }
0xa0: {  	_ =	swait.ge [sflag:s22], s20  }
0xa1: {  	s6 =	ssub.s32 $0x0, s20;
	[sflag:s22] =	ssyncset.done $0x0  }
0xa2: {  	[sflag:s22] =	ssyncadd.s32 s6;
	_ =	sdelay $0x1  }
0xa3: {  	s23 =	simm.s32 $0x1B8B  }
0xa4: {  	_ =	swait.ge [sflag:s23], $0x1  }
0xa5: {  	[sflag:s23] =	ssyncset.done $0x0  }
0xa6: {  	s25 =	simm.s32 $0x1B8E;
	s24 =	sld [smem:$0x3FFE];
	[sflag:s23] =	ssyncadd.s32 $0xFFFFFFFF  }
0xa7: {  	s26 =	simm.s32 $execute0_lowered;
	[smem:$0x3FD2] =	sst s25  }
0xa8: {  	s7 =	sshll.u32 s26, $0x1;
	_ =	strace $0x80000046;
	[dreg:$0x1] =	wrdreg $0xFFFFFFFF  }
0xa9: {  	s28 =	simm.s32 $_size_execute0_lowered;
	s5 =	sadd.s32 s5, s7;
	[dreg:$0x0] =	wrdreg $0x0  }
0xaa: {  	s7 =	sshll.u32 s28, $0x1;
	[dreg:$0x2] =	wrdreg s5  }
0xab: {  	[dreg:$0x3] =	wrdreg s7  }
0xac: {  	[dreg:$0x4] =	wrdreg $0xC0  }
0xad: {  	_ =	task [dreg:s9], $0x5FFFF  }
0xae: {  	[dreg:$0x1] =	wrdreg $0xFFFFFFFF  }
0xaf: {  	[dreg:$0x0] =	wrdreg $0x60  }
0xb0: {  	[dreg:$0x2] =	wrdreg s24  }
0xb1: {  	[dreg:$0x3] =	wrdreg s2  }
0xb2: {  	[dreg:$0x4] =	wrdreg s18  }
0xb3: {  	[dreg:$0x5] =	wrdreg s4  }
0xb4: {  	[dreg:$0x6] =	wrdreg $0x9  }
0xb5: {  	_ =	task.clear_ibuf [dreg:s9], $0x7FFFF;
	_ =	strace $0x90000046  }
0xb6: {  	s29 =	simm.s32 $0x9;
	_ =	strace $0x80000048  }
0xb7: {  	_ =	swait.ge [sflag:s29], $0x1  }
0xb8: {  	[sflag:s29] =	ssyncadd.s32 $0xFFFFFFFF  }
0xb9: {  	_ =	strace $0x90000048  }
0xba: {  	_ =	sfence  }
0xbb: {  	s30 =	sld [smem:$0x0];
	_ =	sdelay $0x2  }
0xbc: {  	s31 =	sshll.u32 s1, $0xD;
	s1 =	sshrl.u32 s1, $0x2  }
0xbd: {  	s3 =	sand.u32 $0x4000, s31;
	s1 =	sadd.s32 s1, s30  }
0xbe: {  	s0 =	sor.u32 s3, s0;
	s1 =	sshll.u32 s1, $0x11  }
0xbf: {  	s0 =	sor.u32 s1, s0  }
0xc0: {  	s0 =	sadd.s32 $0x8F2B, s0  }
0xc1: {  	[sflag:s0] =	ssyncadd.remote.s32 $0x1  }
0xc2: {  	_ =	sfence.sel $0xFFFF  }
0xc3: {  	[dreg:$0x0] =	wrdreg $0xFFFFFFFF;
	(pc) =	sbr.abs _section_cstart, $3  }
0xc4: {  	[dreg:$0x1] =	wrdreg $0xFFFFFFFF  }
0xc5: {  	_ =	task.clear_ibuf [dreg:s9], $0x2FFFF;
	_ =	strace $0x9FFFFFFF  }
0xc6: {  	(tm) =	ssettm $0x7FFFFFFF  }
0xc7: {  	_ =	shalt  }
tec
execute0_lowered:
.L_overlay_start_1:
0x0: {  	(tag) =	ssettag $0x1  }
0x1: {  	s0 =	rddreg [dreg:$0x0]  }
0x2: {  	s1 =	rddreg [dreg:$0x1]  }
0x3: {  	s3 =	rddreg [dreg:$0x2]  }
0x4: {  	s8 =	rddreg [dreg:$0x3]  }
0x5: {  	s2 =	simm.s32 $0x0;
	s5 =	srdreg.scid;
	s26 =	stileid.u32  }
0x6: {  	s12 =	simm.s32 $0x6;
	s13 =	simm.s32 $0x13C00;
	s14 =	simm.s32 $0x14880  }
0x7: {  	s15 =	simm.s32 $0x15500;
	s17 =	simm.s32 $0x16E80;
	s18 =	simm.s32 $0x16180  }
0x8: {  	s19 =	simm.s32 $0x17B80;
	s20 =	simm.s32 $0x10;
	s21 =	simm.s32 $0x18880  }
0x9: {  	s22 =	simm.s32 $0x2;
	s23 =	simm.s32 $0x3;
	s24 =	simm.s32 $0x4  }
0xa: {  	[smem:$0x7FF] =	sst s2;
	s4 =	sadd.s32 $0xA200, s0;
	s7 =	sand.u32 $0x1, s5  }
0xb: {  	s5 =	sadd.s32 $0x5200, s0;
	s6 =	sadd.s32 $0x200, s0;
	s10 =	smul.u32 $0x27800, s26  }
0xc: {  	s11 =	smul.u32 $0x278, s26;
	s9 =	ssub.s32 $0x2, s7;
	s28 =	sshll.u32 s7, $0xA  }
0xd: {  	s16 =	smul.u32 $0x2710, s7;
	s29 =	sshll.u32 s7, $0x7;
	s7 =	sshll.u32 s7, $0x4  }
0xe: {  	p0 =	seq.s32 s26, $0xF;
	s25 =	sshrl.u32 s9, $0x1;
	s3 =	sadd.s32 s3, s7  }
0xf: {  	s0 =	ssub.s32 s9, s25;
	s9 =	sor.u32 s28, s10;
	s10 =	sadd.s32 s29, s8  }
0x10: {  	v2 =	vlaneseq.u32;
	v3 =	vimm.f32 $0.0e+00;
	v4 =	vimm.s32 $0x0;
	_ =	strace $0x80000047;
	[dreg:$0x5] =	wrdreg s3;
	s31 =	sadd.s32 $0x4A100, s10  }
0x11: {  	v5 =	vor.u32 $0x10, v2;
	v6 =	vor.u32 $0x20, v2;
	v7 =	vor.u32 $0x30, v2;
	s9 =	sshrl.u32 s9, $0x3;
	s0 =	smax.u32 s0, $0x1;
	[dreg:$0x7] =	wrdreg s31  }
0x12: {  	v8 =	vor.u32 $0x40, v2;
	v9 =	vor.u32 $0x50, v2;
	v10 =	vor.u32 $0x60, v2;
	s26 =	simm.s32 $0x0;
	s30 =	sadd.s32 s8, s9;
	[dreg:$0x8] =	wrdreg s0  }
0x13: {  	v11 =	vor.u32 $0x70, v2;
	v0 =	vmov s11;
	v1 =	vmov s16;
	s16 =	simm.s32 $0x1;
	s25 =	simm.s32 $0x5;
	[dreg:$0x6] =	wrdreg s30  }
.LBB2_1:
0x14: {  	s0 =	rddreg [dreg:$0x5];
	s3 =	simm.s32 $0x1A880  }
0x15: {  	[tilespmem:s3], [sflag:$0x6] =	stream.linear.gather [hbm4b:s0+s2], $0x80, $0x38;
	[tilespmem:$0x1A900] =	vst v63  }
0x16: {  	_ =	swait.ge [sflag:s12], $0x80  }
0x17: {  	[sflag:s12] =	ssyncset.done $0x0  }
0x18: {  	s0 =	simm.s32 $0x100;
	[sflag:s12] =	ssyncadd.s32 $0xFFFFFF80  }
0x19: {  	[tilespmem:s0+$0xFFFFFF00] =	vst v3  }
0x1a: {  	[tilespmem:s0+$0xF0] =	vst v3  }
0x1b: {  	[tilespmem:s0+$0xE0] =	vst v3  }
0x1c: {  	[tilespmem:s0+$0xD0] =	vst v3  }
0x1d: {  	[tilespmem:s0+$0xC0] =	vst v3  }
0x1e: {  	[tilespmem:s0+$0xB0] =	vst v3  }
0x1f: {  	[tilespmem:s0+$0xA0] =	vst v3  }
0x20: {  	[tilespmem:s0+$0x90] =	vst v3  }
0x21: {  	[tilespmem:s0+$0x80] =	vst v3  }
0x22: {  	[tilespmem:s0+$0x70] =	vst v3  }
0x23: {  	[tilespmem:s0+$0x60] =	vst v3  }
0x24: {  	[tilespmem:s0+$0x50] =	vst v3  }
0x25: {  	[tilespmem:s0+$0x40] =	vst v3  }
0x26: {  	[tilespmem:s0+$0x30] =	vst v3  }
0x27: {  	[tilespmem:s0+$0x20] =	vst v3  }
0x28: {  	[tilespmem:s0+$0x10] =	vst v3  }
0x29: {  	[tilespmem:s0+$0x0] =	vst v3  }
0x2a: {  	[tilespmem:s0+$0xFFFFFFF0] =	vst v3  }
0x2b: {  	[tilespmem:s0+$0xFFFFFFE0] =	vst v3  }
0x2c: {  	[tilespmem:s0+$0xFFFFFFD0] =	vst v3  }
0x2d: {  	[tilespmem:s0+$0xFFFFFFC0] =	vst v3  }
0x2e: {  	[tilespmem:s0+$0xFFFFFFB0] =	vst v3  }
0x2f: {  	[tilespmem:s0+$0xFFFFFFA0] =	vst v3  }
0x30: {  	[tilespmem:s0+$0xFFFFFF90] =	vst v3  }
0x31: {  	[tilespmem:s0+$0xFFFFFF80] =	vst v3  }
0x32: {  	[tilespmem:s0+$0xFFFFFF70] =	vst v3  }
0x33: {  	[tilespmem:s0+$0xFFFFFF60] =	vst v3  }
0x34: {  	[tilespmem:s0+$0xFFFFFF50] =	vst v3  }
0x35: {  	[tilespmem:s0+$0xFFFFFF40] =	vst v3  }
0x36: {  	[tilespmem:s0+$0xFFFFFF30] =	vst v3  }
0x37: {  	s3 =	simm.s32 $0x0;
	[tilespmem:s0+$0xFFFFFF20] =	vst v3  }
.LBB2_2:
0x38: {  	s3 =	sadd.s32 $0x4, s3;
	[tilespmem:s0+$0xFFFFFF10] =	vst v3;
	s0 =	sadd.s32 $0x200, s0  }
0x39: {  	[tilespmem:s0+$0xFFFFFF00] =	vst v3;
	p1 =	slt.u32 s3, $0x274  }
0x3a: {  	[tilespmem:s0+$0xF0] =	vst v3  }
0x3b: {  	[tilespmem:s0+$0xE0] =	vst v3  }
0x3c: {  	[tilespmem:s0+$0xD0] =	vst v3  }
0x3d: {  	[tilespmem:s0+$0xC0] =	vst v3  }
0x3e: {  	[tilespmem:s0+$0xB0] =	vst v3  }
0x3f: {  	[tilespmem:s0+$0xA0] =	vst v3  }
0x40: {  	[tilespmem:s0+$0x90] =	vst v3  }
0x41: {  	[tilespmem:s0+$0x80] =	vst v3  }
0x42: {  	[tilespmem:s0+$0x70] =	vst v3  }
0x43: {  	[tilespmem:s0+$0x60] =	vst v3  }
0x44: {  	[tilespmem:s0+$0x50] =	vst v3  }
0x45: {  	[tilespmem:s0+$0x40] =	vst v3  }
0x46: {  	[tilespmem:s0+$0x30] =	vst v3  }
0x47: {  	[tilespmem:s0+$0x20] =	vst v3  }
0x48: {  	[tilespmem:s0+$0x10] =	vst v3  }
0x49: {  	[tilespmem:s0+$0x0] =	vst v3  }
0x4a: {  	[tilespmem:s0+$0xFFFFFFF0] =	vst v3  }
0x4b: {  	[tilespmem:s0+$0xFFFFFFE0] =	vst v3  }
0x4c: {  	[tilespmem:s0+$0xFFFFFFD0] =	vst v3  }
0x4d: {  	[tilespmem:s0+$0xFFFFFFC0] =	vst v3  }
0x4e: {  	[tilespmem:s0+$0xFFFFFFB0] =	vst v3  }
0x4f: {  	[tilespmem:s0+$0xFFFFFFA0] =	vst v3  }
0x50: {  	[tilespmem:s0+$0xFFFFFF90] =	vst v3  }
0x51: {  	[tilespmem:s0+$0xFFFFFF80] =	vst v3  }
0x52: {  	[tilespmem:s0+$0xFFFFFF70] =	vst v3  }
.Ltmp0:
0x53: {  	[tilespmem:s0+$0xFFFFFF60] =	vst v3;
	(pc) =	sbr.rel @p1 .LBB2_2-.Ltmp0, $4  }
0x54: {  	[tilespmem:s0+$0xFFFFFF50] =	vst v3  }
0x55: {  	[tilespmem:s0+$0xFFFFFF40] =	vst v3  }
0x56: {  	[tilespmem:s0+$0xFFFFFF30] =	vst v3  }
0x57: {  	[tilespmem:s0+$0xFFFFFF20] =	vst v3  }
.Ltmp1:
0x58: {  	(pc) =	sbr.rel .LBB2_4-.Ltmp1, $2  }
0x59: {  	_ =	sdelay $0x2  }
0x5a: {  	[tilespmem:s0+$0xFFFFFF10] =	vst v3;
	s28 =	simm.s32 $0x0  }
.LBB2_24:
0x5b: {  	s28 =	sadd.s32 $0x1, s28  }
0x5c: {  	p1 =	sne.s32 s28, $0x32  }
.Ltmp2:
0x5d: {  	_ = 	snop;
	(pc) =	sbr.rel @!p1 .LBB2_25-.Ltmp2, $1  }
0x5e: {  	_ =	sdelay $0x3  }
.LBB2_4:
0x5f: {  	s0 =	smul.u32 $0x190, s28;
	_ =	sdelay $0x1  }
0x60: {  	s3 =	sadd.s32 s5, s0  }
0x61: {  	[tilespmem:s13], [sflag:$0x1] =	stream.linear.gather [hbm4b:s3+s2], $0xC80, $0x38;
	[tilespmem:$0x1A900] =	vst v63  }
0x62: {  	s11 =	sadd.s32 s6, s0  }
0x63: {  	[tilespmem:s14], [sflag:$0x1] =	stream.linear.gather [hbm4b:s11+s2], $0xC80, $0x38;
	[tilespmem:$0x1A900] =	vst v63  }
0x64: {  	s0 =	sadd.s32 s1, s0  }
0x65: {  	[tilespmem:s15], [sflag:$0x1] =	stream.linear.gather [hbm4b:s0+s2], $0xC80, $0x38;
	[tilespmem:$0x1A900] =	vst v63  }
0x66: {  	_ =	swait.ge [sflag:s16], $0xC80  }
0x67: {  	[sflag:s16] =	ssyncset.done $0x0  }
0x68: {  	[sflag:s16] =	ssyncadd.s32 $0xFFFFF380  }
0x69: {  	_ =	swait.ge [sflag:s16], $0xC80  }
0x6a: {  	[sflag:s16] =	ssyncset.done $0x0  }
0x6b: {  	[sflag:s16] =	ssyncadd.s32 $0xFFFFF380  }
0x6c: {  	_ =	swait.ge [sflag:s16], $0xC80  }
0x6d: {  	[sflag:s16] =	ssyncset.done $0x0  }
0x6e: {  	s30 =	simm.s32 $0x13C20;
	[sflag:s16] =	ssyncadd.s32 $0xFFFFF380  }
0x6f: {  	v12 =	vld [tilespmem:s30+$0x0]  }
0x70: {  	v13 =	vld [tilespmem:s30+$0xFFFFFFF0]  }
0x71: {  	v14 =	vld [tilespmem:s30+$0x10]  }
0x72: {  	v15 =	vld [tilespmem:s30+$0xFFFFFFE0];
	_ =	sdelay $0x1  }
0x73: {  	v17 =	vsub.s32 v12, v0  }
0x74: {  	v19 =	vsub.s32 v13, v0;
	vm1 =	vlt.u32 v17, $0x278  }
0x75: {  	v18 =	vsub.s32 v14, v0;
	vm3 =	vlt.u32 v19, $0x278;
	v12 =	vsel vm1, $0x1, v4  }
0x76: {  	v20 =	vsub.s32 v15, v0;
	vm2 =	vlt.u32 v18, $0x278;
	v13 =	vsel vm3, $0x1, v4;
	(xrf0) =	vadd.scan.msk.s32 $0xffff, v12  }
0x77: {  	vm4 =	vlt.u32 v20, $0x278;
	v12 =	vsel vm2, $0x1, v4;
	(xrf0) =	vadd.scan.msk.s32 $0xffff, v13  }
0x78: {  	v13 =	vmpcnt.ones.xlane vm4;
	(xrf0) =	vadd.scan.msk.s32 $0xffff, v12;
	v12 =	vsel vm4, $0x1, v4  }
0x79: {  	v15 =	vimm.s32 $0x0;
	(xrf0) =	vadd.scan.msk.s32 $0xffff, v12;
	v12 =	vmpcnt.ones.xlane vm3  }
0x7a: {  	v13 =	vadd.s32 v15, v13  }
0x7b: {  	v12 =	vadd.s32 v13, v12  }
0x7c: {  	s31 =	simm.s32 $0x13C60;
	v14 =	vmpcnt.ones.xlane vm1;
	v16, _, _ =	vpop (xrf0)  }
0x7d: {  	v22 =	vld [tilespmem:s31+$0x0];
	v16 =	vadd.s32 v16, v12;
	v21, _, _ =	vpop (xrf0)  }
0x7e: {  	v24 =	vld [tilespmem:s31+$0xFFFFFFF0];
	v23 =	vadd.s32 v12, v14;
	v32 =	vadd.s32 $0xFFFFFFFF, v16;
	v12, _, _ =	vpop (xrf0)  }
0x7f: {  	v12 =	vadd.s32 v12, v23  }
0x80: {  	v25 =	vld [tilespmem:s31+$0x10];
	vm0 =	vmmov vm2;
	vm5 =	vmmov vm4;
	v16, _, _ =	vpop (xrf0);
	v14 =	vadd.s32 $0xFFFFFFFF, v12  }
0x81: {  	v26 =	vld [tilespmem:s31+$0xFFFFFFE0];
	vm8 =	vmmov vm1;
	vm4 =	vmmov vm3;
	v12 =	vadd.s32 v16, v15  }
0x82: {  	v13 =	vadd.s32 v21, v13;
	v16 =	vsub.s32 v22, v0;
	v15 =	vadd.s32 $0xFFFFFFFF, v12  }
0x83: {  	s0 =	simm.s32 $0x148A0;
	v12 =	vadd.s32 $0xFFFFFFFF, v13;
	v13 =	vsub.s32 v24, v0;
	[tilespmem:v32+s17+$0x0] =	vst.idx.msk vm1, v17;
	vm1 =	vlt.u32 v16, $0x278  }
0x84: {  	v21 =	vmpcnt.ones.xlane vm2;
	vm3 =	vlt.u32 v13, $0x278;
	v24 =	vld [tilespmem:s0+$0x0];
	v22 =	vsel vm1, $0x1, v4  }
0x85: {  	v17 =	vsub.s32 v25, v0;
	v25 =	vsel vm3, $0x1, v4;
	[tilespmem:v14+s17+$0x0] =	vst.idx.msk vm2, v18;
	(xrf0) =	vadd.scan.msk.s32 $0xffff, v22  }
0x86: {  	s11 =	simm.s32 $0x13CA0;
	vm6 =	vmmov vm5;
	vm2 =	vlt.u32 v17, $0x278;
	v18 =	vsub.s32 v26, v0;
	v26 =	vld [tilespmem:s0+$0x10];
	(xrf0) =	vadd.scan.msk.s32 $0xffff, v25  }
0x87: {  	v29 =	vld [tilespmem:s11+$0x10];
	v23 =	vadd.s32 v23, v21;
	vm9 =	vlt.u32 v18, $0x278;
	v27 =	vsel vm2, $0x1, v4;
	[tilespmem:v15+s17+$0x0] =	vst.idx.msk vm5, v20  }
0x88: {  	v20 =	vsel vm9, $0x1, v4;
	(xrf0) =	vadd.scan.msk.s32 $0xffff, v27;
	[tilespmem:v12+s17+$0x0] =	vst.idx.msk vm4, v19;
	v19 =	vmpcnt.ones.xlane vm9;
	v25 =	vld [tilespmem:s0+$0xFFFFFFE0]  }
0x89: {  	v21 =	vmpcnt.ones.xlane vm3;
	vm4 =	vmmov vm4;
	(xrf0) =	vadd.scan.msk.s32 $0xffff, v20;
	v20 =	vld [tilespmem:s0+$0xFFFFFFF0];
	v27 =	vadd.s32 v1, v24  }
0x8a: {  	s3 =	simm.s32 $0x15520;
	v22 =	vld [tilespmem:s11+$0xFFFFFFE0];
	v19 =	vadd.s32 v23, v19;
	[tilespmem:v32+s18+$0x0] =	vst.idx.msk vm8, v27  }
0x8b: {  	v27 =	vmpcnt.ones.xlane vm1;
	v21 =	vadd.s32 v19, v21;
	v33 =	vld [tilespmem:s3+$0x0];
	v26 =	vadd.s32 v1, v26;
	v30, _, _ =	vpop (xrf0)  }
0x8c: {  	vm3 =	vmmov vm3;
	v28 =	vmpcnt.ones.xlane vm2;
	v24 =	vld [tilespmem:s11+$0xFFFFFFF0];
	[tilespmem:v14+s18+$0x0] =	vst.idx.msk vm0, v26;
	v31 =	vadd.s32 v30, v21;
	v34, _, _ =	vpop (xrf0)  }
0x8d: {  	v27 =	vadd.s32 v21, v27;
	v25 =	vadd.s32 v1, v25;
	v26 =	vld [tilespmem:s3+$0x10];
	v19 =	vadd.s32 v34, v19  }
0x8e: {  	v30 =	vld [tilespmem:s11+$0x0];
	v21 =	vadd.s32 v27, v28;
	v35, _, _ =	vpop (xrf0);
	v20 =	vadd.s32 v1, v20;
	v28 =	vadd.s32 $0xFFFFFFFF, v31;
	[tilespmem:v15+s18+$0x0] =	vst.idx.msk vm6, v25  }
0x8f: {  	vm7 =	vmmov vm2;
	vm5 =	vmmov vm9;
	v25 =	vadd.s32 v35, v27;
	[tilespmem:v12+s18+$0x0] =	vst.idx.msk vm4, v20;
	v31, _, _ =	vpop (xrf0);
	v27 =	vld [tilespmem:s3+$0xFFFFFFE0]  }
0x90: {  	s29 =	simm.s32 $0x8;
	v20 =	vadd.s32 $0xFFFFFFFF, v19;
	v31 =	vadd.s32 v31, v23;
	v23 =	vadd.s32 $0xFFFFFFFF, v25;
	v25 =	vld [tilespmem:s3+$0xFFFFFFF0];
	[tilespmem:v32+s19+$0x0] =	vst.idx.msk vm8, v33;
	v19 =	vmovc v28  }
.LBB2_5:
0x91: {  	s29 =	sadd.s32 $0x4, s29;
	s3 =	sadd.s32 $0x40, s3;
	s0 =	sadd.s32 $0x40, s0;
	v32 =	vmov v21;
	vm8 =	vmmov vm1  }
0x92: {  	v29 =	vsub.s32 v29, v0;
	v31 =	vadd.s32 $0xFFFFFFFF, v31;
	p1 =	slt.u32 s29, $0xC4;
	[tilespmem:v14+s19+$0x0] =	vst.idx.msk vm0, v26;
	v14 =	vmovc v23;
	vm0 =	vmmov vm2  }
0x93: {  	vm2 =	vlt.u32 v29, $0x278;
	[tilespmem:v28+s17+$0x0] =	vst.idx.msk vm1, v16;
	v16 =	vsub.s32 v30, v0  }
0x94: {  	v24 =	vsub.s32 v24, v0;
	v26 =	vsub.s32 v22, v0;
	vm1 =	vlt.u32 v16, $0x278;
	v28 =	vld [tilespmem:s0+$0x0];
	[tilespmem:v15+s19+$0x0] =	vst.idx.msk vm6, v27  }
0x95: {  	vm9 =	vlt.u32 v24, $0x278;
	vm10 =	vlt.u32 v26, $0x278;
	v15 =	vmovc v31;
	v22 =	vsel vm1, $0x1, v4;
	[tilespmem:v23+s17+$0x0] =	vst.idx.msk vm7, v17;
	v17 =	vmovc v29  }
0x96: {  	s11 =	sadd.s32 $0x40, s11;
	v27 =	vsel vm9, $0x1, v4;
	v23 =	vsel vm10, $0x1, v4;
	(xrf0) =	vadd.scan.msk.s32 $0xffff, v22;
	v29 =	vld [tilespmem:s0+$0x10];
	[tilespmem:v12+s19+$0x0] =	vst.idx.msk vm4, v25;
	v12 =	vmovc v20  }
0x97: {  	v30 =	vsel vm2, $0x1, v4;
	v25 =	vmpcnt.ones.xlane vm10;
	v22 =	vld [tilespmem:s11+$0xFFFFFFE0];
	(xrf0) =	vadd.scan.msk.s32 $0xffff, v27;
	[tilespmem:v31+s17+$0x0] =	vst.idx.msk vm5, v18;
	v18 =	vmovc v26  }
0x98: {  	vm6 =	vmmov vm5;
	vm7 =	vmmov vm2;
	(xrf0) =	vadd.scan.msk.s32 $0xffff, v30;
	v26 =	vld [tilespmem:s0+$0xFFFFFFE0];
	[tilespmem:v20+s17+$0x0] =	vst.idx.msk vm3, v13;
	v13 =	vmovc v24  }
0x99: {  	vm4 =	vmmov vm3;
	vm5 =	vmmov vm10;
	(xrf0) =	vadd.scan.msk.s32 $0xffff, v23;
	v20 =	vld [tilespmem:s0+$0xFFFFFFF0];
	v23 =	vadd.s32 v1, v28  }
0x9a: {  	v27 =	vmpcnt.ones.xlane vm9;
	vm3 =	vmmov vm9;
	v24 =	vld [tilespmem:s11+$0xFFFFFFF0];
	[tilespmem:v19+s18+$0x0] =	vst.idx.msk vm8, v23  }
0x9b: {  	v23 =	vadd.s32 v21, v25;
	v21 =	vmpcnt.ones.xlane vm1;
	v33 =	vld [tilespmem:s3+$0x0];
	v25 =	vadd.s32 v1, v29  }
.Ltmp3:
0x9c: {  	v37 =	vmpcnt.ones.xlane vm2;
	v27 =	vadd.s32 v23, v27;
	v29 =	vld [tilespmem:s11+$0x10];
	v28, _, _ =	vpop (xrf0);
	[tilespmem:v14+s18+$0x0] =	vst.idx.msk vm0, v25;
	(pc) =	sbr.rel @p1 .LBB2_5-.Ltmp3, $4  }
0x9d: {  	v36 =	vadd.s32 v28, v27;
	v27 =	vadd.s32 v27, v21;
	v34, _, _ =	vpop (xrf0);
	v35 =	vadd.s32 v1, v26;
	v26 =	vld [tilespmem:s3+$0x10]  }
0x9e: {  	v30 =	vld [tilespmem:s11+$0x0];
	v28 =	vadd.s32 $0xFFFFFFFF, v36;
	v21 =	vadd.s32 v27, v37;
	v25, _, _ =	vpop (xrf0);
	[tilespmem:v15+s18+$0x0] =	vst.idx.msk vm6, v35;
	v20 =	vadd.s32 v1, v20  }
0x9f: {  	v23 =	vadd.s32 v34, v23;
	v25 =	vadd.s32 v25, v27;
	v31, _, _ =	vpop (xrf0);
	v27 =	vld [tilespmem:s3+$0xFFFFFFE0];
	[tilespmem:v12+s18+$0x0] =	vst.idx.msk vm4, v20  }
0xa0: {  	v20 =	vadd.s32 $0xFFFFFFFF, v23;
	v31 =	vadd.s32 v31, v32;
	v23 =	vadd.s32 $0xFFFFFFFF, v25;
	v25 =	vld [tilespmem:s3+$0xFFFFFFF0];
	[tilespmem:v19+s19+$0x0] =	vst.idx.msk vm8, v33;
	v19 =	vmovc v28  }
0xa1: {  	v22 =	vsub.s32 v22, v0  }
0xa2: {  	v29 =	vsub.s32 v29, v0;
	v24 =	vsub.s32 v24, v0;
	vm10 =	vlt.u32 v22, $0x278  }
0xa3: {  	vm9 =	vlt.u32 v24, $0x278;
	v30 =	vsub.s32 v30, v0;
	v32 =	vmpcnt.ones.xlane vm10  }
0xa4: {  	vm11 =	vlt.u32 v29, $0x278;
	v33 =	vmpcnt.ones.xlane vm9;
	vm8 =	vlt.u32 v30, $0x278  }
0xa5: {  	v34 =	vsel vm8, $0x1, v4;
	v32 =	vadd.s32 v21, v32;
	v35 =	vmpcnt.ones.xlane vm8  }
0xa6: {  	v36 =	vsel vm9, $0x1, v4;
	v59 =	vmpcnt.ones.xlane vm11;
	(xrf0) =	vadd.scan.msk.s32 $0xffff, v34;
	v33 =	vadd.s32 v32, v33  }
0xa7: {  	v60 =	vsel vm11, $0x1, v4;
	(xrf0) =	vadd.scan.msk.s32 $0xffff, v36;
	v35 =	vadd.s32 v33, v35  }
0xa8: {  	v61 =	vsel vm10, $0x1, v4;
	(xrf0) =	vadd.scan.msk.s32 $0xffff, v60;
	v34 =	vadd.s32 v35, v59  }
0xa9: {  	(xrf0) =	vadd.scan.msk.s32 $0xffff, v61;
	v34 =	vxor.u32 $0x80000000, v34  }
0xaa: {  	(xrf0) =	vmax.scan.msk.u32 $0xffff, v34;
	_ =	sdelay $0x1  }
0xab: {  	v62, _, _ =	vpop (xrf0)  }
0xac: {  	v63, _, _ =	vpop (xrf0)  }
0xad: {  	v37, _, _ =	vpop (xrf0)  }
0xae: {  	[tilespmem:v28+s17+$0x0] =	vst.idx.msk vm1, v16;
	v39, _, _ =	vpop (xrf0)  }
0xaf: {  	s0 =	sadd.s32 $0x40, s0;
	[tilespmem:v23+s17+$0x0] =	vst.idx.msk vm7, v17;
	v42, _, _ =	vpop (xrf0)  }
0xb0: {  	v31 =	vadd.s32 $0xFFFFFFFF, v31;
	vm7 =	vmmov vm1;
	[tilespmem:v20+s17+$0x0] =	vst.idx.msk vm3, v13;
	v16 =	vld [tilespmem:s0+$0x0];
	(v2sf) =	vpush v42, $0xF  }
0xb1: {  	vm12 =	vmmov vm3;
	v47 =	vld [tilespmem:s0+$0xFFFFFFF0]  }
0xb2: {  	vm2 =	vmmov vm2;
	[tilespmem:v14+s19+$0x0] =	vst.idx.msk vm0, v26;
	v36 =	vld [tilespmem:s0+$0x10]  }
0xb3: {  	[tilespmem:v15+s19+$0x0] =	vst.idx.msk vm6, v27;
	v41 =	vadd.s32 v62, v33  }
0xb4: {  	vm9 =	vmmov vm9;
	[tilespmem:v12+s19+$0x0] =	vst.idx.msk vm4, v25;
	v43 =	vadd.s32 $0xFFFFFFFF, v41;
	v17 =	vadd.s32 v63, v32  }
0xb5: {  	[tilespmem:v31+s17+$0x0] =	vst.idx.msk vm5, v18;
	v40 =	vadd.s32 v1, v16;
	v44 =	vadd.s32 v37, v35;
	v48 =	vadd.s32 $0xFFFFFFFF, v17  }
0xb6: {  	v18 =	vadd.s32 v1, v47;
	[tilespmem:v19+s18+$0x0] =	vst.idx.msk vm7, v40;
	v45 =	vadd.s32 v39, v21;
	v16 =	vadd.s32 $0xFFFFFFFF, v44  }
0xb7: {  	vm1 =	vmmov vm5;
	s3 =	sadd.s32 $0x40, s3;
	v38 =	vld [tilespmem:s0+$0xFFFFFFE0];
	[tilespmem:v20+s18+$0x0] =	vst.idx.msk vm12, v18;
	v46 =	vadd.s32 v1, v36;
	v13 =	vadd.s32 $0xFFFFFFFF, v45  }
0xb8: {  	v49 =	vld [tilespmem:s3+$0x0];
	[tilespmem:v23+s18+$0x0] =	vst.idx.msk vm2, v46  }
0xb9: {  	s0 =	sadd.s32 $0x40, s0;
	v56 =	vld [tilespmem:s3+$0xFFFFFFF0];
	[tilespmem:v43+s17+$0x0] =	vst.idx.msk vm8, v30  }
0xba: {  	v51 =	vld [tilespmem:s0+$0x0];
	[tilespmem:v48+s17+$0x0] =	vst.idx.msk vm9, v24  }
0xbb: {  	[tilespmem:v16+s17+$0x0] =	vst.idx.msk vm11, v29;
	v53 =	vld [tilespmem:s0+$0xFFFFFFF0]  }
0xbc: {  	vm0 =	vmmov vm11;
	vm15 =	vmmov vm10;
	v14 =	vadd.s32 v1, v38;
	v52 =	vld [tilespmem:s0+$0x10];
	[tilespmem:v13+s17+$0x0] =	vst.idx.msk vm10, v22  }
0xbd: {  	vm14 =	vmmov vm15;
	[tilespmem:v31+s18+$0x0] =	vst.idx.msk vm1, v14;
	v22 =	vld [tilespmem:s0+$0xFFFFFFE0]  }
0xbe: {  	[tilespmem:v19+s19+$0x0] =	vst.idx.msk vm7, v49  }
0xbf: {  	v50 =	vld [tilespmem:s3+$0x10];
	[tilespmem:v20+s19+$0x0] =	vst.idx.msk vm12, v56;
	v55 =	vadd.s32 v1, v51;
	s10 =	spop (v2sf)  }
0xc0: {  	s9 =	sadd.s32 $0x40, s3;
	v54 =	vld [tilespmem:s3+$0xFFFFFFE0];
	[tilespmem:v43+s18+$0x0] =	vst.idx.msk vm8, v55;
	v61 =	vadd.s32 v1, v53;
	s3 =	sadd.s32 $0x8000000F, s10  }
0xc1: {  	v57 =	vadd.s32 v1, v52;
	v58 =	vld [tilespmem:s9+$0x0];
	[tilespmem:v48+s18+$0x0] =	vst.idx.msk vm9, v61;
	s30 =	sand.u32 $0xF, s3  }
0xc2: {  	[tilespmem:v16+s18+$0x0] =	vst.idx.msk vm0, v57;
	v59 =	vadd.s32 v1, v22;
	v14 =	vld [tilespmem:s9+$0xFFFFFFF0];
	s31 =	sshra.s32 s3, $0x1F;
	p2 =	slt.s32 s3, $0x1;
	p1 =	sne.s32 s30, $0x0  }
0xc3: {  	v60 =	vld [tilespmem:s9+$0x10];
	[tilespmem:v13+s18+$0x0] =	vst.idx.msk vm14, v59;
	s11 =	sxor.u32 $0x80000000, s10;
	s0 =	sshrl.u32 s31, $0x1C;
	p1 =	por !p2, !p1  }
0xc4: {  	[tilespmem:v23+s19+$0x0] =	vst.idx.msk vm2, v50;
	v62 =	vld [tilespmem:s9+$0xFFFFFFE0];
	s0 =	sadd.s32 s0, s3;
	s3 =	simm.s32 $0x1;
	p1 =	por !p1, !p1  }
0xc5: {  	[tilespmem:v31+s19+$0x0] =	vst.idx.msk vm1, v54;
	v63 =	vadd.s32 s11, v2;
	s0 =	sshra.s32 s0, $0x4;
	s3 =	simm.s32 @!p1 $0x0  }
0xc6: {  	[tilespmem:v43+s19+$0x0] =	vst.idx.msk vm8, v58;
	s29 =	ssub.s32 s0, s3  }
0xc7: {  	[tilespmem:v48+s19+$0x0] =	vst.idx.msk vm9, v14;
	p1 =	slt.s32 s29, $0x1  }
.Ltmp4:
0xc8: {  	[tilespmem:v16+s19+$0x0] =	vst.idx.msk vm0, v60;
	(pc) =	sbr.rel @p1 .LBB2_24-.Ltmp4, $4  }
0xc9: {  	[tilespmem:v13+s19+$0x0] =	vst.idx.msk vm14, v62  }
0xca: {  	[tilespmem:v63+s18+$0x0] =	vst.idx.msk $0xffff, v1  }
0xcb: {  	[tilespmem:v63+s17+$0x0] =	vst.idx.msk $0xffff, v4  }
0xcc: {  	vm15 =	vmmov vm9;
	vm13 =	vmmov vm8;
	[tilespmem:v63+s19+$0x0] =	vst.idx.msk $0xffff, v3  }
0xcd: {  	[tilespmem:s21], [sflag:$0x2] =	stream.indirect.gather [hbm4b:s4+s20], $0x80, s18, s20, $0xb8;
	[tilespmem:$0x1A900] =	vst v63  }
0xce: {  	p1 =	seq.s32 s29, $0x1  }
0xcf: {  	s0 =	simm.s32 @!p1 $0x10;
	s3 =	simm.s32 @!p1 $0x16190  }
.Ltmp5:
0xd0: {  	s11 =	simm.s32 @!p1 $0x19080;
	p2 =	slt.u32 @!p1 s29, $0x3;
	(pc) =	sbr.rel .LBB2_8-.Ltmp5, $4  }
0xd1: {  	[tilespmem:s11], [sflag:$0x3] =	stream.indirect.gather @!p1 [hbm4b:s4+s0], $0x80, s3, s0, $0xb8;
	[tilespmem:$0x1A900] =	vst v63  }
0xd2: {  	s30 =	simm.s32 $0x0;
	s31 =	simm.s32 $0x0;
	p1 =	por p2, p1  }
0xd3: {  	s0 =	simm.s32 @!p1 $0x10;
	s3 =	simm.s32 @!p1 $0x161A0;
	s11 =	simm.s32 @!p1 $0x19880  }
0xd4: {  	[tilespmem:s11], [sflag:$0x4] =	stream.indirect.gather @!p1 [hbm4b:s4+s0], $0x80, s3, s0, $0xb8;
	[tilespmem:$0x1A900] =	vst v63  }
.LBB2_22:
0xd5: {  	v25 =	vld [tilespmem:s3+$0xFFFFFFC0];
	_ =	sdelay $0x1  }
0xd6: {  	v32 =	vor.u32 v8, v22;
	_ =	sdelay $0x2  }
0xd7: {  	v25 =	vmul.f32 v25, v18;
	_ =	sdelay $0x1  }
0xd8: {  	[tilespmem:v32+s2+$0x0] =	vst.idx.add.f32.msk $0xffff, v25  }
0xd9: {  	v47 =	vor.u32 v9, v20;
	v32 =	vld [tilespmem:s3+$0xFFFFFFD0];
	_ =	sdelay $0x1  }
0xda: {  	[tilespmem:v30+s2+$0x0] =	vst.idx.add.f32.msk $0xffff, v31;
	v48 =	vor.u32 v9, v22  }
0xdb: {  	v28 =	vmul.f32 v28, v15;
	v52 =	vld [tilespmem:s0+$0xFFFFFFF0]  }
0xdc: {  	v31 =	vld [tilespmem:s3+$0xE0]  }
0xdd: {  	[tilespmem:v47+s2+$0x0] =	vst.idx.add.f32.msk $0xffff, v28;
	v32 =	vmul.f32 v32, v18  }
0xde: {  	v49 =	vor.u32 v10, v19;
	v28 =	vld [tilespmem:s3+$0xFFFFFF60]  }
0xdf: {  	v29 =	vmul.f32 v29, v16;
	[tilespmem:v48+s2+$0x0] =	vst.idx.add.f32.msk $0xffff, v32  }
0xe0: {  	v50 =	vor.u32 v10, v20;
	v30 =	vld [tilespmem:s3+$0xFFFFFFE0]  }
0xe1: {  	[tilespmem:v26+s2+$0x0] =	vst.idx.add.f32.msk $0xffff, v29;
	v51 =	vmul.f32 v31, v17  }
0xe2: {  	v54 =	vor.u32 v10, v22;
	v56 =	vld [tilespmem:s3+$0x70]  }
0xe3: {  	[tilespmem:v49+s2+$0x0] =	vst.idx.add.f32.msk $0xffff, v51;
	v53 =	vmul.f32 v28, v15  }
0xe4: {  	v29 =	vld [tilespmem:s3+$0xF0]  }
0xe5: {  	v12 =	vor.u32 v11, v12;
	[tilespmem:v50+s2+$0x0] =	vst.idx.add.f32.msk $0xffff, v53;
	v55 =	vmul.f32 v30, v18  }
0xe6: {  	v14 =	vor.u32 v11, v14;
	v25 =	vld [tilespmem:s3+$0xFFFFFF70]  }
0xe7: {  	v21 =	vor.u32 v11, v21;
	[tilespmem:v54+s2+$0x0] =	vst.idx.add.f32.msk $0xffff, v55  }
0xe8: {  	v57 =	vor.u32 v11, v19;
	v26 =	vld [tilespmem:s3+$0xFFFFFFF0]  }
0xe9: {  	v58 =	vor.u32 v11, v20;
	[tilespmem:v23+s2+$0x0] =	vst.idx.add.f32.msk $0xffff, v24;
	v13 =	vmul.f32 v52, v13  }
0xea: {  	v60 =	vor.u32 v11, v22;
	[tilespmem:v12+s2+$0x0] =	vst.idx.add.f32.msk $0xffff, v27;
	v62 =	vmul.f32 v56, v16  }
0xeb: {  	[tilespmem:v14+s2+$0x0] =	vst.idx.add.f32.msk $0xffff, v13;
	v59 =	vmul.f32 v29, v17  }
0xec: {  	[tilespmem:v21+s2+$0x0] =	vst.idx.add.f32.msk $0xffff, v62;
	v61 =	vmul.f32 v25, v15  }
0xed: {  	[tilespmem:v57+s2+$0x0] =	vst.idx.add.f32.msk $0xffff, v59;
	v63 =	vmul.f32 v26, v18  }
0xee: {  	[tilespmem:v58+s2+$0x0] =	vst.idx.add.f32.msk $0xffff, v61  }
0xef: {  	[tilespmem:v60+s2+$0x0] =	vst.idx.add.f32.msk $0xffff, v63  }
.LBB2_23:
0xf0: {  	s31 =	sadd.s32 $0x1, s31  }
0xf1: {  	p1 =	sne.s32 s31, s29  }
.Ltmp6:
0xf2: {  	_ = 	snop;
	(pc) =	sbr.rel @!p1 .LBB2_24-.Ltmp6, $2  }
0xf3: {  	_ =	sdelay $0x2  }
0xf4: {  	s30 =	sadd.s32 $0x10, s30  }
.LBB2_8:
0xf5: {  	s3 =	sand.u32 $0x3, s31  }
0xf6: {  	p1 =	sgt.s32 s3, $0x1  }
.Ltmp7:
0xf7: {  	_ = 	snop;
	(pc) =	sbr.rel @p1 .LBB2_19-.Ltmp7, $2  }
0xf8: {  	_ =	sdelay $0x2  }
0xf9: {  	s0 =	sadd.s32 $0x3, s31  }
0xfa: {  	p1 =	seq.s32 s3, $0x0  }
.Ltmp8:
0xfb: {  	_ = 	snop;
	(pc) =	sbr.rel @!p1 .LBB2_13-.Ltmp8, $1  }
0xfc: {  	_ =	sdelay $0x3  }
0xfd: {  	s3 =	sadd.s32 $0xFFFFFFFC, s30  }
0xfe: {  	s11 =	sadd.s32 $0x6, s3  }
0xff: {  	p1 =	sge.s32 s0, s29;
	v12 =	vmov s11  }
0x100: {  	s0 =	sshll.u32 @!p1 s0, $0x6;
	v12 =	vand.u32 $0xFFFFFFFE, v12  }
0x101: {  	s0 =	sshra.s32 @!p1 s0, $0x2;
	v12 =	vbroadcast v12, $0x0  }
0x102: {  	s7 =	simm.s32 @!p1 $0x1A080;
	s11 =	simm.s32 @!p1 $0x10;
	s0 =	sadd.s32 @!p1 $0x16180, s0  }
0x103: {  	[tilespmem:s7], [sflag:$0x5] =	stream.indirect.gather @!p1 [hbm4b:s4+s11], $0x80, s0, s11, $0xb8;
	[tilespmem:$0x1A900] =	vst v63  }
0x104: {  	_ =	swait.ge [sflag:s22], $0x800  }
0x105: {  	[sflag:s22] =	ssyncset.done $0x0  }
0x106: {  	s9 =	sadd.s32 $0x7, s3;
	[sflag:s22] =	ssyncadd.s32 $0xFFFFF800  }
0x107: {  	v13 =	vmov s9;
	v14 =	vld.idx.msk [tilespmem:v12+s17+$0x0], $0xffff  }
0x108: {  	s10 =	sadd.s32 $0x4, s3  }
0x109: {  	v15 =	vmov s10;
	s0 =	simm.s32 $0x18980  }
0x10a: {  	v15 =	vand.u32 $0xFFFFFFFC, v15;
	v16 =	vld [tilespmem:s0+$0x0]  }
0x10b: {  	v15 =	vbroadcast v15, $0x0;
	v23 =	vld.idx.msk [tilespmem:v12+s19+$0x0], $0xffff  }
0x10c: {  	v17 =	vld.idx.msk [tilespmem:v13+s17+$0x0], $0xffff;
	v12 =	vshll.u32 v14, $0x7  }
0x10d: {  	v14 =	vor.u32 v2, v12;
	_ =	sdelay $0x1  }
0x10e: {  	v18 =	vld [tilespmem:s0+$0x80]  }
0x10f: {  	s3 =	sadd.s32 $0x5, s3;
	v22 =	vld.idx.msk [tilespmem:v13+s19+$0x0], $0xffff;
	v13 =	vmul.f32 v16, v23  }
0x110: {  	v20 =	vshll.u32 v17, $0x7;
	v17 =	vld.idx.msk [tilespmem:v15+s17+$0x0], $0xffff;
	v16 =	vmov s3  }
0x111: {  	v19 =	vor.u32 v2, v20;
	v16 =	vand.u32 $0xFFFFFFFD, v16;
	[tilespmem:v14+s2+$0x0] =	vst.idx.add.f32.msk $0xffff, v13  }
0x112: {  	v13 =	vbroadcast v16, $0x0;
	v14 =	vld [tilespmem:s0+$0x10];
	_ =	sdelay $0x1  }
0x113: {  	v24 =	vld.idx.msk [tilespmem:v15+s19+$0x0], $0xffff;
	v15 =	vmul.f32 v18, v22;
	v16 =	vor.u32 v5, v12  }
0x114: {  	v18 =	vld [tilespmem:s0+$0xFFFFFF00]  }
0x115: {  	[tilespmem:v19+s2+$0x0] =	vst.idx.add.f32.msk $0xffff, v15  }
0x116: {  	v25 =	vshll.u32 v17, $0x7;
	v15 =	vld [tilespmem:s0+$0x90];
	v14 =	vmul.f32 v14, v23  }
0x117: {  	v17 =	vor.u32 v2, v25;
	v19 =	vld.idx.msk [tilespmem:v13+s17+$0x0], $0xffff  }
0x118: {  	[tilespmem:v16+s2+$0x0] =	vst.idx.add.f32.msk $0xffff, v14  }
0x119: {  	v16 =	vor.u32 v5, v20;
	v21 =	vld [tilespmem:s0+$0x20]  }
0x11a: {  	v13 =	vld.idx.msk [tilespmem:v13+s19+$0x0], $0xffff;
	v14 =	vmul.f32 v18, v24  }
0x11b: {  	v26 =	vor.u32 v6, v12;
	v18 =	vld [tilespmem:s0+$0xFFFFFF80]  }
0x11c: {  	v15 =	vmul.f32 v15, v22;
	[tilespmem:v17+s2+$0x0] =	vst.idx.add.f32.msk $0xffff, v14;
	v14 =	vshll.u32 v19, $0x7  }
0x11d: {  	v17 =	vld [tilespmem:s0+$0xFFFFFF10];
	v19 =	vor.u32 v2, v14  }
0x11e: {  	[tilespmem:v16+s2+$0x0] =	vst.idx.add.f32.msk $0xffff, v15;
	v15 =	vmul.f32 v21, v23  }
0x11f: {  	v16 =	vld [tilespmem:s0+$0xA0];
	v21 =	vor.u32 v5, v25  }
0x120: {  	v18 =	vmul.f32 v18, v13;
	[tilespmem:v26+s2+$0x0] =	vst.idx.add.f32.msk $0xffff, v15  }
0x121: {  	v26 =	vor.u32 v6, v20;
	v15 =	vld [tilespmem:s0+$0x30]  }
0x122: {  	v17 =	vmul.f32 v17, v24;
	[tilespmem:v19+s2+$0x0] =	vst.idx.add.f32.msk $0xffff, v18  }
0x123: {  	v19 =	vor.u32 v7, v12;
	v18 =	vld [tilespmem:s0+$0xFFFFFF90]  }
0x124: {  	v16 =	vmul.f32 v16, v22;
	[tilespmem:v21+s2+$0x0] =	vst.idx.add.f32.msk $0xffff, v17  }
0x125: {  	v21 =	vor.u32 v5, v14;
	v17 =	vld [tilespmem:s0+$0xFFFFFF20]  }
0x126: {  	[tilespmem:v26+s2+$0x0] =	vst.idx.add.f32.msk $0xffff, v16;
	v15 =	vmul.f32 v15, v23  }
0x127: {  	v16 =	vor.u32 v6, v25;
	v26 =	vld [tilespmem:s0+$0xB0]  }
0x128: {  	v18 =	vmul.f32 v18, v13;
	[tilespmem:v19+s2+$0x0] =	vst.idx.add.f32.msk $0xffff, v15  }
0x129: {  	v19 =	vor.u32 v7, v20;
	v15 =	vld [tilespmem:s0+$0x40]  }
0x12a: {  	v17 =	vmul.f32 v17, v24;
	[tilespmem:v21+s2+$0x0] =	vst.idx.add.f32.msk $0xffff, v18  }
0x12b: {  	v21 =	vor.u32 v8, v12;
	v18 =	vld [tilespmem:s0+$0xFFFFFFA0]  }
0x12c: {  	[tilespmem:v16+s2+$0x0] =	vst.idx.add.f32.msk $0xffff, v17;
	v16 =	vmul.f32 v26, v22  }
0x12d: {  	v26 =	vor.u32 v6, v14;
	v17 =	vld [tilespmem:s0+$0xFFFFFF30]  }
0x12e: {  	[tilespmem:v19+s2+$0x0] =	vst.idx.add.f32.msk $0xffff, v16;
	v15 =	vmul.f32 v15, v23  }
0x12f: {  	v16 =	vor.u32 v7, v25;
	v19 =	vld [tilespmem:s0+$0xC0]  }
0x130: {  	v18 =	vmul.f32 v18, v13;
	[tilespmem:v21+s2+$0x0] =	vst.idx.add.f32.msk $0xffff, v15  }
0x131: {  	v15 =	vld [tilespmem:s0+$0x50]  }
0x132: {  	v21 =	vor.u32 v8, v20;
	v17 =	vmul.f32 v17, v24;
	[tilespmem:v26+s2+$0x0] =	vst.idx.add.f32.msk $0xffff, v18  }
0x133: {  	v18 =	vld [tilespmem:s0+$0xFFFFFFB0]  }
0x134: {  	[tilespmem:v16+s2+$0x0] =	vst.idx.add.f32.msk $0xffff, v17;
	v16 =	vor.u32 v9, v12  }
0x135: {  	v17 =	vmul.f32 v19, v22;
	v19 =	vld [tilespmem:s0+$0xFFFFFF40]  }
0x136: {  	v26 =	vor.u32 v7, v14  }
0x137: {  	[tilespmem:v21+s2+$0x0] =	vst.idx.add.f32.msk $0xffff, v17;
	v15 =	vmul.f32 v15, v23  }
0x138: {  	v17 =	vor.u32 v8, v25;
	v21 =	vld [tilespmem:s0+$0xD0]  }
0x139: {  	v18 =	vmul.f32 v18, v13;
	[tilespmem:v16+s2+$0x0] =	vst.idx.add.f32.msk $0xffff, v15  }
0x13a: {  	v15 =	vor.u32 v9, v20;
	v16 =	vmul.f32 v19, v24;
	v19 =	vld [tilespmem:s0+$0x60]  }
0x13b: {  	s11 =	sadd.s32 $0x0, s30;
	[tilespmem:v26+s2+$0x0] =	vst.idx.add.f32.msk $0xffff, v18  }
0x13c: {  	s8 =	sadd.s32 $0x4, s11;
	v28 =	vld [tilespmem:s0+$0xFFFFFFC0]  }
0x13d: {  	[tilespmem:v17+s2+$0x0] =	vst.idx.add.f32.msk $0xffff, v16;
	v16 =	vmul.f32 v21, v22;
	v17 =	vmov s8  }
0x13e: {  	s9 =	sadd.s32 $0x6, s11;
	s10 =	sadd.s32 $0x7, s11;
	v33 =	vor.u32 v8, v14;
	v18 =	vor.u32 v10, v12;
	v26 =	vld [tilespmem:s0+$0xFFFFFF50];
	v17 =	vand.u32 $0xFFFFFFFC, v17  }
0x13f: {  	s3 =	sadd.s32 $0x5, s11;
	[tilespmem:v15+s2+$0x0] =	vst.idx.add.f32.msk $0xffff, v16;
	v15 =	vmov s9;
	v27 =	vbroadcast v17, $0x0;
	v16 =	vmov s10  }
0x140: {  	v17 =	vmul.f32 v19, v23;
	v19 =	vmov s3;
	v21 =	vld [tilespmem:s0+$0xE0];
	v15 =	vand.u32 $0xFFFFFFFE, v15;
	s3 =	simm.s32 $0x18B80  }
0x141: {  	v29 =	vbroadcast v15, $0x0;
	v31 =	vld [tilespmem:s3+$0x80]  }
0x142: {  	v28 =	vmul.f32 v28, v13;
	v36 =	vld [tilespmem:s3+$0x0]  }
0x143: {  	[tilespmem:v18+s2+$0x0] =	vst.idx.add.f32.msk $0xffff, v17  }
0x144: {  	v34 =	vor.u32 v10, v20;
	v19 =	vand.u32 $0xFFFFFFFD, v19;
	[tilespmem:v33+s2+$0x0] =	vst.idx.add.f32.msk $0xffff, v28  }
0x145: {  	v30 =	vbroadcast v19, $0x0;
	v19 =	vld.idx.msk [tilespmem:v16+s17+$0x0], $0xffff  }
0x146: {  	v17 =	vld.idx.msk [tilespmem:v16+s19+$0x0], $0xffff  }
0x147: {  	v38 =	vmul.f32 v21, v22;
	v32 =	vld.idx.msk [tilespmem:v29+s17+$0x0], $0xffff  }
0x148: {  	v47 =	vor.u32 v9, v25;
	v15 =	vld.idx.msk [tilespmem:v27+s19+$0x0], $0xffff  }
0x149: {  	[tilespmem:v34+s2+$0x0] =	vst.idx.add.f32.msk $0xffff, v38  }
0x14a: {  	v48 =	vld [tilespmem:s0+$0xF0]  }
0x14b: {  	v26 =	vmul.f32 v26, v24;
	v16 =	vld.idx.msk [tilespmem:v29+s19+$0x0], $0xffff  }
0x14c: {  	v50 =	vor.u32 v11, v20;
	v27 =	vld.idx.msk [tilespmem:v27+s17+$0x0], $0xffff;
	v21 =	vshll.u32 v32, $0x7  }
0x14d: {  	[tilespmem:v47+s2+$0x0] =	vst.idx.add.f32.msk $0xffff, v26;
	v28 =	vor.u32 v2, v21  }
0x14e: {  	v29 =	vld [tilespmem:s3+$0xFFFFFF00]  }
0x14f: {  	v18 =	vld.idx.msk [tilespmem:v30+s19+$0x0], $0xffff;
	v19 =	vshll.u32 v19, $0x7;
	v22 =	vmul.f32 v48, v22  }
0x150: {  	v37 =	vor.u32 v2, v19;
	v49 =	vmul.f32 v36, v16;
	v32 =	vld [tilespmem:s0+$0xFFFFFF60]  }
0x151: {  	v20 =	vshll.u32 v27, $0x7;
	[tilespmem:v50+s2+$0x0] =	vst.idx.add.f32.msk $0xffff, v22  }
0x152: {  	v51 =	vor.u32 v2, v20;
	[tilespmem:v28+s2+$0x0] =	vst.idx.add.f32.msk $0xffff, v49  }
0x153: {  	v31 =	vmul.f32 v31, v17;
	v27 =	vld [tilespmem:s3+$0x10]  }
0x154: {  	v22 =	vmul.f32 v29, v15;
	v29 =	vld.idx.msk [tilespmem:v30+s17+$0x0], $0xffff;
	v30 =	vor.u32 v10, v25  }
0x155: {  	v26 =	vor.u32 v5, v21;
	[tilespmem:v37+s2+$0x0] =	vst.idx.add.f32.msk $0xffff, v31  }
0x156: {  	v31 =	vld [tilespmem:s3+$0x90]  }
0x157: {  	[tilespmem:v51+s2+$0x0] =	vst.idx.add.f32.msk $0xffff, v22;
	v22 =	vmul.f32 v32, v24  }
0x158: {  	v35 =	vld [tilespmem:s3+$0xFFFFFF80];
	v27 =	vmul.f32 v27, v16  }
0x159: {  	v28 =	vor.u32 v5, v19;
	[tilespmem:v30+s2+$0x0] =	vst.idx.add.f32.msk $0xffff, v22;
	v22 =	vshll.u32 v29, $0x7  }
0x15a: {  	v30 =	vor.u32 v2, v22;
	[tilespmem:v26+s2+$0x0] =	vst.idx.add.f32.msk $0xffff, v27  }
0x15b: {  	v26 =	vld [tilespmem:s3+$0x20]  }
0x15c: {  	v54 =	vld [tilespmem:s0+$0x70];
	v31 =	vmul.f32 v31, v17  }
0x15d: {  	v35 =	vmul.f32 v35, v18;
	v29 =	vld [tilespmem:s3+$0xFFFFFF10];
	v27 =	vor.u32 v6, v21  }
0x15e: {  	[tilespmem:v28+s2+$0x0] =	vst.idx.add.f32.msk $0xffff, v31  }
0x15f: {  	[tilespmem:v30+s2+$0x0] =	vst.idx.add.f32.msk $0xffff, v35  }
0x160: {  	v53 =	vor.u32 v5, v20;
	v30 =	vld [tilespmem:s3+$0xFFFFFF90];
	v26 =	vmul.f32 v26, v16  }
0x161: {  	v31 =	vld [tilespmem:s3+$0xA0]  }
0x162: {  	v56 =	vor.u32 v5, v22;
	[tilespmem:v27+s2+$0x0] =	vst.idx.add.f32.msk $0xffff, v26  }
0x163: {  	v29 =	vmul.f32 v29, v15;
	v27 =	vor.u32 v6, v19;
	v26 =	vld [tilespmem:s3+$0x30]  }
0x164: {  	v52 =	vld [tilespmem:s0+$0xFFFFFF70]  }
0x165: {  	v55 =	vor.u32 v7, v21;
	[tilespmem:v53+s2+$0x0] =	vst.idx.add.f32.msk $0xffff, v29;
	v30 =	vmul.f32 v30, v18  }
0x166: {  	v29 =	vld [tilespmem:s3+$0xFFFFFF20];
	v31 =	vmul.f32 v31, v17  }
0x167: {  	[tilespmem:v56+s2+$0x0] =	vst.idx.add.f32.msk $0xffff, v30  }
0x168: {  	[tilespmem:v27+s2+$0x0] =	vst.idx.add.f32.msk $0xffff, v31;
	v26 =	vmul.f32 v26, v16  }
0x169: {  	v27 =	vor.u32 v6, v20;
	v31 =	vld [tilespmem:s3+$0xB0]  }
0x16a: {  	[tilespmem:v55+s2+$0x0] =	vst.idx.add.f32.msk $0xffff, v26  }
0x16b: {  	v57 =	vor.u32 v7, v19;
	v26 =	vld [tilespmem:s3+$0x40]  }
0x16c: {  	v29 =	vmul.f32 v29, v15;
	v30 =	vld [tilespmem:s3+$0xFFFFFFA0]  }
0x16d: {  	v58 =	vor.u32 v8, v21;
	v28 =	vld [tilespmem:s0+$0xFFFFFFD0]  }
0x16e: {  	[tilespmem:v27+s2+$0x0] =	vst.idx.add.f32.msk $0xffff, v29;
	v27 =	vmul.f32 v31, v17;
	v31 =	vor.u32 v6, v22  }
0x16f: {  	v29 =	vld [tilespmem:s3+$0xFFFFFF30]  }
0x170: {  	[tilespmem:v57+s2+$0x0] =	vst.idx.add.f32.msk $0xffff, v27;
	v26 =	vmul.f32 v26, v16  }
0x171: {  	v30 =	vmul.f32 v30, v18;
	v27 =	vor.u32 v7, v20;
	v35 =	vld [tilespmem:s3+$0xC0]  }
0x172: {  	[tilespmem:v58+s2+$0x0] =	vst.idx.add.f32.msk $0xffff, v26  }
0x173: {  	[tilespmem:v31+s2+$0x0] =	vst.idx.add.f32.msk $0xffff, v30;
	v30 =	vor.u32 v9, v14  }
0x174: {  	v29 =	vmul.f32 v29, v15;
	v26 =	vld [tilespmem:s3+$0x50]  }
0x175: {  	v59 =	vor.u32 v8, v19;
	v31 =	vld [tilespmem:s3+$0xFFFFFFB0]  }
0x176: {  	v28 =	vmul.f32 v28, v13;
	[tilespmem:v27+s2+$0x0] =	vst.idx.add.f32.msk $0xffff, v29  }
0x177: {  	v27 =	vor.u32 v9, v21;
	v60 =	vld [tilespmem:s3+$0xFFFFFF40]  }
0x178: {  	v61 =	vor.u32 v7, v22;
	v29 =	vmul.f32 v35, v17;
	[tilespmem:v30+s2+$0x0] =	vst.idx.add.f32.msk $0xffff, v28  }
0x179: {  	v30 =	vld [tilespmem:s0+$0xFFFFFFE0]  }
0x17a: {  	[tilespmem:v59+s2+$0x0] =	vst.idx.add.f32.msk $0xffff, v29;
	v28 =	vor.u32 v8, v20;
	v26 =	vmul.f32 v26, v16  }
0x17b: {  	v29 =	vmul.f32 v31, v18;
	v31 =	vld [tilespmem:s3+$0xD0]  }
0x17c: {  	v62 =	vor.u32 v10, v14;
	[tilespmem:v27+s2+$0x0] =	vst.idx.add.f32.msk $0xffff, v26  }
0x17d: {  	v27 =	vmul.f32 v60, v15;
	[tilespmem:v61+s2+$0x0] =	vst.idx.add.f32.msk $0xffff, v29  }
0x17e: {  	v29 =	vld [tilespmem:s3+$0x60];
	v63 =	vmul.f32 v30, v13;
	v30 =	vor.u32 v9, v19  }
0x17f: {  	[tilespmem:v28+s2+$0x0] =	vst.idx.add.f32.msk $0xffff, v27  }
0x180: {  	v24 =	vmul.f32 v52, v24;
	v26 =	vor.u32 v10, v21;
	v27 =	vmul.f32 v54, v23;
	v28 =	vld [tilespmem:s3+$0xFFFFFF50]  }
0x181: {  	s11 =	simm.s32 $0x4;
	v23 =	vor.u32 v11, v25;
	v31 =	vmul.f32 v31, v17;
	[tilespmem:v62+s2+$0x0] =	vst.idx.add.f32.msk $0xffff, v63  }
.LBB2_11:
0x182: {  	s7 =	sadd.s32 s11, s30;
	s11 =	sadd.s32 $0x4, s11;
	v25 =	vld [tilespmem:s0+$0xFFFFFFF0];
	v32 =	vor.u32 v11, v12;
	v12 =	vmov v21;
	s0 =	smov.u32 s3  }
0x183: {  	s8 =	sadd.s32 $0x4, s7;
	s9 =	sadd.s32 $0x5, s7;
	s10 =	sadd.s32 $0x6, s7;
	v21 =	vmul.f32 v29, v16;
	[tilespmem:v30+s2+$0x0] =	vst.idx.add.f32.msk $0xffff, v31;
	v29 =	vor.u32 v11, v14;
	v14 =	vmov v22  }
0x184: {  	s7 =	sadd.s32 $0x7, s7;
	p1 =	slt.u32 s11, $0xC;
	v22 =	vmov s8;
	v30 =	vmov s9;
	v31 =	vmov s10;
	v33 =	vld [tilespmem:s3+$0xE0]  }
0x185: {  	v22 =	vand.u32 $0xFFFFFFFC, v22;
	v30 =	vand.u32 $0xFFFFFFFD, v30;
	v31 =	vand.u32 $0xFFFFFFFE, v31;
	v34 =	vld [tilespmem:s3+$0xFFFFFFC0]  }
0x186: {  	v35 =	vmov s7;
	v22 =	vbroadcast v22, $0x0;
	[tilespmem:v23+s2+$0x0] =	vst.idx.add.f32.msk $0xffff, v24  }
0x187: {  	v24 =	vbroadcast v30, $0x0;
	[tilespmem:v26+s2+$0x0] =	vst.idx.add.f32.msk $0xffff, v21;
	v21 =	vmul.f32 v25, v13;
	v13 =	vmov v18  }
0x188: {  	v28 =	vmul.f32 v28, v15;
	v23 =	vbroadcast v31, $0x0;
	[tilespmem:v32+s2+$0x0] =	vst.idx.add.f32.msk $0xffff, v27  }
0x189: {  	s3 =	sadd.s32 $0x200, s3;
	v25 =	vmul.f32 v33, v17;
	[tilespmem:v29+s2+$0x0] =	vst.idx.add.f32.msk $0xffff, v21  }
0x18a: {  	v21 =	vld [tilespmem:s3+$0x80];
	v26 =	vmul.f32 v34, v13  }
0x18b: {  	v27 =	vld.idx.msk [tilespmem:v35+s17+$0x0], $0xffff  }
0x18c: {  	v29 =	vld.idx.msk [tilespmem:v22+s19+$0x0], $0xffff  }
0x18d: {  	v30 =	vld.idx.msk [tilespmem:v35+s19+$0x0], $0xffff  }
0x18e: {  	v31 =	vld.idx.msk [tilespmem:v23+s17+$0x0], $0xffff  }
0x18f: {  	v32 =	vor.u32 v8, v14;
	v18 =	vld.idx.msk [tilespmem:v24+s19+$0x0], $0xffff  }
0x190: {  	v23 =	vld.idx.msk [tilespmem:v23+s19+$0x0], $0xffff  }
0x191: {  	v34 =	vor.u32 v10, v19;
	v27 =	vshll.u32 v27, $0x7;
	v33 =	vld [tilespmem:s3+$0xFFFFFF00]  }
0x192: {  	v35 =	vld [tilespmem:s3+$0xFFFFFF80]  }
0x193: {  	v38 =	vor.u32 v2, v27;
	v37 =	vmul.f32 v21, v30;
	v36 =	vld [tilespmem:s3+$0x0]  }
0x194: {  	v21 =	vshll.u32 v31, $0x7;
	[tilespmem:v32+s2+$0x0] =	vst.idx.add.f32.msk $0xffff, v26  }
0x195: {  	v31 =	vor.u32 v2, v21;
	v26 =	vor.u32 v10, v21;
	v22 =	vld.idx.msk [tilespmem:v22+s17+$0x0], $0xffff  }
0x196: {  	v32 =	vmul.f32 v33, v29;
	[tilespmem:v34+s2+$0x0] =	vst.idx.add.f32.msk $0xffff, v25  }
0x197: {  	v34 =	vor.u32 v9, v20;
	v33 =	vmul.f32 v35, v18;
	v35 =	vld [tilespmem:s0+$0xF0]  }
0x198: {  	v25 =	vmul.f32 v36, v23;
	[tilespmem:v38+s2+$0x0] =	vst.idx.add.f32.msk $0xffff, v37  }
0x199: {  	v37 =	vor.u32 v11, v19;
	v19 =	vmov v27;
	v36 =	vld [tilespmem:s3+$0x90]  }
0x19a: {  	[tilespmem:v31+s2+$0x0] =	vst.idx.add.f32.msk $0xffff, v25  }
0x19b: {  	v27 =	vor.u32 v5, v19;
	v25 =	vshll.u32 v22, $0x7;
	v22 =	vld [tilespmem:s3+$0x10]  }
0x19c: {  	v31 =	vor.u32 v2, v25;
	[tilespmem:v34+s2+$0x0] =	vst.idx.add.f32.msk $0xffff, v28;
	v28 =	vmul.f32 v35, v17;
	v17 =	vmov v30  }
0x19d: {  	v30 =	vor.u32 v5, v21;
	v34 =	vld [tilespmem:s0+$0xFFFFFF60]  }
0x19e: {  	v35 =	vmul.f32 v36, v17;
	[tilespmem:v37+s2+$0x0] =	vst.idx.add.f32.msk $0xffff, v28  }
0x19f: {  	v28 =	vor.u32 v10, v20;
	v24 =	vld.idx.msk [tilespmem:v24+s17+$0x0], $0xffff  }
0x1a0: {  	v22 =	vmul.f32 v22, v23;
	[tilespmem:v27+s2+$0x0] =	vst.idx.add.f32.msk $0xffff, v35  }
0x1a1: {  	[tilespmem:v31+s2+$0x0] =	vst.idx.add.f32.msk $0xffff, v32  }
0x1a2: {  	[tilespmem:v30+s2+$0x0] =	vst.idx.add.f32.msk $0xffff, v22;
	v22 =	vmul.f32 v34, v15  }
0x1a3: {  	v27 =	vld [tilespmem:s3+$0x20]  }
0x1a4: {  	[tilespmem:v28+s2+$0x0] =	vst.idx.add.f32.msk $0xffff, v22  }
0x1a5: {  	v22 =	vshll.u32 v24, $0x7;
	v24 =	vor.u32 v6, v21;
	v28 =	vld [tilespmem:s0+$0xFFFFFFD0]  }
0x1a6: {  	v31 =	vor.u32 v2, v22;
	v30 =	vld [tilespmem:s3+$0xFFFFFF10]  }
0x1a7: {  	v32 =	vld [tilespmem:s3+$0xA0]  }
0x1a8: {  	v27 =	vmul.f32 v27, v23;
	v34 =	vld [tilespmem:s0+$0xFFFFFF70]  }
0x1a9: {  	v35 =	vor.u32 v5, v25;
	v36 =	vld [tilespmem:s0+$0x70]  }
0x1aa: {  	[tilespmem:v24+s2+$0x0] =	vst.idx.add.f32.msk $0xffff, v27;
	v27 =	vmul.f32 v28, v13  }
0x1ab: {  	v37 =	vor.u32 v6, v19;
	v28 =	vmul.f32 v30, v29;
	v30 =	vld [tilespmem:s3+$0x30]  }
0x1ac: {  	[tilespmem:v31+s2+$0x0] =	vst.idx.add.f32.msk $0xffff, v33;
	v31 =	vmul.f32 v32, v17  }
0x1ad: {  	v33 =	vor.u32 v7, v21;
	v32 =	vld [tilespmem:s3+$0xFFFFFF90];
	v24 =	vmul.f32 v34, v15;
	v15 =	vmov v29  }
0x1ae: {  	[tilespmem:v35+s2+$0x0] =	vst.idx.add.f32.msk $0xffff, v28  }
0x1af: {  	v29 =	vor.u32 v5, v22;
	v28 =	vld [tilespmem:s3+$0xFFFFFF20]  }
0x1b0: {  	v30 =	vmul.f32 v30, v23;
	[tilespmem:v37+s2+$0x0] =	vst.idx.add.f32.msk $0xffff, v31  }
0x1b1: {  	v31 =	vor.u32 v6, v25;
	v34 =	vld [tilespmem:s3+$0xB0]  }
0x1b2: {  	v32 =	vmul.f32 v32, v18;
	[tilespmem:v33+s2+$0x0] =	vst.idx.add.f32.msk $0xffff, v30  }
0x1b3: {  	v33 =	vor.u32 v7, v19;
	v30 =	vld [tilespmem:s3+$0x40]  }
0x1b4: {  	v28 =	vmul.f32 v28, v15;
	[tilespmem:v29+s2+$0x0] =	vst.idx.add.f32.msk $0xffff, v32  }
0x1b5: {  	v32 =	vor.u32 v8, v21;
	v29 =	vld [tilespmem:s3+$0xFFFFFFA0]  }
0x1b6: {  	[tilespmem:v31+s2+$0x0] =	vst.idx.add.f32.msk $0xffff, v28;
	v28 =	vmul.f32 v34, v17  }
0x1b7: {  	v34 =	vor.u32 v6, v22;
	v31 =	vld [tilespmem:s3+$0xFFFFFF30]  }
0x1b8: {  	v30 =	vmul.f32 v30, v23;
	[tilespmem:v33+s2+$0x0] =	vst.idx.add.f32.msk $0xffff, v28  }
0x1b9: {  	v28 =	vor.u32 v7, v25;
	v33 =	vld [tilespmem:s3+$0xC0]  }
0x1ba: {  	v29 =	vmul.f32 v29, v18;
	[tilespmem:v32+s2+$0x0] =	vst.idx.add.f32.msk $0xffff, v30  }
0x1bb: {  	v32 =	vor.u32 v8, v19;
	v30 =	vld [tilespmem:s3+$0x50]  }
0x1bc: {  	v31 =	vmul.f32 v31, v15;
	[tilespmem:v34+s2+$0x0] =	vst.idx.add.f32.msk $0xffff, v29;
	v29 =	vor.u32 v9, v14  }
0x1bd: {  	v34 =	vld [tilespmem:s3+$0xFFFFFFB0]  }
0x1be: {  	[tilespmem:v28+s2+$0x0] =	vst.idx.add.f32.msk $0xffff, v31;
	v28 =	vor.u32 v9, v21;
	v31 =	vmul.f32 v33, v17  }
0x1bf: {  	v33 =	vld [tilespmem:s3+$0xFFFFFF40]  }
0x1c0: {  	v35 =	vor.u32 v7, v22;
	v30 =	vmul.f32 v30, v23;
	[tilespmem:v32+s2+$0x0] =	vst.idx.add.f32.msk $0xffff, v31  }
0x1c1: {  	[tilespmem:v29+s2+$0x0] =	vst.idx.add.f32.msk $0xffff, v27  }
0x1c2: {  	v27 =	vor.u32 v8, v25;
	v29 =	vmul.f32 v34, v18;
	v31 =	vld [tilespmem:s0+$0xFFFFFFE0]  }
0x1c3: {  	[tilespmem:v28+s2+$0x0] =	vst.idx.add.f32.msk $0xffff, v30  }
0x1c4: {  	v28 =	vmul.f32 v33, v15;
	v32 =	vld [tilespmem:s3+$0xD0];
	v33 =	vor.u32 v10, v14  }
.Ltmp9:
0x1c5: {  	[tilespmem:v35+s2+$0x0] =	vst.idx.add.f32.msk $0xffff, v29;
	(pc) =	sbr.rel @p1 .LBB2_11-.Ltmp9, $4  }
0x1c6: {  	v30 =	vor.u32 v9, v19;
	v29 =	vld [tilespmem:s3+$0x60]  }
0x1c7: {  	[tilespmem:v27+s2+$0x0] =	vst.idx.add.f32.msk $0xffff, v28;
	v34 =	vmul.f32 v31, v13  }
0x1c8: {  	v27 =	vmul.f32 v36, v16;
	v16 =	vmov v23;
	v28 =	vld [tilespmem:s3+$0xFFFFFF50]  }
0x1c9: {  	v23 =	vor.u32 v11, v20;
	v20 =	vmov v25;
	v31 =	vmul.f32 v32, v17;
	[tilespmem:v33+s2+$0x0] =	vst.idx.add.f32.msk $0xffff, v34  }
0x1ca: {  	v25 =	vld [tilespmem:s3+$0xFFFFFFC0];
	_ =	sdelay $0x1  }
0x1cb: {  	v32 =	vor.u32 v8, v22;
	_ =	sdelay $0x2  }
0x1cc: {  	v25 =	vmul.f32 v25, v18;
	_ =	sdelay $0x1  }
0x1cd: {  	[tilespmem:v32+s2+$0x0] =	vst.idx.add.f32.msk $0xffff, v25  }
0x1ce: {  	v47 =	vor.u32 v9, v20;
	v32 =	vld [tilespmem:s3+$0xFFFFFFD0];
	_ =	sdelay $0x1  }
0x1cf: {  	v48 =	vor.u32 v9, v22;
	v52 =	vld [tilespmem:s0+$0xFFFFFFF0]  }
0x1d0: {  	[tilespmem:v30+s2+$0x0] =	vst.idx.add.f32.msk $0xffff, v31;
	v28 =	vmul.f32 v28, v15  }
0x1d1: {  	v31 =	vld [tilespmem:s3+$0xE0]  }
0x1d2: {  	[tilespmem:v47+s2+$0x0] =	vst.idx.add.f32.msk $0xffff, v28;
	v32 =	vmul.f32 v32, v18  }
0x1d3: {  	v49 =	vor.u32 v10, v19;
	v28 =	vld [tilespmem:s3+$0xFFFFFF60]  }
0x1d4: {  	v29 =	vmul.f32 v29, v16;
	[tilespmem:v48+s2+$0x0] =	vst.idx.add.f32.msk $0xffff, v32  }
0x1d5: {  	v50 =	vor.u32 v10, v20;
	v30 =	vld [tilespmem:s3+$0xFFFFFFE0]  }
0x1d6: {  	[tilespmem:v26+s2+$0x0] =	vst.idx.add.f32.msk $0xffff, v29;
	v51 =	vmul.f32 v31, v17  }
0x1d7: {  	v54 =	vor.u32 v10, v22;
	v56 =	vld [tilespmem:s3+$0x70]  }
0x1d8: {  	[tilespmem:v49+s2+$0x0] =	vst.idx.add.f32.msk $0xffff, v51;
	v53 =	vmul.f32 v28, v15  }
0x1d9: {  	v29 =	vld [tilespmem:s3+$0xF0]  }
0x1da: {  	v12 =	vor.u32 v11, v12;
	[tilespmem:v50+s2+$0x0] =	vst.idx.add.f32.msk $0xffff, v53;
	v55 =	vmul.f32 v30, v18  }
0x1db: {  	v14 =	vor.u32 v11, v14;
	v25 =	vld [tilespmem:s3+$0xFFFFFF70]  }
0x1dc: {  	v21 =	vor.u32 v11, v21;
	[tilespmem:v54+s2+$0x0] =	vst.idx.add.f32.msk $0xffff, v55  }
0x1dd: {  	v57 =	vor.u32 v11, v19;
	v26 =	vld [tilespmem:s3+$0xFFFFFFF0]  }
0x1de: {  	v58 =	vor.u32 v11, v20;
	[tilespmem:v23+s2+$0x0] =	vst.idx.add.f32.msk $0xffff, v24;
	v13 =	vmul.f32 v52, v13  }
0x1df: {  	v60 =	vor.u32 v11, v22;
	[tilespmem:v12+s2+$0x0] =	vst.idx.add.f32.msk $0xffff, v27;
	v62 =	vmul.f32 v56, v16  }
.Ltmp10:
0x1e0: {  	[tilespmem:v14+s2+$0x0] =	vst.idx.add.f32.msk $0xffff, v13;
	v59 =	vmul.f32 v29, v17;
	(pc) =	sbr.rel .LBB2_23-.Ltmp10, $4  }
0x1e1: {  	[tilespmem:v21+s2+$0x0] =	vst.idx.add.f32.msk $0xffff, v62;
	v61 =	vmul.f32 v25, v15  }
0x1e2: {  	[tilespmem:v57+s2+$0x0] =	vst.idx.add.f32.msk $0xffff, v59;
	v63 =	vmul.f32 v26, v18  }
0x1e3: {  	[tilespmem:v58+s2+$0x0] =	vst.idx.add.f32.msk $0xffff, v61  }
0x1e4: {  	[tilespmem:v60+s2+$0x0] =	vst.idx.add.f32.msk $0xffff, v63  }
.LBB2_19:
0x1e5: {  	p2 =	seq.s32 s3, $0x2  }
.Ltmp11:
0x1e6: {  	_ = 	snop;
	(pc) =	sbr.rel @!p2 .LBB2_20-.Ltmp11, $4  }
0x1e7: {  	s3 =	sadd.s32 $0xFFFFFFFC, s30  }
0x1e8: {  	s7 =	sadd.s32 $0x6, s3  }
0x1e9: {  	p1 =	sge.s32 s0, s29;
	v12 =	vmov s7  }
0x1ea: {  	s0 =	sshll.u32 @!p1 s0, $0x6;
	v12 =	vand.u32 $0xFFFFFFFE, v12  }
0x1eb: {  	s0 =	sshra.s32 @!p1 s0, $0x2;
	v12 =	vbroadcast v12, $0x0  }
0x1ec: {  	s7 =	simm.s32 @!p1 $0x10;
	s8 =	simm.s32 @!p1 $0x19080;
	s0 =	sadd.s32 @!p1 $0x16180, s0  }
0x1ed: {  	[tilespmem:s8], [sflag:$0x3] =	stream.indirect.gather @!p1 [hbm4b:s4+s7], $0x80, s0, s7, $0xb8;
	[tilespmem:$0x1A900] =	vst v63  }
0x1ee: {  	_ =	swait.ge [sflag:s24], $0x800  }
0x1ef: {  	[sflag:s24] =	ssyncset.done $0x0  }
0x1f0: {  	s10 =	sadd.s32 $0x7, s3;
	[sflag:s24] =	ssyncadd.s32 $0xFFFFF800  }
0x1f1: {  	v13 =	vmov s10;
	v14 =	vld.idx.msk [tilespmem:v12+s17+$0x0], $0xffff  }
0x1f2: {  	s11 =	sadd.s32 $0x4, s3  }
0x1f3: {  	v15 =	vmov s11  }
0x1f4: {  	s0 =	simm.s32 $0x19980;
	v15 =	vand.u32 $0xFFFFFFFC, v15;
	v23 =	vld.idx.msk [tilespmem:v12+s19+$0x0], $0xffff  }
0x1f5: {  	v15 =	vbroadcast v15, $0x0;
	v16 =	vld [tilespmem:s0+$0x0]  }
0x1f6: {  	v17 =	vld.idx.msk [tilespmem:v13+s17+$0x0], $0xffff;
	v12 =	vshll.u32 v14, $0x7  }
0x1f7: {  	v14 =	vor.u32 v2, v12;
	_ =	sdelay $0x1  }
0x1f8: {  	v18 =	vld [tilespmem:s0+$0x80]  }
0x1f9: {  	s7 =	sadd.s32 $0x5, s3;
	v22 =	vld.idx.msk [tilespmem:v13+s19+$0x0], $0xffff;
	v13 =	vmul.f32 v16, v23  }
0x1fa: {  	v16 =	vmov s7;
	v20 =	vshll.u32 v17, $0x7;
	v17 =	vld.idx.msk [tilespmem:v15+s17+$0x0], $0xffff  }
0x1fb: {  	v16 =	vand.u32 $0xFFFFFFFD, v16;
	v19 =	vor.u32 v2, v20;
	[tilespmem:v14+s2+$0x0] =	vst.idx.add.f32.msk $0xffff, v13  }
0x1fc: {  	v13 =	vbroadcast v16, $0x0;
	v14 =	vld [tilespmem:s0+$0x10];
	_ =	sdelay $0x1  }
0x1fd: {  	v24 =	vld.idx.msk [tilespmem:v15+s19+$0x0], $0xffff;
	v15 =	vmul.f32 v18, v22;
	v16 =	vor.u32 v5, v12  }
0x1fe: {  	v18 =	vld [tilespmem:s0+$0xFFFFFF00]  }
0x1ff: {  	[tilespmem:v19+s2+$0x0] =	vst.idx.add.f32.msk $0xffff, v15  }
0x200: {  	v25 =	vshll.u32 v17, $0x7;
	v15 =	vld [tilespmem:s0+$0x90];
	v14 =	vmul.f32 v14, v23  }
0x201: {  	v17 =	vor.u32 v2, v25;
	v19 =	vld.idx.msk [tilespmem:v13+s17+$0x0], $0xffff  }
0x202: {  	[tilespmem:v16+s2+$0x0] =	vst.idx.add.f32.msk $0xffff, v14  }
0x203: {  	v16 =	vor.u32 v5, v20;
	v21 =	vld [tilespmem:s0+$0x20]  }
0x204: {  	v13 =	vld.idx.msk [tilespmem:v13+s19+$0x0], $0xffff;
	v14 =	vmul.f32 v18, v24  }
0x205: {  	v26 =	vor.u32 v6, v12;
	v18 =	vld [tilespmem:s0+$0xFFFFFF80]  }
0x206: {  	v15 =	vmul.f32 v15, v22;
	[tilespmem:v17+s2+$0x0] =	vst.idx.add.f32.msk $0xffff, v14;
	v14 =	vshll.u32 v19, $0x7  }
0x207: {  	v17 =	vld [tilespmem:s0+$0xFFFFFF10];
	v19 =	vor.u32 v2, v14  }
0x208: {  	[tilespmem:v16+s2+$0x0] =	vst.idx.add.f32.msk $0xffff, v15;
	v15 =	vmul.f32 v21, v23  }
0x209: {  	v16 =	vld [tilespmem:s0+$0xA0];
	v21 =	vor.u32 v5, v25  }
0x20a: {  	v18 =	vmul.f32 v18, v13;
	[tilespmem:v26+s2+$0x0] =	vst.idx.add.f32.msk $0xffff, v15  }
0x20b: {  	v26 =	vor.u32 v6, v20;
	v15 =	vld [tilespmem:s0+$0x30]  }
0x20c: {  	v17 =	vmul.f32 v17, v24;
	[tilespmem:v19+s2+$0x0] =	vst.idx.add.f32.msk $0xffff, v18  }
0x20d: {  	v19 =	vor.u32 v7, v12;
	v18 =	vld [tilespmem:s0+$0xFFFFFF90]  }
0x20e: {  	v16 =	vmul.f32 v16, v22;
	[tilespmem:v21+s2+$0x0] =	vst.idx.add.f32.msk $0xffff, v17  }
0x20f: {  	v21 =	vor.u32 v5, v14;
	v17 =	vld [tilespmem:s0+$0xFFFFFF20]  }
0x210: {  	[tilespmem:v26+s2+$0x0] =	vst.idx.add.f32.msk $0xffff, v16;
	v15 =	vmul.f32 v15, v23  }
0x211: {  	v16 =	vor.u32 v6, v25;
	v26 =	vld [tilespmem:s0+$0xB0]  }
0x212: {  	v18 =	vmul.f32 v18, v13;
	[tilespmem:v19+s2+$0x0] =	vst.idx.add.f32.msk $0xffff, v15  }
0x213: {  	v19 =	vor.u32 v7, v20;
	v15 =	vld [tilespmem:s0+$0x40]  }
0x214: {  	v17 =	vmul.f32 v17, v24;
	[tilespmem:v21+s2+$0x0] =	vst.idx.add.f32.msk $0xffff, v18  }
0x215: {  	v21 =	vor.u32 v8, v12;
	v18 =	vld [tilespmem:s0+$0xFFFFFFA0]  }
0x216: {  	[tilespmem:v16+s2+$0x0] =	vst.idx.add.f32.msk $0xffff, v17;
	v16 =	vmul.f32 v26, v22  }
0x217: {  	v26 =	vor.u32 v6, v14;
	v17 =	vld [tilespmem:s0+$0xFFFFFF30]  }
0x218: {  	[tilespmem:v19+s2+$0x0] =	vst.idx.add.f32.msk $0xffff, v16;
	v15 =	vmul.f32 v15, v23  }
0x219: {  	v16 =	vor.u32 v7, v25;
	v19 =	vld [tilespmem:s0+$0xC0]  }
0x21a: {  	v18 =	vmul.f32 v18, v13;
	[tilespmem:v21+s2+$0x0] =	vst.idx.add.f32.msk $0xffff, v15  }
0x21b: {  	v15 =	vld [tilespmem:s0+$0x50]  }
0x21c: {  	v21 =	vor.u32 v8, v20;
	v17 =	vmul.f32 v17, v24;
	[tilespmem:v26+s2+$0x0] =	vst.idx.add.f32.msk $0xffff, v18  }
0x21d: {  	v18 =	vld [tilespmem:s0+$0xFFFFFFB0]  }
0x21e: {  	[tilespmem:v16+s2+$0x0] =	vst.idx.add.f32.msk $0xffff, v17;
	v16 =	vor.u32 v9, v12  }
0x21f: {  	v17 =	vmul.f32 v19, v22;
	v19 =	vld [tilespmem:s0+$0xFFFFFF40]  }
0x220: {  	v26 =	vor.u32 v7, v14  }
0x221: {  	[tilespmem:v21+s2+$0x0] =	vst.idx.add.f32.msk $0xffff, v17;
	v15 =	vmul.f32 v15, v23  }
0x222: {  	v17 =	vor.u32 v8, v25;
	v21 =	vld [tilespmem:s0+$0xD0]  }
0x223: {  	v18 =	vmul.f32 v18, v13;
	[tilespmem:v16+s2+$0x0] =	vst.idx.add.f32.msk $0xffff, v15  }
0x224: {  	v15 =	vor.u32 v9, v20;
	v16 =	vmul.f32 v19, v24;
	v19 =	vld [tilespmem:s0+$0x60]  }
0x225: {  	s8 =	sadd.s32 $0x0, s30;
	[tilespmem:v26+s2+$0x0] =	vst.idx.add.f32.msk $0xffff, v18  }
0x226: {  	s9 =	sadd.s32 $0x4, s8;
	v28 =	vld [tilespmem:s0+$0xFFFFFFC0]  }
0x227: {  	[tilespmem:v17+s2+$0x0] =	vst.idx.add.f32.msk $0xffff, v16;
	v16 =	vmul.f32 v21, v22;
	v17 =	vmov s9  }
0x228: {  	s10 =	sadd.s32 $0x6, s8;
	s11 =	sadd.s32 $0x7, s8;
	v33 =	vor.u32 v8, v14;
	v18 =	vor.u32 v10, v12;
	v26 =	vld [tilespmem:s0+$0xFFFFFF50];
	v17 =	vand.u32 $0xFFFFFFFC, v17  }
0x229: {  	s3 =	sadd.s32 $0x5, s8;
	[tilespmem:v15+s2+$0x0] =	vst.idx.add.f32.msk $0xffff, v16;
	v15 =	vmov s10;
	v27 =	vbroadcast v17, $0x0;
	v16 =	vmov s11  }
0x22a: {  	v17 =	vmul.f32 v19, v23;
	v19 =	vmov s3;
	v21 =	vld [tilespmem:s0+$0xE0];
	v15 =	vand.u32 $0xFFFFFFFE, v15;
	s3 =	simm.s32 $0x19B80  }
0x22b: {  	v29 =	vbroadcast v15, $0x0;
	v31 =	vld [tilespmem:s3+$0x80]  }
0x22c: {  	v28 =	vmul.f32 v28, v13;
	v36 =	vld [tilespmem:s3+$0x0]  }
0x22d: {  	[tilespmem:v18+s2+$0x0] =	vst.idx.add.f32.msk $0xffff, v17  }
0x22e: {  	v34 =	vor.u32 v10, v20;
	v19 =	vand.u32 $0xFFFFFFFD, v19;
	[tilespmem:v33+s2+$0x0] =	vst.idx.add.f32.msk $0xffff, v28  }
0x22f: {  	v30 =	vbroadcast v19, $0x0;
	v19 =	vld.idx.msk [tilespmem:v16+s17+$0x0], $0xffff  }
0x230: {  	v17 =	vld.idx.msk [tilespmem:v16+s19+$0x0], $0xffff  }
0x231: {  	v38 =	vmul.f32 v21, v22;
	v32 =	vld.idx.msk [tilespmem:v29+s17+$0x0], $0xffff  }
0x232: {  	v47 =	vor.u32 v9, v25;
	v15 =	vld.idx.msk [tilespmem:v27+s19+$0x0], $0xffff  }
0x233: {  	[tilespmem:v34+s2+$0x0] =	vst.idx.add.f32.msk $0xffff, v38  }
0x234: {  	v48 =	vld [tilespmem:s0+$0xF0]  }
0x235: {  	v26 =	vmul.f32 v26, v24;
	v16 =	vld.idx.msk [tilespmem:v29+s19+$0x0], $0xffff  }
0x236: {  	v50 =	vor.u32 v11, v20;
	v27 =	vld.idx.msk [tilespmem:v27+s17+$0x0], $0xffff;
	v21 =	vshll.u32 v32, $0x7  }
0x237: {  	[tilespmem:v47+s2+$0x0] =	vst.idx.add.f32.msk $0xffff, v26;
	v28 =	vor.u32 v2, v21  }
0x238: {  	v29 =	vld [tilespmem:s3+$0xFFFFFF00]  }
0x239: {  	v18 =	vld.idx.msk [tilespmem:v30+s19+$0x0], $0xffff;
	v19 =	vshll.u32 v19, $0x7;
	v22 =	vmul.f32 v48, v22  }
0x23a: {  	v37 =	vor.u32 v2, v19;
	v49 =	vmul.f32 v36, v16;
	v32 =	vld [tilespmem:s0+$0xFFFFFF60]  }
0x23b: {  	v20 =	vshll.u32 v27, $0x7;
	[tilespmem:v50+s2+$0x0] =	vst.idx.add.f32.msk $0xffff, v22  }
0x23c: {  	v51 =	vor.u32 v2, v20;
	[tilespmem:v28+s2+$0x0] =	vst.idx.add.f32.msk $0xffff, v49  }
0x23d: {  	v31 =	vmul.f32 v31, v17;
	v27 =	vld [tilespmem:s3+$0x10]  }
0x23e: {  	v22 =	vmul.f32 v29, v15;
	v29 =	vld.idx.msk [tilespmem:v30+s17+$0x0], $0xffff;
	v30 =	vor.u32 v10, v25  }
0x23f: {  	v26 =	vor.u32 v5, v21;
	[tilespmem:v37+s2+$0x0] =	vst.idx.add.f32.msk $0xffff, v31  }
0x240: {  	v31 =	vld [tilespmem:s3+$0x90]  }
0x241: {  	[tilespmem:v51+s2+$0x0] =	vst.idx.add.f32.msk $0xffff, v22;
	v22 =	vmul.f32 v32, v24  }
0x242: {  	v35 =	vld [tilespmem:s3+$0xFFFFFF80];
	v27 =	vmul.f32 v27, v16  }
0x243: {  	v28 =	vor.u32 v5, v19;
	[tilespmem:v30+s2+$0x0] =	vst.idx.add.f32.msk $0xffff, v22;
	v22 =	vshll.u32 v29, $0x7  }
0x244: {  	v30 =	vor.u32 v2, v22;
	[tilespmem:v26+s2+$0x0] =	vst.idx.add.f32.msk $0xffff, v27  }
0x245: {  	v26 =	vld [tilespmem:s3+$0x20]  }
0x246: {  	v54 =	vld [tilespmem:s0+$0x70];
	v31 =	vmul.f32 v31, v17  }
0x247: {  	v35 =	vmul.f32 v35, v18;
	v29 =	vld [tilespmem:s3+$0xFFFFFF10];
	v27 =	vor.u32 v6, v21  }
0x248: {  	[tilespmem:v28+s2+$0x0] =	vst.idx.add.f32.msk $0xffff, v31  }
0x249: {  	[tilespmem:v30+s2+$0x0] =	vst.idx.add.f32.msk $0xffff, v35  }
0x24a: {  	v53 =	vor.u32 v5, v20;
	v30 =	vld [tilespmem:s3+$0xFFFFFF90];
	v26 =	vmul.f32 v26, v16  }
0x24b: {  	v31 =	vld [tilespmem:s3+$0xA0]  }
0x24c: {  	v56 =	vor.u32 v5, v22;
	[tilespmem:v27+s2+$0x0] =	vst.idx.add.f32.msk $0xffff, v26  }
0x24d: {  	v29 =	vmul.f32 v29, v15;
	v27 =	vor.u32 v6, v19;
	v26 =	vld [tilespmem:s3+$0x30]  }
0x24e: {  	v52 =	vld [tilespmem:s0+$0xFFFFFF70]  }
0x24f: {  	v55 =	vor.u32 v7, v21;
	[tilespmem:v53+s2+$0x0] =	vst.idx.add.f32.msk $0xffff, v29;
	v30 =	vmul.f32 v30, v18  }
0x250: {  	v29 =	vld [tilespmem:s3+$0xFFFFFF20];
	v31 =	vmul.f32 v31, v17  }
0x251: {  	[tilespmem:v56+s2+$0x0] =	vst.idx.add.f32.msk $0xffff, v30  }
0x252: {  	[tilespmem:v27+s2+$0x0] =	vst.idx.add.f32.msk $0xffff, v31;
	v26 =	vmul.f32 v26, v16  }
0x253: {  	v27 =	vor.u32 v6, v20;
	v31 =	vld [tilespmem:s3+$0xB0]  }
0x254: {  	[tilespmem:v55+s2+$0x0] =	vst.idx.add.f32.msk $0xffff, v26  }
0x255: {  	v57 =	vor.u32 v7, v19;
	v26 =	vld [tilespmem:s3+$0x40]  }
0x256: {  	v29 =	vmul.f32 v29, v15;
	v30 =	vld [tilespmem:s3+$0xFFFFFFA0]  }
0x257: {  	v58 =	vor.u32 v8, v21;
	v28 =	vld [tilespmem:s0+$0xFFFFFFD0]  }
0x258: {  	[tilespmem:v27+s2+$0x0] =	vst.idx.add.f32.msk $0xffff, v29;
	v27 =	vmul.f32 v31, v17;
	v31 =	vor.u32 v6, v22  }
0x259: {  	v29 =	vld [tilespmem:s3+$0xFFFFFF30]  }
0x25a: {  	[tilespmem:v57+s2+$0x0] =	vst.idx.add.f32.msk $0xffff, v27;
	v26 =	vmul.f32 v26, v16  }
0x25b: {  	v30 =	vmul.f32 v30, v18;
	v27 =	vor.u32 v7, v20;
	v35 =	vld [tilespmem:s3+$0xC0]  }
0x25c: {  	[tilespmem:v58+s2+$0x0] =	vst.idx.add.f32.msk $0xffff, v26  }
0x25d: {  	[tilespmem:v31+s2+$0x0] =	vst.idx.add.f32.msk $0xffff, v30;
	v30 =	vor.u32 v9, v14  }
0x25e: {  	v29 =	vmul.f32 v29, v15;
	v26 =	vld [tilespmem:s3+$0x50]  }
0x25f: {  	v59 =	vor.u32 v8, v19;
	v31 =	vld [tilespmem:s3+$0xFFFFFFB0]  }
0x260: {  	v28 =	vmul.f32 v28, v13;
	[tilespmem:v27+s2+$0x0] =	vst.idx.add.f32.msk $0xffff, v29  }
0x261: {  	v27 =	vor.u32 v9, v21;
	v60 =	vld [tilespmem:s3+$0xFFFFFF40]  }
0x262: {  	v61 =	vor.u32 v7, v22;
	v29 =	vmul.f32 v35, v17;
	[tilespmem:v30+s2+$0x0] =	vst.idx.add.f32.msk $0xffff, v28  }
0x263: {  	v30 =	vld [tilespmem:s0+$0xFFFFFFE0]  }
0x264: {  	[tilespmem:v59+s2+$0x0] =	vst.idx.add.f32.msk $0xffff, v29;
	v28 =	vor.u32 v8, v20;
	v26 =	vmul.f32 v26, v16  }
0x265: {  	v29 =	vmul.f32 v31, v18;
	v31 =	vld [tilespmem:s3+$0xD0]  }
0x266: {  	v62 =	vor.u32 v10, v14;
	[tilespmem:v27+s2+$0x0] =	vst.idx.add.f32.msk $0xffff, v26  }
0x267: {  	v27 =	vmul.f32 v60, v15;
	[tilespmem:v61+s2+$0x0] =	vst.idx.add.f32.msk $0xffff, v29  }
0x268: {  	v29 =	vld [tilespmem:s3+$0x60];
	v63 =	vmul.f32 v30, v13;
	v30 =	vor.u32 v9, v19  }
0x269: {  	[tilespmem:v28+s2+$0x0] =	vst.idx.add.f32.msk $0xffff, v27  }
0x26a: {  	v24 =	vmul.f32 v52, v24;
	v26 =	vor.u32 v10, v21;
	v27 =	vmul.f32 v54, v23;
	v28 =	vld [tilespmem:s3+$0xFFFFFF50]  }
0x26b: {  	s11 =	simm.s32 $0x4;
	v23 =	vor.u32 v11, v25;
	v31 =	vmul.f32 v31, v17;
	[tilespmem:v62+s2+$0x0] =	vst.idx.add.f32.msk $0xffff, v63  }
.LBB2_17:
0x26c: {  	s7 =	sadd.s32 s11, s30;
	s11 =	sadd.s32 $0x4, s11;
	v25 =	vld [tilespmem:s0+$0xFFFFFFF0];
	v32 =	vor.u32 v11, v12;
	v12 =	vmov v21;
	s0 =	smov.u32 s3  }
0x26d: {  	s8 =	sadd.s32 $0x4, s7;
	s9 =	sadd.s32 $0x5, s7;
	s10 =	sadd.s32 $0x6, s7;
	v21 =	vmul.f32 v29, v16;
	[tilespmem:v30+s2+$0x0] =	vst.idx.add.f32.msk $0xffff, v31;
	v29 =	vor.u32 v11, v14;
	v14 =	vmov v22  }
0x26e: {  	s7 =	sadd.s32 $0x7, s7;
	p1 =	slt.u32 s11, $0xC;
	v22 =	vmov s8;
	v30 =	vmov s9;
	v31 =	vmov s10;
	v33 =	vld [tilespmem:s3+$0xE0]  }
0x26f: {  	v22 =	vand.u32 $0xFFFFFFFC, v22;
	v30 =	vand.u32 $0xFFFFFFFD, v30;
	v31 =	vand.u32 $0xFFFFFFFE, v31;
	v34 =	vld [tilespmem:s3+$0xFFFFFFC0]  }
0x270: {  	v35 =	vmov s7;
	v22 =	vbroadcast v22, $0x0;
	[tilespmem:v23+s2+$0x0] =	vst.idx.add.f32.msk $0xffff, v24  }
0x271: {  	v24 =	vbroadcast v30, $0x0;
	[tilespmem:v26+s2+$0x0] =	vst.idx.add.f32.msk $0xffff, v21;
	v21 =	vmul.f32 v25, v13;
	v13 =	vmov v18  }
0x272: {  	v28 =	vmul.f32 v28, v15;
	v23 =	vbroadcast v31, $0x0;
	[tilespmem:v32+s2+$0x0] =	vst.idx.add.f32.msk $0xffff, v27  }
0x273: {  	s3 =	sadd.s32 $0x200, s3;
	v25 =	vmul.f32 v33, v17;
	[tilespmem:v29+s2+$0x0] =	vst.idx.add.f32.msk $0xffff, v21  }
0x274: {  	v21 =	vld [tilespmem:s3+$0x80];
	v26 =	vmul.f32 v34, v13  }
0x275: {  	v27 =	vld.idx.msk [tilespmem:v35+s17+$0x0], $0xffff  }
0x276: {  	v29 =	vld.idx.msk [tilespmem:v22+s19+$0x0], $0xffff  }
0x277: {  	v30 =	vld.idx.msk [tilespmem:v35+s19+$0x0], $0xffff  }
0x278: {  	v31 =	vld.idx.msk [tilespmem:v23+s17+$0x0], $0xffff  }
0x279: {  	v32 =	vor.u32 v8, v14;
	v18 =	vld.idx.msk [tilespmem:v24+s19+$0x0], $0xffff  }
0x27a: {  	v23 =	vld.idx.msk [tilespmem:v23+s19+$0x0], $0xffff  }
0x27b: {  	v34 =	vor.u32 v10, v19;
	v27 =	vshll.u32 v27, $0x7;
	v33 =	vld [tilespmem:s3+$0xFFFFFF00]  }
0x27c: {  	v35 =	vld [tilespmem:s3+$0xFFFFFF80]  }
0x27d: {  	v38 =	vor.u32 v2, v27;
	v37 =	vmul.f32 v21, v30;
	v36 =	vld [tilespmem:s3+$0x0]  }
0x27e: {  	v21 =	vshll.u32 v31, $0x7;
	[tilespmem:v32+s2+$0x0] =	vst.idx.add.f32.msk $0xffff, v26  }
0x27f: {  	v31 =	vor.u32 v2, v21;
	v26 =	vor.u32 v10, v21;
	v22 =	vld.idx.msk [tilespmem:v22+s17+$0x0], $0xffff  }
0x280: {  	v32 =	vmul.f32 v33, v29;
	[tilespmem:v34+s2+$0x0] =	vst.idx.add.f32.msk $0xffff, v25  }
0x281: {  	v34 =	vor.u32 v9, v20;
	v33 =	vmul.f32 v35, v18;
	v35 =	vld [tilespmem:s0+$0xF0]  }
0x282: {  	v25 =	vmul.f32 v36, v23;
	[tilespmem:v38+s2+$0x0] =	vst.idx.add.f32.msk $0xffff, v37  }
0x283: {  	v37 =	vor.u32 v11, v19;
	v19 =	vmov v27;
	v36 =	vld [tilespmem:s3+$0x90]  }
0x284: {  	[tilespmem:v31+s2+$0x0] =	vst.idx.add.f32.msk $0xffff, v25  }
0x285: {  	v27 =	vor.u32 v5, v19;
	v25 =	vshll.u32 v22, $0x7;
	v22 =	vld [tilespmem:s3+$0x10]  }
0x286: {  	v31 =	vor.u32 v2, v25;
	[tilespmem:v34+s2+$0x0] =	vst.idx.add.f32.msk $0xffff, v28;
	v28 =	vmul.f32 v35, v17;
	v17 =	vmov v30  }
0x287: {  	v30 =	vor.u32 v5, v21;
	v34 =	vld [tilespmem:s0+$0xFFFFFF60]  }
0x288: {  	v35 =	vmul.f32 v36, v17;
	[tilespmem:v37+s2+$0x0] =	vst.idx.add.f32.msk $0xffff, v28  }
0x289: {  	v28 =	vor.u32 v10, v20;
	v24 =	vld.idx.msk [tilespmem:v24+s17+$0x0], $0xffff  }
0x28a: {  	v22 =	vmul.f32 v22, v23;
	[tilespmem:v27+s2+$0x0] =	vst.idx.add.f32.msk $0xffff, v35  }
0x28b: {  	[tilespmem:v31+s2+$0x0] =	vst.idx.add.f32.msk $0xffff, v32  }
0x28c: {  	[tilespmem:v30+s2+$0x0] =	vst.idx.add.f32.msk $0xffff, v22;
	v22 =	vmul.f32 v34, v15  }
0x28d: {  	v27 =	vld [tilespmem:s3+$0x20]  }
0x28e: {  	[tilespmem:v28+s2+$0x0] =	vst.idx.add.f32.msk $0xffff, v22  }
0x28f: {  	v22 =	vshll.u32 v24, $0x7;
	v24 =	vor.u32 v6, v21;
	v28 =	vld [tilespmem:s0+$0xFFFFFFD0]  }
0x290: {  	v31 =	vor.u32 v2, v22;
	v30 =	vld [tilespmem:s3+$0xFFFFFF10]  }
0x291: {  	v32 =	vld [tilespmem:s3+$0xA0]  }
0x292: {  	v27 =	vmul.f32 v27, v23;
	v34 =	vld [tilespmem:s0+$0xFFFFFF70]  }
0x293: {  	v35 =	vor.u32 v5, v25;
	v36 =	vld [tilespmem:s0+$0x70]  }
0x294: {  	[tilespmem:v24+s2+$0x0] =	vst.idx.add.f32.msk $0xffff, v27;
	v27 =	vmul.f32 v28, v13  }
0x295: {  	v37 =	vor.u32 v6, v19;
	v28 =	vmul.f32 v30, v29;
	v30 =	vld [tilespmem:s3+$0x30]  }
0x296: {  	[tilespmem:v31+s2+$0x0] =	vst.idx.add.f32.msk $0xffff, v33;
	v31 =	vmul.f32 v32, v17  }
0x297: {  	v33 =	vor.u32 v7, v21;
	v32 =	vld [tilespmem:s3+$0xFFFFFF90];
	v24 =	vmul.f32 v34, v15;
	v15 =	vmov v29  }
0x298: {  	[tilespmem:v35+s2+$0x0] =	vst.idx.add.f32.msk $0xffff, v28  }
0x299: {  	v29 =	vor.u32 v5, v22;
	v28 =	vld [tilespmem:s3+$0xFFFFFF20]  }
0x29a: {  	v30 =	vmul.f32 v30, v23;
	[tilespmem:v37+s2+$0x0] =	vst.idx.add.f32.msk $0xffff, v31  }
0x29b: {  	v31 =	vor.u32 v6, v25;
	v34 =	vld [tilespmem:s3+$0xB0]  }
0x29c: {  	v32 =	vmul.f32 v32, v18;
	[tilespmem:v33+s2+$0x0] =	vst.idx.add.f32.msk $0xffff, v30  }
0x29d: {  	v33 =	vor.u32 v7, v19;
	v30 =	vld [tilespmem:s3+$0x40]  }
0x29e: {  	v28 =	vmul.f32 v28, v15;
	[tilespmem:v29+s2+$0x0] =	vst.idx.add.f32.msk $0xffff, v32  }
0x29f: {  	v32 =	vor.u32 v8, v21;
	v29 =	vld [tilespmem:s3+$0xFFFFFFA0]  }
0x2a0: {  	[tilespmem:v31+s2+$0x0] =	vst.idx.add.f32.msk $0xffff, v28;
	v28 =	vmul.f32 v34, v17  }
0x2a1: {  	v34 =	vor.u32 v6, v22;
	v31 =	vld [tilespmem:s3+$0xFFFFFF30]  }
0x2a2: {  	v30 =	vmul.f32 v30, v23;
	[tilespmem:v33+s2+$0x0] =	vst.idx.add.f32.msk $0xffff, v28  }
0x2a3: {  	v28 =	vor.u32 v7, v25;
	v33 =	vld [tilespmem:s3+$0xC0]  }
0x2a4: {  	v29 =	vmul.f32 v29, v18;
	[tilespmem:v32+s2+$0x0] =	vst.idx.add.f32.msk $0xffff, v30  }
0x2a5: {  	v32 =	vor.u32 v8, v19;
	v30 =	vld [tilespmem:s3+$0x50]  }
0x2a6: {  	v31 =	vmul.f32 v31, v15;
	[tilespmem:v34+s2+$0x0] =	vst.idx.add.f32.msk $0xffff, v29;
	v29 =	vor.u32 v9, v14  }
0x2a7: {  	v34 =	vld [tilespmem:s3+$0xFFFFFFB0]  }
0x2a8: {  	[tilespmem:v28+s2+$0x0] =	vst.idx.add.f32.msk $0xffff, v31;
	v28 =	vor.u32 v9, v21;
	v31 =	vmul.f32 v33, v17  }
0x2a9: {  	v33 =	vld [tilespmem:s3+$0xFFFFFF40]  }
0x2aa: {  	v35 =	vor.u32 v7, v22;
	v30 =	vmul.f32 v30, v23;
	[tilespmem:v32+s2+$0x0] =	vst.idx.add.f32.msk $0xffff, v31  }
0x2ab: {  	[tilespmem:v29+s2+$0x0] =	vst.idx.add.f32.msk $0xffff, v27  }
0x2ac: {  	v27 =	vor.u32 v8, v25;
	v29 =	vmul.f32 v34, v18;
	v31 =	vld [tilespmem:s0+$0xFFFFFFE0]  }
0x2ad: {  	[tilespmem:v28+s2+$0x0] =	vst.idx.add.f32.msk $0xffff, v30  }
0x2ae: {  	v28 =	vmul.f32 v33, v15;
	v32 =	vld [tilespmem:s3+$0xD0];
	v33 =	vor.u32 v10, v14  }
.Ltmp12:
0x2af: {  	[tilespmem:v35+s2+$0x0] =	vst.idx.add.f32.msk $0xffff, v29;
	(pc) =	sbr.rel @p1 .LBB2_17-.Ltmp12, $4  }
0x2b0: {  	v30 =	vor.u32 v9, v19;
	v29 =	vld [tilespmem:s3+$0x60]  }
0x2b1: {  	[tilespmem:v27+s2+$0x0] =	vst.idx.add.f32.msk $0xffff, v28;
	v34 =	vmul.f32 v31, v13  }
0x2b2: {  	v27 =	vmul.f32 v36, v16;
	v16 =	vmov v23;
	v28 =	vld [tilespmem:s3+$0xFFFFFF50]  }
0x2b3: {  	v23 =	vor.u32 v11, v20;
	v20 =	vmov v25;
	v31 =	vmul.f32 v32, v17;
	[tilespmem:v33+s2+$0x0] =	vst.idx.add.f32.msk $0xffff, v34  }
0x2b4: {  	v25 =	vld [tilespmem:s3+$0xFFFFFFC0];
	_ =	sdelay $0x1  }
0x2b5: {  	v32 =	vor.u32 v8, v22;
	_ =	sdelay $0x2  }
0x2b6: {  	v25 =	vmul.f32 v25, v18;
	_ =	sdelay $0x1  }
0x2b7: {  	[tilespmem:v32+s2+$0x0] =	vst.idx.add.f32.msk $0xffff, v25  }
0x2b8: {  	v47 =	vor.u32 v9, v20;
	v32 =	vld [tilespmem:s3+$0xFFFFFFD0];
	_ =	sdelay $0x1  }
0x2b9: {  	v48 =	vor.u32 v9, v22;
	v52 =	vld [tilespmem:s0+$0xFFFFFFF0]  }
0x2ba: {  	[tilespmem:v30+s2+$0x0] =	vst.idx.add.f32.msk $0xffff, v31;
	v28 =	vmul.f32 v28, v15  }
0x2bb: {  	v31 =	vld [tilespmem:s3+$0xE0]  }
0x2bc: {  	[tilespmem:v47+s2+$0x0] =	vst.idx.add.f32.msk $0xffff, v28;
	v32 =	vmul.f32 v32, v18  }
0x2bd: {  	v49 =	vor.u32 v10, v19;
	v28 =	vld [tilespmem:s3+$0xFFFFFF60]  }
0x2be: {  	v29 =	vmul.f32 v29, v16;
	[tilespmem:v48+s2+$0x0] =	vst.idx.add.f32.msk $0xffff, v32  }
0x2bf: {  	v50 =	vor.u32 v10, v20;
	v30 =	vld [tilespmem:s3+$0xFFFFFFE0]  }
0x2c0: {  	[tilespmem:v26+s2+$0x0] =	vst.idx.add.f32.msk $0xffff, v29;
	v51 =	vmul.f32 v31, v17  }
0x2c1: {  	v54 =	vor.u32 v10, v22;
	v56 =	vld [tilespmem:s3+$0x70]  }
0x2c2: {  	[tilespmem:v49+s2+$0x0] =	vst.idx.add.f32.msk $0xffff, v51;
	v53 =	vmul.f32 v28, v15  }
0x2c3: {  	v29 =	vld [tilespmem:s3+$0xF0]  }
0x2c4: {  	v12 =	vor.u32 v11, v12;
	[tilespmem:v50+s2+$0x0] =	vst.idx.add.f32.msk $0xffff, v53;
	v55 =	vmul.f32 v30, v18  }
0x2c5: {  	v14 =	vor.u32 v11, v14;
	v25 =	vld [tilespmem:s3+$0xFFFFFF70]  }
0x2c6: {  	v21 =	vor.u32 v11, v21;
	[tilespmem:v54+s2+$0x0] =	vst.idx.add.f32.msk $0xffff, v55  }
0x2c7: {  	v57 =	vor.u32 v11, v19;
	v26 =	vld [tilespmem:s3+$0xFFFFFFF0]  }
0x2c8: {  	v58 =	vor.u32 v11, v20;
	[tilespmem:v23+s2+$0x0] =	vst.idx.add.f32.msk $0xffff, v24;
	v13 =	vmul.f32 v52, v13  }
0x2c9: {  	v60 =	vor.u32 v11, v22;
	[tilespmem:v12+s2+$0x0] =	vst.idx.add.f32.msk $0xffff, v27;
	v62 =	vmul.f32 v56, v16  }
.Ltmp13:
0x2ca: {  	[tilespmem:v14+s2+$0x0] =	vst.idx.add.f32.msk $0xffff, v13;
	v59 =	vmul.f32 v29, v17;
	(pc) =	sbr.rel .LBB2_23-.Ltmp13, $4  }
0x2cb: {  	[tilespmem:v21+s2+$0x0] =	vst.idx.add.f32.msk $0xffff, v62;
	v61 =	vmul.f32 v25, v15  }
0x2cc: {  	[tilespmem:v57+s2+$0x0] =	vst.idx.add.f32.msk $0xffff, v59;
	v63 =	vmul.f32 v26, v18  }
0x2cd: {  	[tilespmem:v58+s2+$0x0] =	vst.idx.add.f32.msk $0xffff, v61  }
0x2ce: {  	[tilespmem:v60+s2+$0x0] =	vst.idx.add.f32.msk $0xffff, v63  }
.LBB2_13:
0x2cf: {  	s3 =	sadd.s32 $0xFFFFFFFC, s30  }
0x2d0: {  	s7 =	sadd.s32 $0x6, s3  }
0x2d1: {  	p1 =	sge.s32 s0, s29;
	v12 =	vmov s7  }
0x2d2: {  	s0 =	sshll.u32 @!p1 s0, $0x6;
	v12 =	vand.u32 $0xFFFFFFFE, v12  }
0x2d3: {  	s0 =	sshra.s32 @!p1 s0, $0x2;
	v12 =	vbroadcast v12, $0x0  }
0x2d4: {  	s8 =	simm.s32 @!p1 $0x18880;
	s7 =	simm.s32 @!p1 $0x10;
	s0 =	sadd.s32 @!p1 $0x16180, s0  }
0x2d5: {  	[tilespmem:s8], [sflag:$0x2] =	stream.indirect.gather @!p1 [hbm4b:s4+s7], $0x80, s0, s7, $0xb8;
	[tilespmem:$0x1A900] =	vst v63  }
0x2d6: {  	_ =	swait.ge [sflag:s23], $0x800  }
0x2d7: {  	[sflag:s23] =	ssyncset.done $0x0  }
0x2d8: {  	s11 =	sadd.s32 $0x7, s3;
	[sflag:s23] =	ssyncadd.s32 $0xFFFFF800  }
0x2d9: {  	v13 =	vmov s11;
	v14 =	vld.idx.msk [tilespmem:v12+s17+$0x0], $0xffff  }
0x2da: {  	s7 =	sadd.s32 $0x4, s3  }
0x2db: {  	s0 =	simm.s32 $0x19180;
	v15 =	vmov s7  }
0x2dc: {  	v15 =	vand.u32 $0xFFFFFFFC, v15;
	v16 =	vld [tilespmem:s0+$0x0]  }
0x2dd: {  	v15 =	vbroadcast v15, $0x0;
	v23 =	vld.idx.msk [tilespmem:v12+s19+$0x0], $0xffff  }
0x2de: {  	v17 =	vld.idx.msk [tilespmem:v13+s17+$0x0], $0xffff;
	v12 =	vshll.u32 v14, $0x7  }
0x2df: {  	v14 =	vor.u32 v2, v12;
	_ =	sdelay $0x1  }
0x2e0: {  	v18 =	vld [tilespmem:s0+$0x80]  }
0x2e1: {  	s3 =	sadd.s32 $0x5, s3;
	v22 =	vld.idx.msk [tilespmem:v13+s19+$0x0], $0xffff;
	v13 =	vmul.f32 v16, v23  }
0x2e2: {  	v20 =	vshll.u32 v17, $0x7;
	v17 =	vld.idx.msk [tilespmem:v15+s17+$0x0], $0xffff;
	v16 =	vmov s3  }
0x2e3: {  	v19 =	vor.u32 v2, v20;
	v16 =	vand.u32 $0xFFFFFFFD, v16;
	[tilespmem:v14+s2+$0x0] =	vst.idx.add.f32.msk $0xffff, v13  }
0x2e4: {  	v13 =	vbroadcast v16, $0x0;
	v14 =	vld [tilespmem:s0+$0x10];
	_ =	sdelay $0x1  }
0x2e5: {  	v24 =	vld.idx.msk [tilespmem:v15+s19+$0x0], $0xffff;
	v15 =	vmul.f32 v18, v22;
	v16 =	vor.u32 v5, v12  }
0x2e6: {  	v18 =	vld [tilespmem:s0+$0xFFFFFF00]  }
0x2e7: {  	[tilespmem:v19+s2+$0x0] =	vst.idx.add.f32.msk $0xffff, v15  }
0x2e8: {  	v25 =	vshll.u32 v17, $0x7;
	v15 =	vld [tilespmem:s0+$0x90];
	v14 =	vmul.f32 v14, v23  }
0x2e9: {  	v17 =	vor.u32 v2, v25;
	v19 =	vld.idx.msk [tilespmem:v13+s17+$0x0], $0xffff  }
0x2ea: {  	[tilespmem:v16+s2+$0x0] =	vst.idx.add.f32.msk $0xffff, v14  }
0x2eb: {  	v16 =	vor.u32 v5, v20;
	v21 =	vld [tilespmem:s0+$0x20]  }
0x2ec: {  	v13 =	vld.idx.msk [tilespmem:v13+s19+$0x0], $0xffff;
	v14 =	vmul.f32 v18, v24  }
0x2ed: {  	v26 =	vor.u32 v6, v12;
	v18 =	vld [tilespmem:s0+$0xFFFFFF80]  }
0x2ee: {  	v15 =	vmul.f32 v15, v22;
	[tilespmem:v17+s2+$0x0] =	vst.idx.add.f32.msk $0xffff, v14;
	v14 =	vshll.u32 v19, $0x7  }
0x2ef: {  	v17 =	vld [tilespmem:s0+$0xFFFFFF10];
	v19 =	vor.u32 v2, v14  }
0x2f0: {  	[tilespmem:v16+s2+$0x0] =	vst.idx.add.f32.msk $0xffff, v15;
	v15 =	vmul.f32 v21, v23  }
0x2f1: {  	v16 =	vld [tilespmem:s0+$0xA0];
	v21 =	vor.u32 v5, v25  }
0x2f2: {  	v18 =	vmul.f32 v18, v13;
	[tilespmem:v26+s2+$0x0] =	vst.idx.add.f32.msk $0xffff, v15  }
0x2f3: {  	v26 =	vor.u32 v6, v20;
	v15 =	vld [tilespmem:s0+$0x30]  }
0x2f4: {  	v17 =	vmul.f32 v17, v24;
	[tilespmem:v19+s2+$0x0] =	vst.idx.add.f32.msk $0xffff, v18  }
0x2f5: {  	v19 =	vor.u32 v7, v12;
	v18 =	vld [tilespmem:s0+$0xFFFFFF90]  }
0x2f6: {  	v16 =	vmul.f32 v16, v22;
	[tilespmem:v21+s2+$0x0] =	vst.idx.add.f32.msk $0xffff, v17  }
0x2f7: {  	v21 =	vor.u32 v5, v14;
	v17 =	vld [tilespmem:s0+$0xFFFFFF20]  }
0x2f8: {  	[tilespmem:v26+s2+$0x0] =	vst.idx.add.f32.msk $0xffff, v16;
	v15 =	vmul.f32 v15, v23  }
0x2f9: {  	v16 =	vor.u32 v6, v25;
	v26 =	vld [tilespmem:s0+$0xB0]  }
0x2fa: {  	v18 =	vmul.f32 v18, v13;
	[tilespmem:v19+s2+$0x0] =	vst.idx.add.f32.msk $0xffff, v15  }
0x2fb: {  	v19 =	vor.u32 v7, v20;
	v15 =	vld [tilespmem:s0+$0x40]  }
0x2fc: {  	v17 =	vmul.f32 v17, v24;
	[tilespmem:v21+s2+$0x0] =	vst.idx.add.f32.msk $0xffff, v18  }
0x2fd: {  	v21 =	vor.u32 v8, v12;
	v18 =	vld [tilespmem:s0+$0xFFFFFFA0]  }
0x2fe: {  	[tilespmem:v16+s2+$0x0] =	vst.idx.add.f32.msk $0xffff, v17;
	v16 =	vmul.f32 v26, v22  }
0x2ff: {  	v26 =	vor.u32 v6, v14;
	v17 =	vld [tilespmem:s0+$0xFFFFFF30]  }
0x300: {  	[tilespmem:v19+s2+$0x0] =	vst.idx.add.f32.msk $0xffff, v16;
	v15 =	vmul.f32 v15, v23  }
0x301: {  	v16 =	vor.u32 v7, v25;
	v19 =	vld [tilespmem:s0+$0xC0]  }
0x302: {  	v18 =	vmul.f32 v18, v13;
	[tilespmem:v21+s2+$0x0] =	vst.idx.add.f32.msk $0xffff, v15  }
0x303: {  	v15 =	vld [tilespmem:s0+$0x50]  }
0x304: {  	v21 =	vor.u32 v8, v20;
	v17 =	vmul.f32 v17, v24;
	[tilespmem:v26+s2+$0x0] =	vst.idx.add.f32.msk $0xffff, v18  }
0x305: {  	v18 =	vld [tilespmem:s0+$0xFFFFFFB0]  }
0x306: {  	[tilespmem:v16+s2+$0x0] =	vst.idx.add.f32.msk $0xffff, v17;
	v16 =	vor.u32 v9, v12  }
0x307: {  	v17 =	vmul.f32 v19, v22;
	v19 =	vld [tilespmem:s0+$0xFFFFFF40]  }
0x308: {  	v26 =	vor.u32 v7, v14  }
0x309: {  	[tilespmem:v21+s2+$0x0] =	vst.idx.add.f32.msk $0xffff, v17;
	v15 =	vmul.f32 v15, v23  }
0x30a: {  	v17 =	vor.u32 v8, v25;
	v21 =	vld [tilespmem:s0+$0xD0]  }
0x30b: {  	v18 =	vmul.f32 v18, v13;
	[tilespmem:v16+s2+$0x0] =	vst.idx.add.f32.msk $0xffff, v15  }
0x30c: {  	v15 =	vor.u32 v9, v20;
	v16 =	vmul.f32 v19, v24;
	v19 =	vld [tilespmem:s0+$0x60]  }
0x30d: {  	s8 =	sadd.s32 $0x0, s30;
	[tilespmem:v26+s2+$0x0] =	vst.idx.add.f32.msk $0xffff, v18  }
0x30e: {  	s9 =	sadd.s32 $0x4, s8;
	v28 =	vld [tilespmem:s0+$0xFFFFFFC0]  }
0x30f: {  	[tilespmem:v17+s2+$0x0] =	vst.idx.add.f32.msk $0xffff, v16;
	v16 =	vmul.f32 v21, v22;
	v17 =	vmov s9  }
0x310: {  	s10 =	sadd.s32 $0x6, s8;
	s11 =	sadd.s32 $0x7, s8;
	v33 =	vor.u32 v8, v14;
	v18 =	vor.u32 v10, v12;
	v26 =	vld [tilespmem:s0+$0xFFFFFF50];
	v17 =	vand.u32 $0xFFFFFFFC, v17  }
0x311: {  	s3 =	sadd.s32 $0x5, s8;
	[tilespmem:v15+s2+$0x0] =	vst.idx.add.f32.msk $0xffff, v16;
	v15 =	vmov s10;
	v27 =	vbroadcast v17, $0x0;
	v16 =	vmov s11  }
0x312: {  	v17 =	vmul.f32 v19, v23;
	v19 =	vmov s3;
	v21 =	vld [tilespmem:s0+$0xE0];
	v15 =	vand.u32 $0xFFFFFFFE, v15;
	s3 =	simm.s32 $0x19380  }
0x313: {  	v29 =	vbroadcast v15, $0x0;
	v31 =	vld [tilespmem:s3+$0x80]  }
0x314: {  	v28 =	vmul.f32 v28, v13;
	v36 =	vld [tilespmem:s3+$0x0]  }
0x315: {  	[tilespmem:v18+s2+$0x0] =	vst.idx.add.f32.msk $0xffff, v17  }
0x316: {  	v34 =	vor.u32 v10, v20;
	v19 =	vand.u32 $0xFFFFFFFD, v19;
	[tilespmem:v33+s2+$0x0] =	vst.idx.add.f32.msk $0xffff, v28  }
0x317: {  	v30 =	vbroadcast v19, $0x0;
	v19 =	vld.idx.msk [tilespmem:v16+s17+$0x0], $0xffff  }
0x318: {  	v17 =	vld.idx.msk [tilespmem:v16+s19+$0x0], $0xffff  }
0x319: {  	v38 =	vmul.f32 v21, v22;
	v32 =	vld.idx.msk [tilespmem:v29+s17+$0x0], $0xffff  }
0x31a: {  	v47 =	vor.u32 v9, v25;
	v15 =	vld.idx.msk [tilespmem:v27+s19+$0x0], $0xffff  }
0x31b: {  	[tilespmem:v34+s2+$0x0] =	vst.idx.add.f32.msk $0xffff, v38  }
0x31c: {  	v48 =	vld [tilespmem:s0+$0xF0]  }
0x31d: {  	v26 =	vmul.f32 v26, v24;
	v16 =	vld.idx.msk [tilespmem:v29+s19+$0x0], $0xffff  }
0x31e: {  	v50 =	vor.u32 v11, v20;
	v27 =	vld.idx.msk [tilespmem:v27+s17+$0x0], $0xffff;
	v21 =	vshll.u32 v32, $0x7  }
0x31f: {  	[tilespmem:v47+s2+$0x0] =	vst.idx.add.f32.msk $0xffff, v26;
	v28 =	vor.u32 v2, v21  }
0x320: {  	v29 =	vld [tilespmem:s3+$0xFFFFFF00]  }
0x321: {  	v18 =	vld.idx.msk [tilespmem:v30+s19+$0x0], $0xffff;
	v19 =	vshll.u32 v19, $0x7;
	v22 =	vmul.f32 v48, v22  }
0x322: {  	v37 =	vor.u32 v2, v19;
	v49 =	vmul.f32 v36, v16;
	v32 =	vld [tilespmem:s0+$0xFFFFFF60]  }
0x323: {  	v20 =	vshll.u32 v27, $0x7;
	[tilespmem:v50+s2+$0x0] =	vst.idx.add.f32.msk $0xffff, v22  }
0x324: {  	v51 =	vor.u32 v2, v20;
	[tilespmem:v28+s2+$0x0] =	vst.idx.add.f32.msk $0xffff, v49  }
0x325: {  	v31 =	vmul.f32 v31, v17;
	v27 =	vld [tilespmem:s3+$0x10]  }
0x326: {  	v22 =	vmul.f32 v29, v15;
	v29 =	vld.idx.msk [tilespmem:v30+s17+$0x0], $0xffff;
	v30 =	vor.u32 v10, v25  }
0x327: {  	v26 =	vor.u32 v5, v21;
	[tilespmem:v37+s2+$0x0] =	vst.idx.add.f32.msk $0xffff, v31  }
0x328: {  	v31 =	vld [tilespmem:s3+$0x90]  }
0x329: {  	[tilespmem:v51+s2+$0x0] =	vst.idx.add.f32.msk $0xffff, v22;
	v22 =	vmul.f32 v32, v24  }
0x32a: {  	v35 =	vld [tilespmem:s3+$0xFFFFFF80];
	v27 =	vmul.f32 v27, v16  }
0x32b: {  	v28 =	vor.u32 v5, v19;
	[tilespmem:v30+s2+$0x0] =	vst.idx.add.f32.msk $0xffff, v22;
	v22 =	vshll.u32 v29, $0x7  }
0x32c: {  	v30 =	vor.u32 v2, v22;
	[tilespmem:v26+s2+$0x0] =	vst.idx.add.f32.msk $0xffff, v27  }
0x32d: {  	v26 =	vld [tilespmem:s3+$0x20]  }
0x32e: {  	v54 =	vld [tilespmem:s0+$0x70];
	v31 =	vmul.f32 v31, v17  }
0x32f: {  	v35 =	vmul.f32 v35, v18;
	v29 =	vld [tilespmem:s3+$0xFFFFFF10];
	v27 =	vor.u32 v6, v21  }
0x330: {  	[tilespmem:v28+s2+$0x0] =	vst.idx.add.f32.msk $0xffff, v31  }
0x331: {  	[tilespmem:v30+s2+$0x0] =	vst.idx.add.f32.msk $0xffff, v35  }
0x332: {  	v53 =	vor.u32 v5, v20;
	v30 =	vld [tilespmem:s3+$0xFFFFFF90];
	v26 =	vmul.f32 v26, v16  }
0x333: {  	v31 =	vld [tilespmem:s3+$0xA0]  }
0x334: {  	v56 =	vor.u32 v5, v22;
	[tilespmem:v27+s2+$0x0] =	vst.idx.add.f32.msk $0xffff, v26  }
0x335: {  	v29 =	vmul.f32 v29, v15;
	v27 =	vor.u32 v6, v19;
	v26 =	vld [tilespmem:s3+$0x30]  }
0x336: {  	v52 =	vld [tilespmem:s0+$0xFFFFFF70]  }
0x337: {  	v55 =	vor.u32 v7, v21;
	[tilespmem:v53+s2+$0x0] =	vst.idx.add.f32.msk $0xffff, v29;
	v30 =	vmul.f32 v30, v18  }
0x338: {  	v29 =	vld [tilespmem:s3+$0xFFFFFF20];
	v31 =	vmul.f32 v31, v17  }
0x339: {  	[tilespmem:v56+s2+$0x0] =	vst.idx.add.f32.msk $0xffff, v30  }
0x33a: {  	[tilespmem:v27+s2+$0x0] =	vst.idx.add.f32.msk $0xffff, v31;
	v26 =	vmul.f32 v26, v16  }
0x33b: {  	v27 =	vor.u32 v6, v20;
	v31 =	vld [tilespmem:s3+$0xB0]  }
0x33c: {  	[tilespmem:v55+s2+$0x0] =	vst.idx.add.f32.msk $0xffff, v26  }
0x33d: {  	v57 =	vor.u32 v7, v19;
	v26 =	vld [tilespmem:s3+$0x40]  }
0x33e: {  	v29 =	vmul.f32 v29, v15;
	v30 =	vld [tilespmem:s3+$0xFFFFFFA0]  }
0x33f: {  	v58 =	vor.u32 v8, v21;
	v28 =	vld [tilespmem:s0+$0xFFFFFFD0]  }
0x340: {  	[tilespmem:v27+s2+$0x0] =	vst.idx.add.f32.msk $0xffff, v29;
	v27 =	vmul.f32 v31, v17;
	v31 =	vor.u32 v6, v22  }
0x341: {  	v29 =	vld [tilespmem:s3+$0xFFFFFF30]  }
0x342: {  	[tilespmem:v57+s2+$0x0] =	vst.idx.add.f32.msk $0xffff, v27;
	v26 =	vmul.f32 v26, v16  }
0x343: {  	v30 =	vmul.f32 v30, v18;
	v27 =	vor.u32 v7, v20;
	v35 =	vld [tilespmem:s3+$0xC0]  }
0x344: {  	[tilespmem:v58+s2+$0x0] =	vst.idx.add.f32.msk $0xffff, v26  }
0x345: {  	[tilespmem:v31+s2+$0x0] =	vst.idx.add.f32.msk $0xffff, v30;
	v30 =	vor.u32 v9, v14  }
0x346: {  	v29 =	vmul.f32 v29, v15;
	v26 =	vld [tilespmem:s3+$0x50]  }
0x347: {  	v59 =	vor.u32 v8, v19;
	v31 =	vld [tilespmem:s3+$0xFFFFFFB0]  }
0x348: {  	v28 =	vmul.f32 v28, v13;
	[tilespmem:v27+s2+$0x0] =	vst.idx.add.f32.msk $0xffff, v29  }
0x349: {  	v27 =	vor.u32 v9, v21;
	v60 =	vld [tilespmem:s3+$0xFFFFFF40]  }
0x34a: {  	v61 =	vor.u32 v7, v22;
	v29 =	vmul.f32 v35, v17;
	[tilespmem:v30+s2+$0x0] =	vst.idx.add.f32.msk $0xffff, v28  }
0x34b: {  	v30 =	vld [tilespmem:s0+$0xFFFFFFE0]  }
0x34c: {  	[tilespmem:v59+s2+$0x0] =	vst.idx.add.f32.msk $0xffff, v29;
	v28 =	vor.u32 v8, v20;
	v26 =	vmul.f32 v26, v16  }
0x34d: {  	v29 =	vmul.f32 v31, v18;
	v31 =	vld [tilespmem:s3+$0xD0]  }
0x34e: {  	v62 =	vor.u32 v10, v14;
	[tilespmem:v27+s2+$0x0] =	vst.idx.add.f32.msk $0xffff, v26  }
0x34f: {  	v27 =	vmul.f32 v60, v15;
	[tilespmem:v61+s2+$0x0] =	vst.idx.add.f32.msk $0xffff, v29  }
0x350: {  	v29 =	vld [tilespmem:s3+$0x60];
	v63 =	vmul.f32 v30, v13;
	v30 =	vor.u32 v9, v19  }
0x351: {  	[tilespmem:v28+s2+$0x0] =	vst.idx.add.f32.msk $0xffff, v27  }
0x352: {  	v24 =	vmul.f32 v52, v24;
	v26 =	vor.u32 v10, v21;
	v27 =	vmul.f32 v54, v23;
	v28 =	vld [tilespmem:s3+$0xFFFFFF50]  }
0x353: {  	s11 =	simm.s32 $0x4;
	v23 =	vor.u32 v11, v25;
	v31 =	vmul.f32 v31, v17;
	[tilespmem:v62+s2+$0x0] =	vst.idx.add.f32.msk $0xffff, v63  }
.LBB2_14:
0x354: {  	s7 =	sadd.s32 s11, s30;
	s11 =	sadd.s32 $0x4, s11;
	v25 =	vld [tilespmem:s0+$0xFFFFFFF0];
	v32 =	vor.u32 v11, v12;
	v12 =	vmov v21;
	s0 =	smov.u32 s3  }
0x355: {  	s8 =	sadd.s32 $0x4, s7;
	s9 =	sadd.s32 $0x5, s7;
	s10 =	sadd.s32 $0x6, s7;
	v21 =	vmul.f32 v29, v16;
	[tilespmem:v30+s2+$0x0] =	vst.idx.add.f32.msk $0xffff, v31;
	v29 =	vor.u32 v11, v14;
	v14 =	vmov v22  }
0x356: {  	s7 =	sadd.s32 $0x7, s7;
	p1 =	slt.u32 s11, $0xC;
	v22 =	vmov s8;
	v30 =	vmov s9;
	v31 =	vmov s10;
	v33 =	vld [tilespmem:s3+$0xE0]  }
0x357: {  	v22 =	vand.u32 $0xFFFFFFFC, v22;
	v30 =	vand.u32 $0xFFFFFFFD, v30;
	v31 =	vand.u32 $0xFFFFFFFE, v31;
	v34 =	vld [tilespmem:s3+$0xFFFFFFC0]  }
0x358: {  	v35 =	vmov s7;
	v22 =	vbroadcast v22, $0x0;
	[tilespmem:v23+s2+$0x0] =	vst.idx.add.f32.msk $0xffff, v24  }
0x359: {  	v24 =	vbroadcast v30, $0x0;
	[tilespmem:v26+s2+$0x0] =	vst.idx.add.f32.msk $0xffff, v21;
	v21 =	vmul.f32 v25, v13;
	v13 =	vmov v18  }
0x35a: {  	v28 =	vmul.f32 v28, v15;
	v23 =	vbroadcast v31, $0x0;
	[tilespmem:v32+s2+$0x0] =	vst.idx.add.f32.msk $0xffff, v27  }
0x35b: {  	s3 =	sadd.s32 $0x200, s3;
	v25 =	vmul.f32 v33, v17;
	[tilespmem:v29+s2+$0x0] =	vst.idx.add.f32.msk $0xffff, v21  }
0x35c: {  	v21 =	vld [tilespmem:s3+$0x80];
	v26 =	vmul.f32 v34, v13  }
0x35d: {  	v27 =	vld.idx.msk [tilespmem:v35+s17+$0x0], $0xffff  }
0x35e: {  	v29 =	vld.idx.msk [tilespmem:v22+s19+$0x0], $0xffff  }
0x35f: {  	v30 =	vld.idx.msk [tilespmem:v35+s19+$0x0], $0xffff  }
0x360: {  	v31 =	vld.idx.msk [tilespmem:v23+s17+$0x0], $0xffff  }
0x361: {  	v32 =	vor.u32 v8, v14;
	v18 =	vld.idx.msk [tilespmem:v24+s19+$0x0], $0xffff  }
0x362: {  	v23 =	vld.idx.msk [tilespmem:v23+s19+$0x0], $0xffff  }
0x363: {  	v34 =	vor.u32 v10, v19;
	v27 =	vshll.u32 v27, $0x7;
	v33 =	vld [tilespmem:s3+$0xFFFFFF00]  }
0x364: {  	v35 =	vld [tilespmem:s3+$0xFFFFFF80]  }
0x365: {  	v38 =	vor.u32 v2, v27;
	v37 =	vmul.f32 v21, v30;
	v36 =	vld [tilespmem:s3+$0x0]  }
0x366: {  	v21 =	vshll.u32 v31, $0x7;
	[tilespmem:v32+s2+$0x0] =	vst.idx.add.f32.msk $0xffff, v26  }
0x367: {  	v31 =	vor.u32 v2, v21;
	v26 =	vor.u32 v10, v21;
	v22 =	vld.idx.msk [tilespmem:v22+s17+$0x0], $0xffff  }
0x368: {  	v32 =	vmul.f32 v33, v29;
	[tilespmem:v34+s2+$0x0] =	vst.idx.add.f32.msk $0xffff, v25  }
0x369: {  	v34 =	vor.u32 v9, v20;
	v33 =	vmul.f32 v35, v18;
	v35 =	vld [tilespmem:s0+$0xF0]  }
0x36a: {  	v25 =	vmul.f32 v36, v23;
	[tilespmem:v38+s2+$0x0] =	vst.idx.add.f32.msk $0xffff, v37  }
0x36b: {  	v37 =	vor.u32 v11, v19;
	v19 =	vmov v27;
	v36 =	vld [tilespmem:s3+$0x90]  }
0x36c: {  	[tilespmem:v31+s2+$0x0] =	vst.idx.add.f32.msk $0xffff, v25  }
0x36d: {  	v27 =	vor.u32 v5, v19;
	v25 =	vshll.u32 v22, $0x7;
	v22 =	vld [tilespmem:s3+$0x10]  }
0x36e: {  	v31 =	vor.u32 v2, v25;
	[tilespmem:v34+s2+$0x0] =	vst.idx.add.f32.msk $0xffff, v28;
	v28 =	vmul.f32 v35, v17;
	v17 =	vmov v30  }
0x36f: {  	v30 =	vor.u32 v5, v21;
	v34 =	vld [tilespmem:s0+$0xFFFFFF60]  }
0x370: {  	v35 =	vmul.f32 v36, v17;
	[tilespmem:v37+s2+$0x0] =	vst.idx.add.f32.msk $0xffff, v28  }
0x371: {  	v28 =	vor.u32 v10, v20;
	v24 =	vld.idx.msk [tilespmem:v24+s17+$0x0], $0xffff  }
0x372: {  	v22 =	vmul.f32 v22, v23;
	[tilespmem:v27+s2+$0x0] =	vst.idx.add.f32.msk $0xffff, v35  }
0x373: {  	[tilespmem:v31+s2+$0x0] =	vst.idx.add.f32.msk $0xffff, v32  }
0x374: {  	[tilespmem:v30+s2+$0x0] =	vst.idx.add.f32.msk $0xffff, v22;
	v22 =	vmul.f32 v34, v15  }
0x375: {  	v27 =	vld [tilespmem:s3+$0x20]  }
0x376: {  	[tilespmem:v28+s2+$0x0] =	vst.idx.add.f32.msk $0xffff, v22  }
0x377: {  	v22 =	vshll.u32 v24, $0x7;
	v24 =	vor.u32 v6, v21;
	v28 =	vld [tilespmem:s0+$0xFFFFFFD0]  }
0x378: {  	v31 =	vor.u32 v2, v22;
	v30 =	vld [tilespmem:s3+$0xFFFFFF10]  }
0x379: {  	v32 =	vld [tilespmem:s3+$0xA0]  }
0x37a: {  	v27 =	vmul.f32 v27, v23;
	v34 =	vld [tilespmem:s0+$0xFFFFFF70]  }
0x37b: {  	v35 =	vor.u32 v5, v25;
	v36 =	vld [tilespmem:s0+$0x70]  }
0x37c: {  	[tilespmem:v24+s2+$0x0] =	vst.idx.add.f32.msk $0xffff, v27;
	v27 =	vmul.f32 v28, v13  }
0x37d: {  	v37 =	vor.u32 v6, v19;
	v28 =	vmul.f32 v30, v29;
	v30 =	vld [tilespmem:s3+$0x30]  }
0x37e: {  	[tilespmem:v31+s2+$0x0] =	vst.idx.add.f32.msk $0xffff, v33;
	v31 =	vmul.f32 v32, v17  }
0x37f: {  	v33 =	vor.u32 v7, v21;
	v32 =	vld [tilespmem:s3+$0xFFFFFF90];
	v24 =	vmul.f32 v34, v15;
	v15 =	vmov v29  }
0x380: {  	[tilespmem:v35+s2+$0x0] =	vst.idx.add.f32.msk $0xffff, v28  }
0x381: {  	v29 =	vor.u32 v5, v22;
	v28 =	vld [tilespmem:s3+$0xFFFFFF20]  }
0x382: {  	v30 =	vmul.f32 v30, v23;
	[tilespmem:v37+s2+$0x0] =	vst.idx.add.f32.msk $0xffff, v31  }
0x383: {  	v31 =	vor.u32 v6, v25;
	v34 =	vld [tilespmem:s3+$0xB0]  }
0x384: {  	v32 =	vmul.f32 v32, v18;
	[tilespmem:v33+s2+$0x0] =	vst.idx.add.f32.msk $0xffff, v30  }
0x385: {  	v33 =	vor.u32 v7, v19;
	v30 =	vld [tilespmem:s3+$0x40]  }
0x386: {  	v28 =	vmul.f32 v28, v15;
	[tilespmem:v29+s2+$0x0] =	vst.idx.add.f32.msk $0xffff, v32  }
0x387: {  	v32 =	vor.u32 v8, v21;
	v29 =	vld [tilespmem:s3+$0xFFFFFFA0]  }
0x388: {  	[tilespmem:v31+s2+$0x0] =	vst.idx.add.f32.msk $0xffff, v28;
	v28 =	vmul.f32 v34, v17  }
0x389: {  	v34 =	vor.u32 v6, v22;
	v31 =	vld [tilespmem:s3+$0xFFFFFF30]  }
0x38a: {  	v30 =	vmul.f32 v30, v23;
	[tilespmem:v33+s2+$0x0] =	vst.idx.add.f32.msk $0xffff, v28  }
0x38b: {  	v28 =	vor.u32 v7, v25;
	v33 =	vld [tilespmem:s3+$0xC0]  }
0x38c: {  	v29 =	vmul.f32 v29, v18;
	[tilespmem:v32+s2+$0x0] =	vst.idx.add.f32.msk $0xffff, v30  }
0x38d: {  	v32 =	vor.u32 v8, v19;
	v30 =	vld [tilespmem:s3+$0x50]  }
0x38e: {  	v31 =	vmul.f32 v31, v15;
	[tilespmem:v34+s2+$0x0] =	vst.idx.add.f32.msk $0xffff, v29;
	v29 =	vor.u32 v9, v14  }
0x38f: {  	v34 =	vld [tilespmem:s3+$0xFFFFFFB0]  }
0x390: {  	[tilespmem:v28+s2+$0x0] =	vst.idx.add.f32.msk $0xffff, v31;
	v28 =	vor.u32 v9, v21;
	v31 =	vmul.f32 v33, v17  }
0x391: {  	v33 =	vld [tilespmem:s3+$0xFFFFFF40]  }
0x392: {  	v35 =	vor.u32 v7, v22;
	v30 =	vmul.f32 v30, v23;
	[tilespmem:v32+s2+$0x0] =	vst.idx.add.f32.msk $0xffff, v31  }
0x393: {  	[tilespmem:v29+s2+$0x0] =	vst.idx.add.f32.msk $0xffff, v27  }
0x394: {  	v27 =	vor.u32 v8, v25;
	v29 =	vmul.f32 v34, v18;
	v31 =	vld [tilespmem:s0+$0xFFFFFFE0]  }
0x395: {  	[tilespmem:v28+s2+$0x0] =	vst.idx.add.f32.msk $0xffff, v30  }
0x396: {  	v28 =	vmul.f32 v33, v15;
	v32 =	vld [tilespmem:s3+$0xD0];
	v33 =	vor.u32 v10, v14  }
.Ltmp14:
0x397: {  	[tilespmem:v35+s2+$0x0] =	vst.idx.add.f32.msk $0xffff, v29;
	(pc) =	sbr.rel @p1 .LBB2_14-.Ltmp14, $4  }
0x398: {  	v30 =	vor.u32 v9, v19;
	v29 =	vld [tilespmem:s3+$0x60]  }
0x399: {  	[tilespmem:v27+s2+$0x0] =	vst.idx.add.f32.msk $0xffff, v28;
	v34 =	vmul.f32 v31, v13  }
0x39a: {  	v27 =	vmul.f32 v36, v16;
	v16 =	vmov v23;
	v28 =	vld [tilespmem:s3+$0xFFFFFF50]  }
0x39b: {  	v23 =	vor.u32 v11, v20;
	v20 =	vmov v25;
	v31 =	vmul.f32 v32, v17;
	[tilespmem:v33+s2+$0x0] =	vst.idx.add.f32.msk $0xffff, v34  }
0x39c: {  	v25 =	vld [tilespmem:s3+$0xFFFFFFC0];
	_ =	sdelay $0x1  }
0x39d: {  	v32 =	vor.u32 v8, v22;
	_ =	sdelay $0x2  }
0x39e: {  	v25 =	vmul.f32 v25, v18;
	_ =	sdelay $0x1  }
0x39f: {  	[tilespmem:v32+s2+$0x0] =	vst.idx.add.f32.msk $0xffff, v25  }
0x3a0: {  	v47 =	vor.u32 v9, v20;
	v32 =	vld [tilespmem:s3+$0xFFFFFFD0];
	_ =	sdelay $0x1  }
0x3a1: {  	v48 =	vor.u32 v9, v22;
	v52 =	vld [tilespmem:s0+$0xFFFFFFF0]  }
0x3a2: {  	[tilespmem:v30+s2+$0x0] =	vst.idx.add.f32.msk $0xffff, v31;
	v28 =	vmul.f32 v28, v15  }
0x3a3: {  	v31 =	vld [tilespmem:s3+$0xE0]  }
0x3a4: {  	[tilespmem:v47+s2+$0x0] =	vst.idx.add.f32.msk $0xffff, v28;
	v32 =	vmul.f32 v32, v18  }
0x3a5: {  	v49 =	vor.u32 v10, v19;
	v28 =	vld [tilespmem:s3+$0xFFFFFF60]  }
0x3a6: {  	v29 =	vmul.f32 v29, v16;
	[tilespmem:v48+s2+$0x0] =	vst.idx.add.f32.msk $0xffff, v32  }
0x3a7: {  	v50 =	vor.u32 v10, v20;
	v30 =	vld [tilespmem:s3+$0xFFFFFFE0]  }
0x3a8: {  	[tilespmem:v26+s2+$0x0] =	vst.idx.add.f32.msk $0xffff, v29;
	v51 =	vmul.f32 v31, v17  }
0x3a9: {  	v54 =	vor.u32 v10, v22;
	v56 =	vld [tilespmem:s3+$0x70]  }
0x3aa: {  	[tilespmem:v49+s2+$0x0] =	vst.idx.add.f32.msk $0xffff, v51;
	v53 =	vmul.f32 v28, v15  }
0x3ab: {  	v29 =	vld [tilespmem:s3+$0xF0]  }
0x3ac: {  	v12 =	vor.u32 v11, v12;
	[tilespmem:v50+s2+$0x0] =	vst.idx.add.f32.msk $0xffff, v53;
	v55 =	vmul.f32 v30, v18  }
0x3ad: {  	v14 =	vor.u32 v11, v14;
	v25 =	vld [tilespmem:s3+$0xFFFFFF70]  }
0x3ae: {  	v21 =	vor.u32 v11, v21;
	[tilespmem:v54+s2+$0x0] =	vst.idx.add.f32.msk $0xffff, v55  }
0x3af: {  	v57 =	vor.u32 v11, v19;
	v26 =	vld [tilespmem:s3+$0xFFFFFFF0]  }
0x3b0: {  	v58 =	vor.u32 v11, v20;
	[tilespmem:v23+s2+$0x0] =	vst.idx.add.f32.msk $0xffff, v24;
	v13 =	vmul.f32 v52, v13  }
0x3b1: {  	v60 =	vor.u32 v11, v22;
	[tilespmem:v12+s2+$0x0] =	vst.idx.add.f32.msk $0xffff, v27;
	v62 =	vmul.f32 v56, v16  }
.Ltmp15:
0x3b2: {  	[tilespmem:v14+s2+$0x0] =	vst.idx.add.f32.msk $0xffff, v13;
	v59 =	vmul.f32 v29, v17;
	(pc) =	sbr.rel .LBB2_23-.Ltmp15, $4  }
0x3b3: {  	[tilespmem:v21+s2+$0x0] =	vst.idx.add.f32.msk $0xffff, v62;
	v61 =	vmul.f32 v25, v15  }
0x3b4: {  	[tilespmem:v57+s2+$0x0] =	vst.idx.add.f32.msk $0xffff, v59;
	v63 =	vmul.f32 v26, v18  }
0x3b5: {  	[tilespmem:v58+s2+$0x0] =	vst.idx.add.f32.msk $0xffff, v61  }
0x3b6: {  	[tilespmem:v60+s2+$0x0] =	vst.idx.add.f32.msk $0xffff, v63  }
.LBB2_20:
0x3b7: {  	s0 =	sshra.s32 @!p1 s0, $0x2;
	v12 =	vbroadcast v12, $0x0  }
0x3b8: {  	s7 =	simm.s32 @!p1 $0x10;
	s8 =	simm.s32 @!p1 $0x19880;
	s0 =	sadd.s32 @!p1 $0x16180, s0  }
0x3b9: {  	[tilespmem:s8], [sflag:$0x4] =	stream.indirect.gather @!p1 [hbm4b:s4+s7], $0x80, s0, s7, $0xb8;
	[tilespmem:$0x1A900] =	vst v63  }
0x3ba: {  	_ =	swait.ge [sflag:s25], $0x800  }
0x3bb: {  	[sflag:s25] =	ssyncset.done $0x0  }
0x3bc: {  	s10 =	sadd.s32 $0x7, s3;
	[sflag:s25] =	ssyncadd.s32 $0xFFFFF800  }
0x3bd: {  	v13 =	vmov s10;
	v14 =	vld.idx.msk [tilespmem:v12+s17+$0x0], $0xffff  }
0x3be: {  	s11 =	sadd.s32 $0x4, s3  }
0x3bf: {  	v15 =	vmov s11  }
0x3c0: {  	s0 =	simm.s32 $0x1A180;
	v15 =	vand.u32 $0xFFFFFFFC, v15;
	v23 =	vld.idx.msk [tilespmem:v12+s19+$0x0], $0xffff  }
0x3c1: {  	v15 =	vbroadcast v15, $0x0;
	v16 =	vld [tilespmem:s0+$0x0]  }
0x3c2: {  	v17 =	vld.idx.msk [tilespmem:v13+s17+$0x0], $0xffff;
	v12 =	vshll.u32 v14, $0x7  }
0x3c3: {  	v14 =	vor.u32 v2, v12;
	_ =	sdelay $0x1  }
0x3c4: {  	v18 =	vld [tilespmem:s0+$0x80]  }
0x3c5: {  	s7 =	sadd.s32 $0x5, s3;
	v22 =	vld.idx.msk [tilespmem:v13+s19+$0x0], $0xffff;
	v13 =	vmul.f32 v16, v23  }
0x3c6: {  	v16 =	vmov s7;
	v20 =	vshll.u32 v17, $0x7;
	v17 =	vld.idx.msk [tilespmem:v15+s17+$0x0], $0xffff  }
0x3c7: {  	v16 =	vand.u32 $0xFFFFFFFD, v16;
	v19 =	vor.u32 v2, v20;
	[tilespmem:v14+s2+$0x0] =	vst.idx.add.f32.msk $0xffff, v13  }
0x3c8: {  	v13 =	vbroadcast v16, $0x0;
	v14 =	vld [tilespmem:s0+$0x10];
	_ =	sdelay $0x1  }
0x3c9: {  	v24 =	vld.idx.msk [tilespmem:v15+s19+$0x0], $0xffff;
	v15 =	vmul.f32 v18, v22;
	v16 =	vor.u32 v5, v12  }
0x3ca: {  	v18 =	vld [tilespmem:s0+$0xFFFFFF00]  }
0x3cb: {  	[tilespmem:v19+s2+$0x0] =	vst.idx.add.f32.msk $0xffff, v15  }
0x3cc: {  	v25 =	vshll.u32 v17, $0x7;
	v15 =	vld [tilespmem:s0+$0x90];
	v14 =	vmul.f32 v14, v23  }
0x3cd: {  	v17 =	vor.u32 v2, v25;
	v19 =	vld.idx.msk [tilespmem:v13+s17+$0x0], $0xffff  }
0x3ce: {  	[tilespmem:v16+s2+$0x0] =	vst.idx.add.f32.msk $0xffff, v14  }
0x3cf: {  	v16 =	vor.u32 v5, v20;
	v21 =	vld [tilespmem:s0+$0x20]  }
0x3d0: {  	v13 =	vld.idx.msk [tilespmem:v13+s19+$0x0], $0xffff;
	v14 =	vmul.f32 v18, v24  }
0x3d1: {  	v26 =	vor.u32 v6, v12;
	v18 =	vld [tilespmem:s0+$0xFFFFFF80]  }
0x3d2: {  	v15 =	vmul.f32 v15, v22;
	[tilespmem:v17+s2+$0x0] =	vst.idx.add.f32.msk $0xffff, v14;
	v14 =	vshll.u32 v19, $0x7  }
0x3d3: {  	v17 =	vld [tilespmem:s0+$0xFFFFFF10];
	v19 =	vor.u32 v2, v14  }
0x3d4: {  	[tilespmem:v16+s2+$0x0] =	vst.idx.add.f32.msk $0xffff, v15;
	v15 =	vmul.f32 v21, v23  }
0x3d5: {  	v16 =	vld [tilespmem:s0+$0xA0];
	v21 =	vor.u32 v5, v25  }
0x3d6: {  	v18 =	vmul.f32 v18, v13;
	[tilespmem:v26+s2+$0x0] =	vst.idx.add.f32.msk $0xffff, v15  }
0x3d7: {  	v26 =	vor.u32 v6, v20;
	v15 =	vld [tilespmem:s0+$0x30]  }
0x3d8: {  	v17 =	vmul.f32 v17, v24;
	[tilespmem:v19+s2+$0x0] =	vst.idx.add.f32.msk $0xffff, v18  }
0x3d9: {  	v19 =	vor.u32 v7, v12;
	v18 =	vld [tilespmem:s0+$0xFFFFFF90]  }
0x3da: {  	v16 =	vmul.f32 v16, v22;
	[tilespmem:v21+s2+$0x0] =	vst.idx.add.f32.msk $0xffff, v17  }
0x3db: {  	v21 =	vor.u32 v5, v14;
	v17 =	vld [tilespmem:s0+$0xFFFFFF20]  }
0x3dc: {  	[tilespmem:v26+s2+$0x0] =	vst.idx.add.f32.msk $0xffff, v16;
	v15 =	vmul.f32 v15, v23  }
0x3dd: {  	v16 =	vor.u32 v6, v25;
	v26 =	vld [tilespmem:s0+$0xB0]  }
0x3de: {  	v18 =	vmul.f32 v18, v13;
	[tilespmem:v19+s2+$0x0] =	vst.idx.add.f32.msk $0xffff, v15  }
0x3df: {  	v19 =	vor.u32 v7, v20;
	v15 =	vld [tilespmem:s0+$0x40]  }
0x3e0: {  	v17 =	vmul.f32 v17, v24;
	[tilespmem:v21+s2+$0x0] =	vst.idx.add.f32.msk $0xffff, v18  }
0x3e1: {  	v21 =	vor.u32 v8, v12;
	v18 =	vld [tilespmem:s0+$0xFFFFFFA0]  }
0x3e2: {  	[tilespmem:v16+s2+$0x0] =	vst.idx.add.f32.msk $0xffff, v17;
	v16 =	vmul.f32 v26, v22  }
0x3e3: {  	v26 =	vor.u32 v6, v14;
	v17 =	vld [tilespmem:s0+$0xFFFFFF30]  }
0x3e4: {  	[tilespmem:v19+s2+$0x0] =	vst.idx.add.f32.msk $0xffff, v16;
	v15 =	vmul.f32 v15, v23  }
0x3e5: {  	v16 =	vor.u32 v7, v25;
	v19 =	vld [tilespmem:s0+$0xC0]  }
0x3e6: {  	v18 =	vmul.f32 v18, v13;
	[tilespmem:v21+s2+$0x0] =	vst.idx.add.f32.msk $0xffff, v15  }
0x3e7: {  	v15 =	vld [tilespmem:s0+$0x50]  }
0x3e8: {  	v21 =	vor.u32 v8, v20;
	v17 =	vmul.f32 v17, v24;
	[tilespmem:v26+s2+$0x0] =	vst.idx.add.f32.msk $0xffff, v18  }
0x3e9: {  	v18 =	vld [tilespmem:s0+$0xFFFFFFB0]  }
0x3ea: {  	[tilespmem:v16+s2+$0x0] =	vst.idx.add.f32.msk $0xffff, v17;
	v16 =	vor.u32 v9, v12  }
0x3eb: {  	v17 =	vmul.f32 v19, v22;
	v19 =	vld [tilespmem:s0+$0xFFFFFF40]  }
0x3ec: {  	v26 =	vor.u32 v7, v14  }
0x3ed: {  	[tilespmem:v21+s2+$0x0] =	vst.idx.add.f32.msk $0xffff, v17;
	v15 =	vmul.f32 v15, v23  }
0x3ee: {  	v17 =	vor.u32 v8, v25;
	v21 =	vld [tilespmem:s0+$0xD0]  }
0x3ef: {  	v18 =	vmul.f32 v18, v13;
	[tilespmem:v16+s2+$0x0] =	vst.idx.add.f32.msk $0xffff, v15  }
0x3f0: {  	v15 =	vor.u32 v9, v20;
	v16 =	vmul.f32 v19, v24;
	v19 =	vld [tilespmem:s0+$0x60]  }
0x3f1: {  	s8 =	sadd.s32 $0x0, s30;
	[tilespmem:v26+s2+$0x0] =	vst.idx.add.f32.msk $0xffff, v18  }
0x3f2: {  	s9 =	sadd.s32 $0x4, s8;
	v28 =	vld [tilespmem:s0+$0xFFFFFFC0]  }
0x3f3: {  	[tilespmem:v17+s2+$0x0] =	vst.idx.add.f32.msk $0xffff, v16;
	v16 =	vmul.f32 v21, v22;
	v17 =	vmov s9  }
0x3f4: {  	s10 =	sadd.s32 $0x6, s8;
	s11 =	sadd.s32 $0x7, s8;
	v33 =	vor.u32 v8, v14;
	v18 =	vor.u32 v10, v12;
	v26 =	vld [tilespmem:s0+$0xFFFFFF50];
	v17 =	vand.u32 $0xFFFFFFFC, v17  }
0x3f5: {  	s3 =	sadd.s32 $0x5, s8;
	[tilespmem:v15+s2+$0x0] =	vst.idx.add.f32.msk $0xffff, v16;
	v15 =	vmov s10;
	v27 =	vbroadcast v17, $0x0;
	v16 =	vmov s11  }
0x3f6: {  	v17 =	vmul.f32 v19, v23;
	v19 =	vmov s3;
	v21 =	vld [tilespmem:s0+$0xE0];
	v15 =	vand.u32 $0xFFFFFFFE, v15;
	s3 =	simm.s32 $0x1A380  }
0x3f7: {  	v29 =	vbroadcast v15, $0x0;
	v31 =	vld [tilespmem:s3+$0x80]  }
0x3f8: {  	v28 =	vmul.f32 v28, v13;
	v36 =	vld [tilespmem:s3+$0x0]  }
0x3f9: {  	[tilespmem:v18+s2+$0x0] =	vst.idx.add.f32.msk $0xffff, v17  }
0x3fa: {  	v34 =	vor.u32 v10, v20;
	v19 =	vand.u32 $0xFFFFFFFD, v19;
	[tilespmem:v33+s2+$0x0] =	vst.idx.add.f32.msk $0xffff, v28  }
0x3fb: {  	v30 =	vbroadcast v19, $0x0;
	v19 =	vld.idx.msk [tilespmem:v16+s17+$0x0], $0xffff  }
0x3fc: {  	v17 =	vld.idx.msk [tilespmem:v16+s19+$0x0], $0xffff  }
0x3fd: {  	v38 =	vmul.f32 v21, v22;
	v32 =	vld.idx.msk [tilespmem:v29+s17+$0x0], $0xffff  }
0x3fe: {  	v47 =	vor.u32 v9, v25;
	v15 =	vld.idx.msk [tilespmem:v27+s19+$0x0], $0xffff  }
0x3ff: {  	[tilespmem:v34+s2+$0x0] =	vst.idx.add.f32.msk $0xffff, v38  }
0x400: {  	v48 =	vld [tilespmem:s0+$0xF0]  }
0x401: {  	v26 =	vmul.f32 v26, v24;
	v16 =	vld.idx.msk [tilespmem:v29+s19+$0x0], $0xffff  }
0x402: {  	v50 =	vor.u32 v11, v20;
	v27 =	vld.idx.msk [tilespmem:v27+s17+$0x0], $0xffff;
	v21 =	vshll.u32 v32, $0x7  }
0x403: {  	[tilespmem:v47+s2+$0x0] =	vst.idx.add.f32.msk $0xffff, v26;
	v28 =	vor.u32 v2, v21  }
0x404: {  	v29 =	vld [tilespmem:s3+$0xFFFFFF00]  }
0x405: {  	v18 =	vld.idx.msk [tilespmem:v30+s19+$0x0], $0xffff;
	v19 =	vshll.u32 v19, $0x7;
	v22 =	vmul.f32 v48, v22  }
0x406: {  	v37 =	vor.u32 v2, v19;
	v49 =	vmul.f32 v36, v16;
	v32 =	vld [tilespmem:s0+$0xFFFFFF60]  }
0x407: {  	v20 =	vshll.u32 v27, $0x7;
	[tilespmem:v50+s2+$0x0] =	vst.idx.add.f32.msk $0xffff, v22  }
0x408: {  	v51 =	vor.u32 v2, v20;
	[tilespmem:v28+s2+$0x0] =	vst.idx.add.f32.msk $0xffff, v49  }
0x409: {  	v31 =	vmul.f32 v31, v17;
	v27 =	vld [tilespmem:s3+$0x10]  }
0x40a: {  	v22 =	vmul.f32 v29, v15;
	v29 =	vld.idx.msk [tilespmem:v30+s17+$0x0], $0xffff;
	v30 =	vor.u32 v10, v25  }
0x40b: {  	v26 =	vor.u32 v5, v21;
	[tilespmem:v37+s2+$0x0] =	vst.idx.add.f32.msk $0xffff, v31  }
0x40c: {  	v31 =	vld [tilespmem:s3+$0x90]  }
0x40d: {  	[tilespmem:v51+s2+$0x0] =	vst.idx.add.f32.msk $0xffff, v22;
	v22 =	vmul.f32 v32, v24  }
0x40e: {  	v35 =	vld [tilespmem:s3+$0xFFFFFF80];
	v27 =	vmul.f32 v27, v16  }
0x40f: {  	v28 =	vor.u32 v5, v19;
	[tilespmem:v30+s2+$0x0] =	vst.idx.add.f32.msk $0xffff, v22;
	v22 =	vshll.u32 v29, $0x7  }
0x410: {  	v30 =	vor.u32 v2, v22;
	[tilespmem:v26+s2+$0x0] =	vst.idx.add.f32.msk $0xffff, v27  }
0x411: {  	v26 =	vld [tilespmem:s3+$0x20]  }
0x412: {  	v54 =	vld [tilespmem:s0+$0x70];
	v31 =	vmul.f32 v31, v17  }
0x413: {  	v35 =	vmul.f32 v35, v18;
	v29 =	vld [tilespmem:s3+$0xFFFFFF10];
	v27 =	vor.u32 v6, v21  }
0x414: {  	[tilespmem:v28+s2+$0x0] =	vst.idx.add.f32.msk $0xffff, v31  }
0x415: {  	[tilespmem:v30+s2+$0x0] =	vst.idx.add.f32.msk $0xffff, v35  }
0x416: {  	v53 =	vor.u32 v5, v20;
	v30 =	vld [tilespmem:s3+$0xFFFFFF90];
	v26 =	vmul.f32 v26, v16  }
0x417: {  	v31 =	vld [tilespmem:s3+$0xA0]  }
0x418: {  	v56 =	vor.u32 v5, v22;
	[tilespmem:v27+s2+$0x0] =	vst.idx.add.f32.msk $0xffff, v26  }
0x419: {  	v29 =	vmul.f32 v29, v15;
	v27 =	vor.u32 v6, v19;
	v26 =	vld [tilespmem:s3+$0x30]  }
0x41a: {  	v52 =	vld [tilespmem:s0+$0xFFFFFF70]  }
0x41b: {  	v55 =	vor.u32 v7, v21;
	[tilespmem:v53+s2+$0x0] =	vst.idx.add.f32.msk $0xffff, v29;
	v30 =	vmul.f32 v30, v18  }
0x41c: {  	v29 =	vld [tilespmem:s3+$0xFFFFFF20];
	v31 =	vmul.f32 v31, v17  }
0x41d: {  	[tilespmem:v56+s2+$0x0] =	vst.idx.add.f32.msk $0xffff, v30  }
0x41e: {  	[tilespmem:v27+s2+$0x0] =	vst.idx.add.f32.msk $0xffff, v31;
	v26 =	vmul.f32 v26, v16  }
0x41f: {  	v27 =	vor.u32 v6, v20;
	v31 =	vld [tilespmem:s3+$0xB0]  }
0x420: {  	[tilespmem:v55+s2+$0x0] =	vst.idx.add.f32.msk $0xffff, v26  }
0x421: {  	v57 =	vor.u32 v7, v19;
	v26 =	vld [tilespmem:s3+$0x40]  }
0x422: {  	v29 =	vmul.f32 v29, v15;
	v30 =	vld [tilespmem:s3+$0xFFFFFFA0]  }
0x423: {  	v58 =	vor.u32 v8, v21;
	v28 =	vld [tilespmem:s0+$0xFFFFFFD0]  }
0x424: {  	[tilespmem:v27+s2+$0x0] =	vst.idx.add.f32.msk $0xffff, v29;
	v27 =	vmul.f32 v31, v17;
	v31 =	vor.u32 v6, v22  }
0x425: {  	v29 =	vld [tilespmem:s3+$0xFFFFFF30]  }
0x426: {  	[tilespmem:v57+s2+$0x0] =	vst.idx.add.f32.msk $0xffff, v27;
	v26 =	vmul.f32 v26, v16  }
0x427: {  	v30 =	vmul.f32 v30, v18;
	v27 =	vor.u32 v7, v20;
	v35 =	vld [tilespmem:s3+$0xC0]  }
0x428: {  	[tilespmem:v58+s2+$0x0] =	vst.idx.add.f32.msk $0xffff, v26  }
0x429: {  	[tilespmem:v31+s2+$0x0] =	vst.idx.add.f32.msk $0xffff, v30;
	v30 =	vor.u32 v9, v14  }
0x42a: {  	v29 =	vmul.f32 v29, v15;
	v26 =	vld [tilespmem:s3+$0x50]  }
0x42b: {  	v59 =	vor.u32 v8, v19;
	v31 =	vld [tilespmem:s3+$0xFFFFFFB0]  }
0x42c: {  	v28 =	vmul.f32 v28, v13;
	[tilespmem:v27+s2+$0x0] =	vst.idx.add.f32.msk $0xffff, v29  }
0x42d: {  	v27 =	vor.u32 v9, v21;
	v60 =	vld [tilespmem:s3+$0xFFFFFF40]  }
0x42e: {  	v61 =	vor.u32 v7, v22;
	v29 =	vmul.f32 v35, v17;
	[tilespmem:v30+s2+$0x0] =	vst.idx.add.f32.msk $0xffff, v28  }
0x42f: {  	v30 =	vld [tilespmem:s0+$0xFFFFFFE0]  }
0x430: {  	[tilespmem:v59+s2+$0x0] =	vst.idx.add.f32.msk $0xffff, v29;
	v28 =	vor.u32 v8, v20;
	v26 =	vmul.f32 v26, v16  }
0x431: {  	v29 =	vmul.f32 v31, v18;
	v31 =	vld [tilespmem:s3+$0xD0]  }
0x432: {  	v62 =	vor.u32 v10, v14;
	[tilespmem:v27+s2+$0x0] =	vst.idx.add.f32.msk $0xffff, v26  }
0x433: {  	v27 =	vmul.f32 v60, v15;
	[tilespmem:v61+s2+$0x0] =	vst.idx.add.f32.msk $0xffff, v29  }
0x434: {  	v29 =	vld [tilespmem:s3+$0x60];
	v63 =	vmul.f32 v30, v13;
	v30 =	vor.u32 v9, v19  }
0x435: {  	[tilespmem:v28+s2+$0x0] =	vst.idx.add.f32.msk $0xffff, v27  }
0x436: {  	v24 =	vmul.f32 v52, v24;
	v26 =	vor.u32 v10, v21;
	v27 =	vmul.f32 v54, v23;
	v28 =	vld [tilespmem:s3+$0xFFFFFF50]  }
0x437: {  	s11 =	simm.s32 $0x4;
	v23 =	vor.u32 v11, v25;
	v31 =	vmul.f32 v31, v17;
	[tilespmem:v62+s2+$0x0] =	vst.idx.add.f32.msk $0xffff, v63  }
.LBB2_21:
0x438: {  	s7 =	sadd.s32 s11, s30;
	s11 =	sadd.s32 $0x4, s11;
	v25 =	vld [tilespmem:s0+$0xFFFFFFF0];
	v32 =	vor.u32 v11, v12;
	v12 =	vmov v21;
	s0 =	smov.u32 s3  }
0x439: {  	v21 =	vmul.f32 v29, v16;
	v29 =	vor.u32 v11, v14;
	v14 =	vmov v22;
	s8 =	sadd.s32 $0x4, s7;
	s9 =	sadd.s32 $0x5, s7;
	s10 =	sadd.s32 $0x6, s7;
	[tilespmem:v30+s2+$0x0] =	vst.idx.add.f32.msk $0xffff, v31  }
0x43a: {  	s7 =	sadd.s32 $0x7, s7;
	p1 =	slt.u32 s11, $0xC;
	v22 =	vmov s8;
	v30 =	vmov s9;
	v31 =	vmov s10;
	v33 =	vld [tilespmem:s3+$0xE0]  }
0x43b: {  	v22 =	vand.u32 $0xFFFFFFFC, v22;
	v30 =	vand.u32 $0xFFFFFFFD, v30;
	v31 =	vand.u32 $0xFFFFFFFE, v31;
	v34 =	vld [tilespmem:s3+$0xFFFFFFC0]  }
0x43c: {  	v35 =	vmov s7;
	v22 =	vbroadcast v22, $0x0;
	[tilespmem:v23+s2+$0x0] =	vst.idx.add.f32.msk $0xffff, v24  }
0x43d: {  	v24 =	vbroadcast v30, $0x0;
	[tilespmem:v26+s2+$0x0] =	vst.idx.add.f32.msk $0xffff, v21;
	v21 =	vmul.f32 v25, v13;
	v13 =	vmov v18  }
0x43e: {  	v28 =	vmul.f32 v28, v15;
	v23 =	vbroadcast v31, $0x0;
	[tilespmem:v32+s2+$0x0] =	vst.idx.add.f32.msk $0xffff, v27  }
0x43f: {  	s3 =	sadd.s32 $0x200, s3;
	v25 =	vmul.f32 v33, v17;
	[tilespmem:v29+s2+$0x0] =	vst.idx.add.f32.msk $0xffff, v21  }
0x440: {  	v21 =	vld [tilespmem:s3+$0x80];
	v26 =	vmul.f32 v34, v13  }
0x441: {  	v27 =	vld.idx.msk [tilespmem:v35+s17+$0x0], $0xffff  }
0x442: {  	v29 =	vld.idx.msk [tilespmem:v22+s19+$0x0], $0xffff  }
0x443: {  	v30 =	vld.idx.msk [tilespmem:v35+s19+$0x0], $0xffff  }
0x444: {  	v31 =	vld.idx.msk [tilespmem:v23+s17+$0x0], $0xffff  }
0x445: {  	v32 =	vor.u32 v8, v14;
	v18 =	vld.idx.msk [tilespmem:v24+s19+$0x0], $0xffff  }
0x446: {  	v23 =	vld.idx.msk [tilespmem:v23+s19+$0x0], $0xffff  }
0x447: {  	v34 =	vor.u32 v10, v19;
	v27 =	vshll.u32 v27, $0x7;
	v33 =	vld [tilespmem:s3+$0xFFFFFF00]  }
0x448: {  	v35 =	vld [tilespmem:s3+$0xFFFFFF80]  }
0x449: {  	v38 =	vor.u32 v2, v27;
	v37 =	vmul.f32 v21, v30;
	v36 =	vld [tilespmem:s3+$0x0]  }
0x44a: {  	v21 =	vshll.u32 v31, $0x7;
	[tilespmem:v32+s2+$0x0] =	vst.idx.add.f32.msk $0xffff, v26  }
0x44b: {  	v31 =	vor.u32 v2, v21;
	v26 =	vor.u32 v10, v21;
	v22 =	vld.idx.msk [tilespmem:v22+s17+$0x0], $0xffff  }
0x44c: {  	v32 =	vmul.f32 v33, v29;
	[tilespmem:v34+s2+$0x0] =	vst.idx.add.f32.msk $0xffff, v25  }
0x44d: {  	v34 =	vor.u32 v9, v20;
	v33 =	vmul.f32 v35, v18;
	v35 =	vld [tilespmem:s0+$0xF0]  }
0x44e: {  	v25 =	vmul.f32 v36, v23;
	[tilespmem:v38+s2+$0x0] =	vst.idx.add.f32.msk $0xffff, v37  }
0x44f: {  	v37 =	vor.u32 v11, v19;
	v19 =	vmov v27;
	v36 =	vld [tilespmem:s3+$0x90]  }
0x450: {  	[tilespmem:v31+s2+$0x0] =	vst.idx.add.f32.msk $0xffff, v25  }
0x451: {  	v27 =	vor.u32 v5, v19;
	v25 =	vshll.u32 v22, $0x7;
	v22 =	vld [tilespmem:s3+$0x10]  }
0x452: {  	v31 =	vor.u32 v2, v25;
	[tilespmem:v34+s2+$0x0] =	vst.idx.add.f32.msk $0xffff, v28;
	v28 =	vmul.f32 v35, v17;
	v17 =	vmov v30  }
0x453: {  	v30 =	vor.u32 v5, v21;
	v34 =	vld [tilespmem:s0+$0xFFFFFF60]  }
0x454: {  	v35 =	vmul.f32 v36, v17;
	[tilespmem:v37+s2+$0x0] =	vst.idx.add.f32.msk $0xffff, v28  }
0x455: {  	v28 =	vor.u32 v10, v20;
	v24 =	vld.idx.msk [tilespmem:v24+s17+$0x0], $0xffff  }
0x456: {  	v22 =	vmul.f32 v22, v23;
	[tilespmem:v27+s2+$0x0] =	vst.idx.add.f32.msk $0xffff, v35  }
0x457: {  	[tilespmem:v31+s2+$0x0] =	vst.idx.add.f32.msk $0xffff, v32  }
0x458: {  	[tilespmem:v30+s2+$0x0] =	vst.idx.add.f32.msk $0xffff, v22;
	v22 =	vmul.f32 v34, v15  }
0x459: {  	v27 =	vld [tilespmem:s3+$0x20]  }
0x45a: {  	[tilespmem:v28+s2+$0x0] =	vst.idx.add.f32.msk $0xffff, v22  }
0x45b: {  	v22 =	vshll.u32 v24, $0x7;
	v24 =	vor.u32 v6, v21;
	v28 =	vld [tilespmem:s0+$0xFFFFFFD0]  }
0x45c: {  	v31 =	vor.u32 v2, v22;
	v30 =	vld [tilespmem:s3+$0xFFFFFF10]  }
0x45d: {  	v32 =	vld [tilespmem:s3+$0xA0]  }
0x45e: {  	v27 =	vmul.f32 v27, v23;
	v34 =	vld [tilespmem:s0+$0xFFFFFF70]  }
0x45f: {  	v35 =	vor.u32 v5, v25;
	v36 =	vld [tilespmem:s0+$0x70]  }
0x460: {  	[tilespmem:v24+s2+$0x0] =	vst.idx.add.f32.msk $0xffff, v27;
	v27 =	vmul.f32 v28, v13  }
0x461: {  	v37 =	vor.u32 v6, v19;
	v28 =	vmul.f32 v30, v29;
	v30 =	vld [tilespmem:s3+$0x30]  }
0x462: {  	[tilespmem:v31+s2+$0x0] =	vst.idx.add.f32.msk $0xffff, v33;
	v31 =	vmul.f32 v32, v17  }
0x463: {  	v33 =	vor.u32 v7, v21;
	v32 =	vld [tilespmem:s3+$0xFFFFFF90];
	v24 =	vmul.f32 v34, v15;
	v15 =	vmov v29  }
0x464: {  	[tilespmem:v35+s2+$0x0] =	vst.idx.add.f32.msk $0xffff, v28  }
0x465: {  	v29 =	vor.u32 v5, v22;
	v28 =	vld [tilespmem:s3+$0xFFFFFF20]  }
0x466: {  	v30 =	vmul.f32 v30, v23;
	[tilespmem:v37+s2+$0x0] =	vst.idx.add.f32.msk $0xffff, v31  }
0x467: {  	v31 =	vor.u32 v6, v25;
	v34 =	vld [tilespmem:s3+$0xB0]  }
0x468: {  	v32 =	vmul.f32 v32, v18;
	[tilespmem:v33+s2+$0x0] =	vst.idx.add.f32.msk $0xffff, v30  }
0x469: {  	v33 =	vor.u32 v7, v19;
	v30 =	vld [tilespmem:s3+$0x40]  }
0x46a: {  	v28 =	vmul.f32 v28, v15;
	[tilespmem:v29+s2+$0x0] =	vst.idx.add.f32.msk $0xffff, v32  }
0x46b: {  	v32 =	vor.u32 v8, v21;
	v29 =	vld [tilespmem:s3+$0xFFFFFFA0]  }
0x46c: {  	[tilespmem:v31+s2+$0x0] =	vst.idx.add.f32.msk $0xffff, v28;
	v28 =	vmul.f32 v34, v17  }
0x46d: {  	v34 =	vor.u32 v6, v22;
	v31 =	vld [tilespmem:s3+$0xFFFFFF30]  }
0x46e: {  	v30 =	vmul.f32 v30, v23;
	[tilespmem:v33+s2+$0x0] =	vst.idx.add.f32.msk $0xffff, v28  }
0x46f: {  	v28 =	vor.u32 v7, v25;
	v33 =	vld [tilespmem:s3+$0xC0]  }
0x470: {  	v29 =	vmul.f32 v29, v18;
	[tilespmem:v32+s2+$0x0] =	vst.idx.add.f32.msk $0xffff, v30  }
0x471: {  	v32 =	vor.u32 v8, v19;
	v30 =	vld [tilespmem:s3+$0x50]  }
0x472: {  	v31 =	vmul.f32 v31, v15;
	[tilespmem:v34+s2+$0x0] =	vst.idx.add.f32.msk $0xffff, v29;
	v29 =	vor.u32 v9, v14  }
0x473: {  	v34 =	vld [tilespmem:s3+$0xFFFFFFB0]  }
0x474: {  	[tilespmem:v28+s2+$0x0] =	vst.idx.add.f32.msk $0xffff, v31;
	v28 =	vor.u32 v9, v21;
	v31 =	vmul.f32 v33, v17  }
0x475: {  	v33 =	vld [tilespmem:s3+$0xFFFFFF40]  }
0x476: {  	v35 =	vor.u32 v7, v22;
	v30 =	vmul.f32 v30, v23;
	[tilespmem:v32+s2+$0x0] =	vst.idx.add.f32.msk $0xffff, v31  }
0x477: {  	[tilespmem:v29+s2+$0x0] =	vst.idx.add.f32.msk $0xffff, v27  }
0x478: {  	v27 =	vor.u32 v8, v25;
	v29 =	vmul.f32 v34, v18;
	v31 =	vld [tilespmem:s0+$0xFFFFFFE0]  }
0x479: {  	[tilespmem:v28+s2+$0x0] =	vst.idx.add.f32.msk $0xffff, v30  }
0x47a: {  	v28 =	vmul.f32 v33, v15;
	v32 =	vld [tilespmem:s3+$0xD0];
	v33 =	vor.u32 v10, v14  }
.Ltmp16:
0x47b: {  	[tilespmem:v35+s2+$0x0] =	vst.idx.add.f32.msk $0xffff, v29;
	(pc) =	sbr.rel @p1 .LBB2_21-.Ltmp16, $4  }
0x47c: {  	v30 =	vor.u32 v9, v19;
	v29 =	vld [tilespmem:s3+$0x60]  }
0x47d: {  	[tilespmem:v27+s2+$0x0] =	vst.idx.add.f32.msk $0xffff, v28;
	v34 =	vmul.f32 v31, v13  }
0x47e: {  	v27 =	vmul.f32 v36, v16;
	v16 =	vmov v23;
	v28 =	vld [tilespmem:s3+$0xFFFFFF50]  }
0x47f: {  	v23 =	vor.u32 v11, v20;
	v20 =	vmov v25;
	v31 =	vmul.f32 v32, v17;
	[tilespmem:v33+s2+$0x0] =	vst.idx.add.f32.msk $0xffff, v34  }
.Ltmp17:
0x480: {  	_ = 	snop;
	(pc) =	sbr.rel .LBB2_22-.Ltmp17, $1  }
0x481: {  	_ =	sdelay $0x3  }
.LBB2_25:
0x482: {  	s0 =	simm.s32 $0x100;
	v12 =	vld [tilespmem:$0x1A880]  }
0x483: {  	v13 =	vld [tilespmem:s0+$0x80];
	_ =	sdelay $0x3  }
0x484: {  	v14 =	vld [tilespmem:s0+$0xFFFFFF80]  }
0x485: {  	v15 =	vld [tilespmem:s0+$0x0];
	v13 =	vadd.f32 v13, v12  }
0x486: {  	v16 =	vld [tilespmem:s0+$0xFFFFFF00]  }
0x487: {  	v13 =	vmax.f32 v13, $0.0e+00  }
0x488: {  	[tilespmem:s0+$0x80] =	vst v13;
	v13 =	vld [tilespmem:s0+$0x90]  }
0x489: {  	v14 =	vadd.f32 v14, v12;
	v17 =	vld [tilespmem:$0x1A890]  }
0x48a: {  	v18 =	vld [tilespmem:s0+$0xFFFFFF10];
	v15 =	vadd.f32 v15, v12  }
0x48b: {  	v19 =	vld [tilespmem:s0+$0xFFFFFF90];
	v12 =	vadd.f32 v12, v16;
	v14 =	vmax.f32 v14, $0.0e+00  }
0x48c: {  	v16 =	vld [tilespmem:s0+$0x10];
	[tilespmem:s0+$0xFFFFFF80] =	vst v14;
	v14 =	vmax.f32 v15, $0.0e+00  }
0x48d: {  	v12 =	vmax.f32 v12, $0.0e+00;
	v15 =	vld [tilespmem:$0x1A890];
	[tilespmem:s0+$0x0] =	vst v14  }
0x48e: {  	[tilespmem:s0+$0xFFFFFF00] =	vst v12;
	v12 =	vld [tilespmem:$0x1A890];
	v13 =	vadd.f32 v17, v13  }
0x48f: {  	v14 =	vld [tilespmem:$0x1A890]  }
0x490: {  	v13 =	vmax.f32 v13, $0.0e+00  }
0x491: {  	[tilespmem:s0+$0x90] =	vst v13;
	v13 =	vld [tilespmem:s0+$0xA0]  }
0x492: {  	v15 =	vadd.f32 v15, v19;
	v17 =	vld [tilespmem:$0x1A8A0]  }
0x493: {  	v20 =	vld [tilespmem:s0+$0xFFFFFF20];
	v12 =	vadd.f32 v12, v16  }
0x494: {  	v19 =	vld [tilespmem:s0+$0xFFFFFFA0];
	v14 =	vadd.f32 v14, v18;
	v15 =	vmax.f32 v15, $0.0e+00  }
0x495: {  	v16 =	vld [tilespmem:s0+$0x20];
	[tilespmem:s0+$0xFFFFFF90] =	vst v15;
	v12 =	vmax.f32 v12, $0.0e+00  }
0x496: {  	v14 =	vmax.f32 v14, $0.0e+00;
	v15 =	vld [tilespmem:$0x1A8A0];
	[tilespmem:s0+$0x10] =	vst v12  }
0x497: {  	[tilespmem:s0+$0xFFFFFF10] =	vst v14;
	v12 =	vld [tilespmem:$0x1A8A0];
	v13 =	vadd.f32 v17, v13  }
0x498: {  	v14 =	vld [tilespmem:$0x1A8A0]  }
0x499: {  	v13 =	vmax.f32 v13, $0.0e+00  }
0x49a: {  	[tilespmem:s0+$0xA0] =	vst v13;
	v13 =	vld [tilespmem:s0+$0xB0]  }
0x49b: {  	v15 =	vadd.f32 v15, v19;
	v17 =	vld [tilespmem:$0x1A8B0]  }
0x49c: {  	v21 =	vld [tilespmem:s0+$0xFFFFFFB0];
	v12 =	vadd.f32 v12, v16  }
0x49d: {  	v22 =	vld [tilespmem:s0+$0x30];
	v14 =	vadd.f32 v14, v20;
	v15 =	vmax.f32 v15, $0.0e+00  }
0x49e: {  	v18 =	vld [tilespmem:s0+$0xFFFFFF30];
	[tilespmem:s0+$0xFFFFFFA0] =	vst v15;
	v12 =	vmax.f32 v12, $0.0e+00  }
0x49f: {  	v14 =	vmax.f32 v14, $0.0e+00;
	v15 =	vld [tilespmem:$0x1A8B0];
	[tilespmem:s0+$0x20] =	vst v12  }
0x4a0: {  	[tilespmem:s0+$0xFFFFFF20] =	vst v14;
	v12 =	vld [tilespmem:$0x1A8B0];
	v13 =	vadd.f32 v17, v13  }
0x4a1: {  	v14 =	vld [tilespmem:$0x1A8B0]  }
0x4a2: {  	v23 =	vld [tilespmem:s0+$0xFFFFFF50];
	v13 =	vmax.f32 v13, $0.0e+00  }
0x4a3: {  	[tilespmem:s0+$0xB0] =	vst v13;
	v13 =	vld [tilespmem:s0+$0xC0]  }
0x4a4: {  	v15 =	vadd.f32 v15, v21;
	v17 =	vld [tilespmem:$0x1A8C0]  }
0x4a5: {  	v19 =	vld [tilespmem:s0+$0xFFFFFF40];
	v12 =	vadd.f32 v12, v22  }
0x4a6: {  	v20 =	vld [tilespmem:s0+$0x40];
	v14 =	vadd.f32 v14, v18;
	v18 =	vmax.f32 v15, $0.0e+00  }
0x4a7: {  	v16 =	vld [tilespmem:s0+$0xFFFFFFC0];
	[tilespmem:s0+$0xFFFFFFB0] =	vst v18;
	v12 =	vmax.f32 v12, $0.0e+00  }
0x4a8: {  	v14 =	vmax.f32 v14, $0.0e+00;
	v18 =	vld [tilespmem:$0x1A8C0];
	[tilespmem:s0+$0x30] =	vst v12  }
0x4a9: {  	[tilespmem:s0+$0xFFFFFF30] =	vst v14;
	v12 =	vadd.f32 v17, v13;
	v13 =	vld [tilespmem:$0x1A8C0]  }
0x4aa: {  	v14 =	vld [tilespmem:$0x1A8C0]  }
0x4ab: {  	v21 =	vld [tilespmem:s0+$0xFFFFFFD0]  }
0x4ac: {  	v22 =	vld [tilespmem:s0+$0x50];
	v12 =	vmax.f32 v12, $0.0e+00  }
0x4ad: {  	v16 =	vadd.f32 v18, v16;
	[tilespmem:s0+$0xC0] =	vst v12;
	v12 =	vld [tilespmem:s0+$0xD0]  }
0x4ae: {  	v18 =	vld [tilespmem:$0x1A8D0];
	v13 =	vadd.f32 v13, v20  }
0x4af: {  	v15 =	vld [tilespmem:s0+$0xFFFFFF60];
	v14 =	vadd.f32 v14, v19;
	v19 =	vmax.f32 v16, $0.0e+00  }
0x4b0: {  	v17 =	vld [tilespmem:s0+$0xFFFFFFE0];
	[tilespmem:s0+$0xFFFFFFC0] =	vst v19;
	v13 =	vmax.f32 v13, $0.0e+00  }
0x4b1: {  	v14 =	vmax.f32 v14, $0.0e+00;
	v19 =	vld [tilespmem:$0x1A8D0];
	[tilespmem:s0+$0x40] =	vst v13  }
0x4b2: {  	[tilespmem:s0+$0xFFFFFF40] =	vst v14;
	v13 =	vld [tilespmem:$0x1A8D0]  }
0x4b3: {  	v14 =	vld [tilespmem:$0x1A8D0];
	v12 =	vadd.f32 v18, v12  }
0x4b4: {  	v16 =	vld [tilespmem:s0+$0x60]  }
0x4b5: {  	v18 =	vmax.f32 v12, $0.0e+00;
	v12 =	vld [tilespmem:s0+$0xFFFFFF70]  }
0x4b6: {  	[tilespmem:s0+$0xD0] =	vst v18;
	v18 =	vadd.f32 v19, v21;
	v21 =	vld [tilespmem:s0+$0xE0]  }
0x4b7: {  	v13 =	vadd.f32 v13, v22;
	v22 =	vld [tilespmem:$0x1A8E0]  }
0x4b8: {  	v19 =	vadd.f32 v14, v23;
	v14 =	vld [tilespmem:s0+$0xFFFFFFF0];
	v18 =	vmax.f32 v18, $0.0e+00  }
0x4b9: {  	[tilespmem:s0+$0xFFFFFFD0] =	vst v18;
	v20 =	vmax.f32 v13, $0.0e+00;
	v13 =	vld [tilespmem:s0+$0x70]  }
0x4ba: {  	v19 =	vmax.f32 v19, $0.0e+00;
	v18 =	vld [tilespmem:$0x1A8E0];
	[tilespmem:s0+$0x50] =	vst v20  }
0x4bb: {  	[tilespmem:s0+$0xFFFFFF50] =	vst v19;
	v19 =	vld [tilespmem:$0x1A8E0]  }
0x4bc: {  	s11 =	simm.s32 $0x0;
	s3 =	simm.s32 $0x100;
	v20 =	vld [tilespmem:$0x1A8E0];
	v21 =	vadd.f32 v22, v21  }
.LBB2_26:
0x4bd: {  	v22 =	vld [tilespmem:$0x1A880];
	s0 =	sadd.s32 $0x200, s0  }
0x4be: {  	s11 =	sadd.s32 $0x4, s11;
	v23 =	vld [tilespmem:s0+$0x80];
	v21 =	vmax.f32 v21, $0.0e+00  }
0x4bf: {  	p1 =	slt.u32 s11, $0x274;
	v17 =	vadd.f32 v18, v17;
	[tilespmem:s3+$0xE0] =	vst v21;
	v18 =	vld [tilespmem:s3+$0xF0]  }
0x4c0: {  	v16 =	vadd.f32 v19, v16;
	v19 =	vld [tilespmem:$0x1A8F0]  }
0x4c1: {  	v21 =	vld [tilespmem:s0+$0xFFFFFF80];
	v15 =	vadd.f32 v20, v15;
	v17 =	vmax.f32 v17, $0.0e+00  }
0x4c2: {  	v20 =	vld [tilespmem:s0+$0x0];
	[tilespmem:s3+$0xFFFFFFE0] =	vst v17;
	v16 =	vmax.f32 v16, $0.0e+00  }
0x4c3: {  	v17 =	vld [tilespmem:s0+$0xFFFFFF00];
	v23 =	vadd.f32 v23, v22;
	v15 =	vmax.f32 v15, $0.0e+00;
	[tilespmem:s3+$0x60] =	vst v16  }
0x4c4: {  	v16 =	vld [tilespmem:s0+$0xFFFFFF10];
	[tilespmem:s3+$0xFFFFFF60] =	vst v15  }
0x4c5: {  	v15 =	vld [tilespmem:s0+$0xFFFFFF90];
	v23 =	vmax.f32 v23, $0.0e+00;
	v18 =	vadd.f32 v19, v18  }
0x4c6: {  	v19 =	vadd.f32 v21, v22;
	[tilespmem:s0+$0x80] =	vst v23;
	v21 =	vld [tilespmem:s0+$0x90]  }
0x4c7: {  	v20 =	vadd.f32 v20, v22;
	v23 =	vld [tilespmem:$0x1A890];
	v18 =	vmax.f32 v18, $0.0e+00  }
0x4c8: {  	v17 =	vadd.f32 v22, v17;
	v19 =	vmax.f32 v19, $0.0e+00;
	v22 =	vld [tilespmem:s0+$0x10];
	[tilespmem:s3+$0xF0] =	vst v18  }
0x4c9: {  	v18 =	vld [tilespmem:s0+$0xFFFFFF20];
	[tilespmem:s0+$0xFFFFFF80] =	vst v19;
	v19 =	vmax.f32 v20, $0.0e+00  }
0x4ca: {  	v17 =	vmax.f32 v17, $0.0e+00;
	v20 =	vld [tilespmem:$0x1A890];
	[tilespmem:s0+$0x0] =	vst v19  }
0x4cb: {  	[tilespmem:s0+$0xFFFFFF00] =	vst v17;
	v17 =	vld [tilespmem:$0x1A890]  }
0x4cc: {  	v19 =	vld [tilespmem:$0x1A890];
	v21 =	vadd.f32 v23, v21  }
0x4cd: {  	v23 =	vld [tilespmem:s0+$0xFFFFFFA0]  }
0x4ce: {  	v24 =	vld [tilespmem:s0+$0x20];
	v21 =	vmax.f32 v21, $0.0e+00  }
0x4cf: {  	v15 =	vadd.f32 v20, v15;
	[tilespmem:s0+$0x90] =	vst v21;
	v20 =	vld [tilespmem:s0+$0xA0]  }
0x4d0: {  	v17 =	vadd.f32 v17, v22;
	v21 =	vld [tilespmem:$0x1A8A0]  }
0x4d1: {  	v16 =	vadd.f32 v19, v16;
	v19 =	vld [tilespmem:s0+$0xFFFFFF30];
	v15 =	vmax.f32 v15, $0.0e+00  }
0x4d2: {  	[tilespmem:s0+$0xFFFFFF90] =	vst v15;
	v15 =	vld [tilespmem:s0+$0xFFFFFFB0];
	v17 =	vmax.f32 v17, $0.0e+00  }
0x4d3: {  	v16 =	vmax.f32 v16, $0.0e+00;
	v22 =	vld [tilespmem:$0x1A8A0];
	[tilespmem:s0+$0x10] =	vst v17  }
0x4d4: {  	[tilespmem:s0+$0xFFFFFF10] =	vst v16;
	v16 =	vld [tilespmem:$0x1A8A0]  }
0x4d5: {  	v17 =	vld [tilespmem:$0x1A8A0];
	v20 =	vadd.f32 v21, v20  }
0x4d6: {  	v21 =	vld [tilespmem:s0+$0x30]  }
0x4d7: {  	v25 =	vld [tilespmem:s0+$0xFFFFFF40];
	v20 =	vmax.f32 v20, $0.0e+00  }
0x4d8: {  	v22 =	vadd.f32 v22, v23;
	[tilespmem:s0+$0xA0] =	vst v20;
	v20 =	vld [tilespmem:s0+$0xB0]  }
0x4d9: {  	v16 =	vadd.f32 v16, v24;
	v23 =	vld [tilespmem:$0x1A8B0]  }
0x4da: {  	v17 =	vadd.f32 v17, v18;
	v18 =	vmax.f32 v22, $0.0e+00;
	v22 =	vld [tilespmem:s0+$0xFFFFFFC0]  }
0x4db: {  	[tilespmem:s0+$0xFFFFFFA0] =	vst v18;
	v16 =	vmax.f32 v16, $0.0e+00;
	v18 =	vld [tilespmem:s0+$0x40]  }
0x4dc: {  	v17 =	vmax.f32 v17, $0.0e+00;
	v24 =	vld [tilespmem:$0x1A8B0];
	[tilespmem:s0+$0x20] =	vst v16  }
0x4dd: {  	[tilespmem:s0+$0xFFFFFF20] =	vst v17;
	v16 =	vld [tilespmem:$0x1A8B0]  }
0x4de: {  	v17 =	vld [tilespmem:$0x1A8B0];
	v20 =	vadd.f32 v23, v20  }
0x4df: {  	v23 =	vld [tilespmem:s0+$0xFFFFFF50]  }
0x4e0: {  	v26 =	vld [tilespmem:s0+$0xFFFFFFD0];
	v20 =	vmax.f32 v20, $0.0e+00  }
0x4e1: {  	v15 =	vadd.f32 v24, v15;
	[tilespmem:s0+$0xB0] =	vst v20;
	v20 =	vld [tilespmem:s0+$0xC0]  }
0x4e2: {  	v16 =	vadd.f32 v16, v21;
	v21 =	vld [tilespmem:$0x1A8C0]  }
0x4e3: {  	v17 =	vadd.f32 v17, v19;
	v19 =	vmax.f32 v15, $0.0e+00;
	v24 =	vld [tilespmem:s0+$0x50]  }
0x4e4: {  	v15 =	vld [tilespmem:s0+$0xFFFFFF60];
	[tilespmem:s0+$0xFFFFFFB0] =	vst v19;
	v16 =	vmax.f32 v16, $0.0e+00  }
0x4e5: {  	v17 =	vmax.f32 v17, $0.0e+00;
	v19 =	vld [tilespmem:$0x1A8C0];
	[tilespmem:s0+$0x30] =	vst v16  }
0x4e6: {  	[tilespmem:s0+$0xFFFFFF30] =	vst v17;
	v27 =	vld [tilespmem:$0x1A8C0]  }
0x4e7: {  	v28 =	vld [tilespmem:$0x1A8C0];
	v20 =	vadd.f32 v21, v20  }
0x4e8: {  	v17 =	vld [tilespmem:s0+$0xFFFFFFE0]  }
0x4e9: {  	v16 =	vld [tilespmem:s0+$0x60];
	v20 =	vmax.f32 v20, $0.0e+00  }
0x4ea: {  	v19 =	vadd.f32 v19, v22;
	[tilespmem:s0+$0xC0] =	vst v20;
	v20 =	vld [tilespmem:s0+$0xD0]  }
0x4eb: {  	v18 =	vadd.f32 v27, v18;
	v21 =	vld [tilespmem:$0x1A8D0]  }
0x4ec: {  	v22 =	vadd.f32 v28, v25;
	v19 =	vmax.f32 v19, $0.0e+00;
	v25 =	vld [tilespmem:$0x1A8F0]  }
0x4ed: {  	[tilespmem:s0+$0xFFFFFFC0] =	vst v19;
	v18 =	vmax.f32 v18, $0.0e+00;
	v19 =	vld [tilespmem:$0x1A8F0]  }
0x4ee: {  	v22 =	vmax.f32 v22, $0.0e+00;
	v27 =	vld [tilespmem:$0x1A8D0];
	[tilespmem:s0+$0x40] =	vst v18  }
0x4ef: {  	[tilespmem:s0+$0xFFFFFF40] =	vst v22;
	v18 =	vld [tilespmem:$0x1A8D0]  }
0x4f0: {  	v22 =	vld [tilespmem:$0x1A8D0];
	v20 =	vadd.f32 v21, v20  }
0x4f1: {  	v21 =	vadd.f32 v25, v12;
	v25 =	vld [tilespmem:$0x1A8F0]  }
0x4f2: {  	v12 =	vld [tilespmem:s0+$0xFFFFFF70];
	v20 =	vmax.f32 v20, $0.0e+00;
	v14 =	vadd.f32 v19, v14  }
0x4f3: {  	v19 =	vadd.f32 v27, v26;
	[tilespmem:s0+$0xD0] =	vst v20;
	v26 =	vld [tilespmem:s0+$0xE0];
	v20 =	vmax.f32 v21, $0.0e+00  }
0x4f4: {  	v18 =	vadd.f32 v18, v24;
	v21 =	vld [tilespmem:$0x1A8E0];
	[tilespmem:s3+$0xFFFFFF70] =	vst v20;
	v20 =	vmax.f32 v14, $0.0e+00  }
.Ltmp18:
0x4f5: {  	v22 =	vadd.f32 v22, v23;
	v19 =	vmax.f32 v19, $0.0e+00;
	v14 =	vld [tilespmem:s0+$0xFFFFFFF0];
	[tilespmem:s3+$0xFFFFFFF0] =	vst v20;
	(pc) =	sbr.rel @p1 .LBB2_26-.Ltmp18, $4  }
0x4f6: {  	[tilespmem:s0+$0xFFFFFFD0] =	vst v19;
	v19 =	vmax.f32 v18, $0.0e+00;
	v20 =	vadd.f32 v25, v13;
	v13 =	vld [tilespmem:s0+$0x70]  }
0x4f7: {  	v22 =	vmax.f32 v22, $0.0e+00;
	v18 =	vld [tilespmem:$0x1A8E0];
	[tilespmem:s0+$0x50] =	vst v19  }
0x4f8: {  	[tilespmem:s0+$0xFFFFFF50] =	vst v22;
	v19 =	vld [tilespmem:$0x1A8E0];
	v22 =	vmax.f32 v20, $0.0e+00  }
0x4f9: {  	v20 =	vld [tilespmem:$0x1A8E0];
	v21 =	vadd.f32 v21, v26;
	[tilespmem:s3+$0x70] =	vst v22;
	s3 =	smov.u32 s0  }
0x4fa: {  	_ =	sdelay $0x1  }
0x4fb: {  	v17 =	vadd.f32 v18, v17  }
0x4fc: {  	v21 =	vmax.f32 v21, $0.0e+00;
	v16 =	vadd.f32 v19, v16  }
0x4fd: {  	v55 =	vld [tilespmem:s3+$0xF0];
	[tilespmem:s3+$0xE0] =	vst v21;
	v15 =	vadd.f32 v20, v15;
	v17 =	vmax.f32 v17, $0.0e+00  }
0x4fe: {  	v56 =	vld [tilespmem:$0x1A8F0];
	[tilespmem:s3+$0xFFFFFFE0] =	vst v17;
	v57 =	vmax.f32 v16, $0.0e+00  }
0x4ff: {  	v15 =	vmax.f32 v15, $0.0e+00;
	[tilespmem:s3+$0x60] =	vst v57;
	v59 =	vld [tilespmem:$0x1A8F0]  }
0x500: {  	[tilespmem:s3+$0xFFFFFF60] =	vst v15;
	v60 =	vld [tilespmem:$0x1A8F0]  }
0x501: {  	v58 =	vld [tilespmem:$0x1A8F0];
	_ =	sdelay $0x1  }
0x502: {  	v18 =	vadd.f32 v56, v55  }
0x503: {  	v14 =	vadd.f32 v59, v14  }
0x504: {  	v61 =	vmax.f32 v18, $0.0e+00;
	v13 =	vadd.f32 v60, v13  }
0x505: {  	[tilespmem:s3+$0xF0] =	vst v61;
	v12 =	vadd.f32 v58, v12;
	v62 =	vmax.f32 v14, $0.0e+00  }
0x506: {  	[tilespmem:s3+$0xFFFFFFF0] =	vst v62;
	v63 =	vmax.f32 v13, $0.0e+00  }
0x507: {  	v12 =	vmax.f32 v12, $0.0e+00;
	[tilespmem:s3+$0x70] =	vst v63  }
0x508: {  	s0 =	simm.s32 @p0 $0x400;
	[tilespmem:s3+$0xFFFFFF70] =	vst v12  }
0x509: {  	s7 =	simm.s32 @p0 $0x0;
	s3 =	simm.s32 @p0 $0x800;
	s8 =	rddreg [dreg:$0x7]  }
0x50a: {  	[hbm4b:s8+s0] =	stream.strided.scatter @p0 [tilespmem:s7], [sflag:$0x6], $0x10400, s3, s0, $0x38;
	[tilespmem:$0x1A900] =	vst v63  }
0x50b: {  	s0 =	simm.s32 @p0 $0x6  }
0x50c: {  	_ =	swait.ge @p0 [sflag:s0], $0x10400  }
0x50d: {  	s3 =	simm.s32 @!p0 $0x800;
	s7 =	simm.s32 @!p0 $0x0;
	[sflag:s0] =	ssyncset.done @p0 $0x0  }
0x50e: {  	s8 =	rddreg [dreg:$0x6];
	[sflag:s0] =	ssyncadd.s32 @p0 $0xFFFEFC00;
	s0 =	simm.s32 @!p0 $0x400  }
0x50f: {  	[hbm4b:s8+s0] =	stream.strided.scatter @!p0 [tilespmem:s7], [sflag:$0x6], $0x13C00, s3, s0, $0x38;
	[tilespmem:$0x1A900] =	vst v63  }
0x510: {  	s0 =	simm.s32 @!p0 $0x6  }
0x511: {  	_ =	swait.ge @!p0 [sflag:s0], $0x13C00  }
0x512: {  	s26 =	sadd.s32 $0x1, s26;
	s31 =	rddreg [dreg:$0x8]  }
0x513: {  	p1 =	sne.s32 s26, s31  }
.Ltmp19:
0x514: {  	_ = 	snop;
	(pc) =	sbr.rel @p1 .LBB2_1-.Ltmp19, $3  }
0x515: {  	_ =	sdelay $0x1  }
0x516: {  	[sflag:s0] =	ssyncset.done @!p0 $0x0  }
0x517: {  	[sflag:s0] =	ssyncadd.s32 @!p0 $0xFFFEC400  }
0x518: {  	_ =	sfence.sel $0x180000  }
0x519: {  	[bflag:$0x0] =	sbarrier.arrive $0xFFFF  }
0x51a: {  	_ =	strace $0x90000047  }
0x51b: {  	s0 =	stileid.u32;
	[bflag:$0x2] =	sbarrier.arrive $0xFFFF  }
0x51c: {  	p0 =	sne.s32 s0, $0x0;
	s0 =	rddreg [dreg:$0x4]  }
0x51d: {  	s0 =	sadd.s32 @!p0 $0x100000, s0  }
0x51e: {  	[sflag:s0] =	ssyncadd.tile.s32 @!p0 $0x1;
	_ =	shalt  }
.Lfunc_end2:
_tile_overlayer_lowered:
.L_overlay_start_2:
0x51f: {  	(tag) =	ssettag $0x2  }
0x520: {  	s0 =	rddreg [dreg:$0x0];
	s2 =	stileid.u32  }
0x521: {  	s1 =	rddreg [dreg:$0x1];
	p0 =	sne.s32 s2, $0x0  }
0x522: {  	s3 =	rddreg [dreg:$0x2];
	[bflag:$0x3] =	sbarrier.arrive $0xFFFF;
	s2 =	simm.s32 @!p0 $0x1C06  }
0x523: {  	[timem:s3], [sflag:s2] =	dma.local @!p0 [hbm:s0], s1  }
0x524: {  	s0 =	simm.s32 @!p0 $0x6  }
0x525: {  	_ =	swait.ge @!p0 [sflag:s0], s1  }
0x526: {  	s1 =	ssub.s32 @!p0 $0x0, s1;
	[sflag:s0] =	ssyncset.done @!p0 $0x0  }
0x527: {  	[sflag:s0] =	ssyncadd.s32 @!p0 s1  }
0x528: {  	[bflag:$0x3] =	sbarrier.arrive $0xFFFF  }
0x529: {  	_ =	shalt  }

</sc_bundles>
